<compile_context>
chip_gen: v7x
topology: tpu7x:2x2x1
jax: 0.10.2.dev20260603
libtpu: 0.0.44.dev20260713+nightly
codegen_flags: <defaults>
</compile_context>

<pallas_src>
import functools

import jax
import jax.numpy as jnp
from jax import lax
from jax.experimental import pallas as pl
from jax.experimental.pallas import tpu as pltpu
from jax.experimental.pallas import tpu_sc as plsc

B, S, D, V = 1024, 200, 128, 512
ROWS = B * S
NC, NS = 2, 16
NW = NC * NS
RPW = ROWS // NW
CHUNK = 128
NCHUNK = RPW // CHUNK
LANES = 16
NBUF = 5
PREF = 3
NQ = NCHUNK // NBUF


def _posenc_tc():

    def body(o_ref):
        pos = lax.broadcasted_iota(jnp.int32, (S, D), 0).astype(jnp.float32)
        ch = lax.broadcasted_iota(jnp.int32, (S, D), 1)
        exp2i = ((ch // 2) * 2).astype(jnp.float32)
        inv_freq = jnp.exp(exp2i * (-jnp.log(10000.0) / D))
        ang = pos * inv_freq
        o_ref[...] = jnp.where(ch % 2 == 0, jnp.sin(ang), jnp.cos(ang))

    return pl.pallas_call(
        body, out_shape=jax.ShapeDtypeStruct((S, D), jnp.float32)
    )()


@functools.partial(
    pl.kernel,
    mesh=plsc.VectorSubcoreMesh(core_axis_name="c", subcore_axis_name="s"),
    out_type=jax.ShapeDtypeStruct((ROWS, D), jnp.float32),
    scratch_types=[
        pltpu.VMEM((RPW,), jnp.int32),
        pltpu.VMEM((NBUF, CHUNK, D), jnp.float32),
        pltpu.VMEM((S, D), jnp.float32),
        pltpu.VMEM_SHARED((V, D), jnp.float32),
    ]
    + [pltpu.SemaphoreType.DMA] * (2 * NBUF),
)
def _sc_embed(idx_hbm, w_hbm, pos_hbm, out_hbm, idx_v, dest_v, pos_v, w_sh,
              *sems):
    wid = lax.axis_index("s") * NC + lax.axis_index("c")
    base = wid * RPW
    sem_g = sems[:NBUF]
    sem_s = sems[NBUF:]

    @pl.when(lax.axis_index("s") == 0)
    def _():
        pltpu.sync_copy(w_hbm, w_sh)

    pltpu.sync_copy(pos_hbm, pos_v)
    pltpu.sync_copy(idx_hbm.at[pl.ds(base, RPW)], idx_v)
    plsc.subcore_barrier()

    def out_block(g):
        return out_hbm.at[pl.ds(base + g * CHUNK, CHUNK)]

    def idx_slice(g):
        return idx_v.at[pl.ds(pl.multiple_of(g * CHUNK, CHUNK), CHUNK)]

    def start_gather(g, buf):
        pltpu.async_copy(w_sh.at[idx_slice(g)], dest_v.at[buf], sem_g[buf])

    def wait_gather(buf, g):
        pltpu.make_async_copy(
            w_sh.at[idx_slice(g)], dest_v.at[buf], sem_g[buf]).wait()

    def add_posenc(buf, g):
        p0 = lax.rem(base + g * CHUNK, S)
        n1 = jnp.minimum(S - p0, CHUNK)

        def make_body(pbase):
            def row_body(r, carry2):
                pr = pbase + r
                pvs = [pos_v[pr, pl.ds(j * LANES, LANES)]
                       for j in range(D // LANES)]
                for j in range(D // LANES):
                    plsc.addupdate(
                        dest_v.at[buf, r, pl.ds(j * LANES, LANES)], pvs[j])
                return carry2

            return row_body

        lax.fori_loop(0, n1, make_body(p0), 0)
        lax.fori_loop(n1, CHUNK, make_body(-n1), 0)

    for b in range(PREF):
        start_gather(b, b)

    def ring_body(q, carry):
        for b in range(NBUF):
            g = q * NBUF + b
            wait_gather(b, g)

            def start_next():
                bn = (b + PREF) % NBUF

                def drain_scatter():
                    pltpu.make_async_copy(
                        dest_v.at[bn], out_block(g - (NBUF - PREF)),
                        sem_s[bn]).wait()

                if b < NBUF - PREF:
                    pl.when(q >= 1)(drain_scatter)
                else:
                    drain_scatter()
                start_gather(g + PREF, bn)

            if b < NBUF - PREF:
                start_next()
            else:
                pl.when(q < NQ - 1)(start_next)

            add_posenc(b, g)
            pltpu.async_copy(dest_v.at[b], out_block(g), sem_s[b])
        return carry

    lax.fori_loop(0, NQ, ring_body, 0)

    for b in range(NBUF - PREF):
        g = NCHUNK - (NBUF - PREF) + b
        buf = g % NBUF
        pltpu.make_async_copy(dest_v.at[buf], out_block(g), sem_s[buf]).wait()


def kernel(strength, length, phrase, weight):
    del length, phrase
    pos = _posenc_tc()
    idx_flat = strength.astype(jnp.int32).reshape(ROWS)
    out = _sc_embed(idx_flat, weight.astype(jnp.float32), pos)
    return out.reshape(B, S, D)

# --- scband reference (transcript-rebuilt; emitter-appended) ---
"""Pipeline reference for scband-template-embedding-85177791414773 (READ-ONLY COPY).

The authoritative reference and input builder live on the scoring server;
editing this copy changes nothing except your own understanding.
"""

import jax, jax.numpy as jnp
import numpy as np

PROSODY_SIZE = 512
D_EMBED = 128
BATCH = 1024
SEQ = 200


def setup_inputs(seed: int = 0) -> dict:
    key = jax.random.key(seed)
    k1, k2, k3, k4 = jax.random.split(key, 4)
    strength = jax.random.randint(k1, (BATCH, SEQ), 0, 500, dtype=jnp.int32).astype(jnp.int64) if False else jax.random.randint(k1, (BATCH, SEQ), 0, 500)
    length = jax.random.randint(k2, (BATCH,), 0, 200)
    phrase = jax.random.randint(k3, (BATCH, SEQ), 0, 500)
    # nn.Embedding weight, init normal(0, d_embed**-0.5), padding row 0 zeroed
    weight = jax.random.normal(k4, (PROSODY_SIZE, D_EMBED), dtype=jnp.float32) * (D_EMBED ** -0.5)
    weight = weight.at[0].set(0.0)
    return {"strength": strength, "length": length, "phrase": phrase, "weight": weight}


def _pos_enc_1d(batch, x, ch):
    # PositionalEncoding1D from the positional_encodings package (interleaved sin/cos)
    inv_freq = 1.0 / (10000.0 ** (jnp.arange(0, ch, 2, dtype=jnp.float32) / ch))
    pos = jnp.arange(x, dtype=jnp.float32)
    sin_inp = pos[:, None] * inv_freq[None, :]            # [x, ch//2]
    emb = jnp.stack([jnp.sin(sin_inp), jnp.cos(sin_inp)], axis=-1).reshape(x, ch)
    return jnp.broadcast_to(emb[None, :, :], (batch, x, ch))


def reference(strength, length, phrase, weight):
    # forward: prosody_emb(strength); pos enc; embeds + pos_enc
    # padding_idx=0 -> row 0 forced to zero (mask in forward, matches torch semantics)
    w = weight.at[0].set(0.0)
    embeds = jnp.take(w, strength, axis=0)                # [B, S, D] gather
    pos_enc = _pos_enc_1d(embeds.shape[0], embeds.shape[1], embeds.shape[2])
    return embeds + pos_enc

if __name__ == "__main__":
    import jax
    _d = setup_inputs()
    print(jax.jit(kernel)(*tuple(_d.values())))

</pallas_src>

<mosaic_0001>
#map = affine_map<(d0, d1) -> (0)>
#map1 = affine_map<(d0, d1) -> (0, 0)>
module attributes {stable_mosaic.version = 14 : i64} {
  func.func @_sc_embed(%arg0: i32, %arg1: i32, %arg2: memref<204800xi32, #tpu.memory_space<hbm>>, %arg3: memref<512x128xf32, #tpu.memory_space<hbm>>, %arg4: memref<200x128xf32, #tpu.memory_space<hbm>>, %arg5: memref<204800x128xf32, #tpu.memory_space<hbm>>, %arg6: memref<6400xi32, #tpu.memory_space<vmem>>, %arg7: memref<5x128x128xf32, #tpu.memory_space<vmem>>, %arg8: memref<200x128xf32, #tpu.memory_space<vmem>>, %arg9: memref<512x128xf32, #tpu.memory_space<vmem_shared>>, %arg10: memref<!tpu.dma_semaphore, #tpu.memory_space<semaphore_mem>>, %arg11: memref<!tpu.dma_semaphore, #tpu.memory_space<semaphore_mem>>, %arg12: memref<!tpu.dma_semaphore, #tpu.memory_space<semaphore_mem>>, %arg13: memref<!tpu.dma_semaphore, #tpu.memory_space<semaphore_mem>>, %arg14: memref<!tpu.dma_semaphore, #tpu.memory_space<semaphore_mem>>, %arg15: memref<!tpu.dma_semaphore, #tpu.memory_space<semaphore_mem>>, %arg16: memref<!tpu.dma_semaphore, #tpu.memory_space<semaphore_mem>>, %arg17: memref<!tpu.dma_semaphore, #tpu.memory_space<semaphore_mem>>, %arg18: memref<!tpu.dma_semaphore, #tpu.memory_space<semaphore_mem>>, %arg19: memref<!tpu.dma_semaphore, #tpu.memory_space<semaphore_mem>>) attributes {dimension_semantics = [#tpu.dimension_semantics<core_parallel>, #tpu.dimension_semantics<subcore_parallel>], iteration_bounds = array<i64: 2, 16>, scalar_prefetch = 0 : i64, scratch_operands = 14 : i64, tpu.core_type = #tpu.core_type<sc_vector_subcore>, window_params = [{transform_indices = #map}, {transform_indices = #map1}, {transform_indices = #map1}, {transform_indices = #map1}]} {
    %mul3A = arith.constant 2 : i32
    %mul3A_0 = arith.muli %arg1, %mul3A : i32
    %add3A = arith.addi %mul3A_0, %arg0 : i32
    %mul3A_1 = arith.constant 6400 : i32
    %mul3A_2 = arith.muli %add3A, %mul3A_1 : i32
    %eq3A = arith.constant 0 : i32
    %eq3A_3 = arith.cmpi eq, %arg1, %eq3A : i32
    %convert_element_type3A = arith.extui %eq3A_3 : i1 to i32
    %cond3A = arith.constant 0 : i32
    %cond3A_4 = arith.cmpi ne, %convert_element_type3A, %cond3A : i32
    scf.if %cond3A_4 {
      "tpu.region"() ({
        %run_scoped3A = tpu.sem_alloc : memref<!tpu.dma_semaphore, #tpu.memory_space<semaphore_mem>>
        tpu.enqueue_dma source(%arg3 : memref<512x128xf32, #tpu.memory_space<hbm>>) target(%arg9 : memref<512x128xf32, #tpu.memory_space<vmem_shared>>) target_semaphore(%run_scoped3A : memref<!tpu.dma_semaphore, #tpu.memory_space<semaphore_mem>>)
        tpu.wait_dma2 semaphore(%run_scoped3A : memref<!tpu.dma_semaphore, #tpu.memory_space<semaphore_mem>>) src(%arg3 : memref<512x128xf32, #tpu.memory_space<hbm>>) dst(%arg9 : memref<512x128xf32, #tpu.memory_space<vmem_shared>>)
        tpu.yield
      }) : () -> ()
    } else {
    }
    "tpu.region"() ({
      %run_scoped3A = tpu.sem_alloc : memref<!tpu.dma_semaphore, #tpu.memory_space<semaphore_mem>>
      tpu.enqueue_dma source(%arg4 : memref<200x128xf32, #tpu.memory_space<hbm>>) target(%arg8 : memref<200x128xf32, #tpu.memory_space<vmem>>) target_semaphore(%run_scoped3A : memref<!tpu.dma_semaphore, #tpu.memory_space<semaphore_mem>>)
      tpu.wait_dma2 semaphore(%run_scoped3A : memref<!tpu.dma_semaphore, #tpu.memory_space<semaphore_mem>>) src(%arg4 : memref<200x128xf32, #tpu.memory_space<hbm>>) dst(%arg8 : memref<200x128xf32, #tpu.memory_space<vmem>>)
      tpu.yield
    }) : () -> ()
    "tpu.region"() ({
      %run_scoped3A = tpu.sem_alloc : memref<!tpu.dma_semaphore, #tpu.memory_space<semaphore_mem>>
      %dma_start3A_70 = tpu.memref_slice %arg2[%mul3A_2] : memref<204800xi32, #tpu.memory_space<hbm>> -> memref<6400xi32, #tpu.memory_space<hbm>>
      %dma_start3A_71 = tpu.memref_slice %arg2[%mul3A_2] : memref<204800xi32, #tpu.memory_space<hbm>> -> memref<6400xi32, #tpu.memory_space<hbm>>
      tpu.enqueue_dma source(%dma_start3A_71 : memref<6400xi32, #tpu.memory_space<hbm>>) target(%arg6 : memref<6400xi32, #tpu.memory_space<vmem>>) target_semaphore(%run_scoped3A : memref<!tpu.dma_semaphore, #tpu.memory_space<semaphore_mem>>)
      %dma_wait3A_72 = tpu.memref_slice %arg2[%mul3A_2] : memref<204800xi32, #tpu.memory_space<hbm>> -> memref<6400xi32, #tpu.memory_space<hbm>>
      %dma_wait3A_73 = tpu.memref_slice %arg2[%mul3A_2] : memref<204800xi32, #tpu.memory_space<hbm>> -> memref<6400xi32, #tpu.memory_space<hbm>>
      tpu.wait_dma2 semaphore(%run_scoped3A : memref<!tpu.dma_semaphore, #tpu.memory_space<semaphore_mem>>) src(%dma_wait3A_73 : memref<6400xi32, #tpu.memory_space<hbm>>) dst(%arg6 : memref<6400xi32, #tpu.memory_space<vmem>>)
      tpu.yield
    }) : () -> ()
    %barrier3A = arith.constant 0 : index
    tpu.barrier barrier_id(%barrier3A)
    %multiple_of3A = arith.constant 0 : i32
    %multiple_of3A_5 = tpu.assume_multiple %multiple_of3A, 128 : i32
    %dma_start3A = arith.constant 0 : i32
    %dma_start3A_6 = arith.constant 0 : i32
    %dma_start3A_7 = arith.constant 0 : i32
    %dma_start3A_8 = tpu.memref_slice %arg7[%dma_start3A, %dma_start3A_6, %dma_start3A_7] : memref<5x128x128xf32, #tpu.memory_space<vmem>> -> memref<1x128x128xf32, #tpu.memory_space<vmem>>
    %dma_start3A_9 = tpu.memref_squeeze %dma_start3A_8 : memref<1x128x128xf32, #tpu.memory_space<vmem>> -> memref<128x128xf32, #tpu.memory_space<vmem>>
    %dma_start3A_10 = tpu.memref_slice %arg6[%multiple_of3A_5] : memref<6400xi32, #tpu.memory_space<vmem>> -> memref<128xi32, #tpu.memory_space<vmem>>
    %dma_start3A_11 = arith.constant 0 : i32
    %dma_start3A_12 = arith.constant 0 : i32
    %dma_start3A_13 = tpu.memref_slice %arg9[%dma_start3A_11, %dma_start3A_12] : memref<512x128xf32, #tpu.memory_space<vmem_shared>> -> memref<512x128xf32, #tpu.memory_space<vmem_shared>>
    tpu.enqueue_indirect_dma source(%dma_start3A_13 : memref<512x128xf32, #tpu.memory_space<vmem_shared>>) target(%dma_start3A_9 : memref<128x128xf32, #tpu.memory_space<vmem>>) offsets(%dma_start3A_10 : memref<128xi32, #tpu.memory_space<vmem>>) semaphore(%arg10 : memref<!tpu.dma_semaphore, #tpu.memory_space<semaphore_mem>>)
    %multiple_of3A_14 = arith.constant 128 : i32
    %multiple_of3A_15 = tpu.assume_multiple %multiple_of3A_14, 128 : i32
    %dma_start3A_16 = arith.constant 1 : i32
    %dma_start3A_17 = arith.constant 0 : i32
    %dma_start3A_18 = arith.constant 0 : i32
    %dma_start3A_19 = tpu.memref_slice %arg7[%dma_start3A_16, %dma_start3A_17, %dma_start3A_18] : memref<5x128x128xf32, #tpu.memory_space<vmem>> -> memref<1x128x128xf32, #tpu.memory_space<vmem>>
    %dma_start3A_20 = tpu.memref_squeeze %dma_start3A_19 : memref<1x128x128xf32, #tpu.memory_space<vmem>> -> memref<128x128xf32, #tpu.memory_space<vmem>>
    %dma_start3A_21 = tpu.memref_slice %arg6[%multiple_of3A_15] : memref<6400xi32, #tpu.memory_space<vmem>> -> memref<128xi32, #tpu.memory_space<vmem>>
    %dma_start3A_22 = arith.constant 0 : i32
    %dma_start3A_23 = arith.constant 0 : i32
    %dma_start3A_24 = tpu.memref_slice %arg9[%dma_start3A_22, %dma_start3A_23] : memref<512x128xf32, #tpu.memory_space<vmem_shared>> -> memref<512x128xf32, #tpu.memory_space<vmem_shared>>
    tpu.enqueue_indirect_dma source(%dma_start3A_24 : memref<512x128xf32, #tpu.memory_space<vmem_shared>>) target(%dma_start3A_20 : memref<128x128xf32, #tpu.memory_space<vmem>>) offsets(%dma_start3A_21 : memref<128xi32, #tpu.memory_space<vmem>>) semaphore(%arg11 : memref<!tpu.dma_semaphore, #tpu.memory_space<semaphore_mem>>)
    %multiple_of3A_25 = arith.constant 256 : i32
    %multiple_of3A_26 = tpu.assume_multiple %multiple_of3A_25, 128 : i32
    %dma_start3A_27 = arith.constant 2 : i32
    %dma_start3A_28 = arith.constant 0 : i32
    %dma_start3A_29 = arith.constant 0 : i32
    %dma_start3A_30 = tpu.memref_slice %arg7[%dma_start3A_27, %dma_start3A_28, %dma_start3A_29] : memref<5x128x128xf32, #tpu.memory_space<vmem>> -> memref<1x128x128xf32, #tpu.memory_space<vmem>>
    %dma_start3A_31 = tpu.memref_squeeze %dma_start3A_30 : memref<1x128x128xf32, #tpu.memory_space<vmem>> -> memref<128x128xf32, #tpu.memory_space<vmem>>
    %dma_start3A_32 = tpu.memref_slice %arg6[%multiple_of3A_26] : memref<6400xi32, #tpu.memory_space<vmem>> -> memref<128xi32, #tpu.memory_space<vmem>>
    %dma_start3A_33 = arith.constant 0 : i32
    %dma_start3A_34 = arith.constant 0 : i32
    %dma_start3A_35 = tpu.memref_slice %arg9[%dma_start3A_33, %dma_start3A_34] : memref<512x128xf32, #tpu.memory_space<vmem_shared>> -> memref<512x128xf32, #tpu.memory_space<vmem_shared>>
    tpu.enqueue_indirect_dma source(%dma_start3A_35 : memref<512x128xf32, #tpu.memory_space<vmem_shared>>) target(%dma_start3A_31 : memref<128x128xf32, #tpu.memory_space<vmem>>) offsets(%dma_start3A_32 : memref<128xi32, #tpu.memory_space<vmem>>) semaphore(%arg12 : memref<!tpu.dma_semaphore, #tpu.memory_space<semaphore_mem>>)
    %scan3A = arith.constant 0 : i32
    %scan3A_36 = arith.constant 0 : i32
    %scan3A_37 = arith.constant 10 : i32
    %scan3A_38 = arith.addi %scan3A_36, %scan3A_37 : i32
    %scan3A_39 = arith.constant 1 : i32
    scf.for %scan3A_70 = %scan3A_36 to %scan3A_38 step %scan3A_39  : i32 {
      %mul3A_71 = arith.constant 5 : i32
      %mul3A_72 = arith.muli %scan3A_70, %mul3A_71 : i32
      %add3A_73 = arith.constant 0 : i32
      %add3A_74 = arith.addi %mul3A_72, %add3A_73 : i32
      %mul3A_75 = arith.constant 128 : i32
      %mul3A_76 = arith.muli %add3A_74, %mul3A_75 : i32
      %multiple_of3A_77 = tpu.assume_multiple %mul3A_76, 128 : i32
      %dma_wait3A_78 = arith.constant 0 : i32
      %dma_wait3A_79 = arith.constant 0 : i32
      %dma_wait3A_80 = arith.constant 0 : i32
      %dma_wait3A_81 = tpu.memref_slice %arg7[%dma_wait3A_78, %dma_wait3A_79, %dma_wait3A_80] : memref<5x128x128xf32, #tpu.memory_space<vmem>> -> memref<1x128x128xf32, #tpu.memory_space<vmem>>
      %dma_wait3A_82 = tpu.memref_squeeze %dma_wait3A_81 : memref<1x128x128xf32, #tpu.memory_space<vmem>> -> memref<128x128xf32, #tpu.memory_space<vmem>>
      %dma_wait3A_83 = tpu.memref_slice %arg6[%multiple_of3A_77] : memref<6400xi32, #tpu.memory_space<vmem>> -> memref<128xi32, #tpu.memory_space<vmem>>
      %dma_wait3A_84 = arith.constant 0 : i32
      %dma_wait3A_85 = arith.constant 0 : i32
      %dma_wait3A_86 = tpu.memref_slice %arg9[%dma_wait3A_84, %dma_wait3A_85] : memref<512x128xf32, #tpu.memory_space<vmem_shared>> -> memref<512x128xf32, #tpu.memory_space<vmem_shared>>
      tpu.wait_indirect_dma semaphore(%arg10 : memref<!tpu.dma_semaphore, #tpu.memory_space<semaphore_mem>>) src(%dma_wait3A_86 : memref<512x128xf32, #tpu.memory_space<vmem_shared>>) dst(%dma_wait3A_82 : memref<128x128xf32, #tpu.memory_space<vmem>>)
      %ge3A = arith.constant 1 : i32
      %ge3A_87 = arith.cmpi sge, %scan3A_70, %ge3A : i32
      %convert_element_type3A_88 = arith.extui %ge3A_87 : i1 to i32
      %cond3A_89 = arith.constant 0 : i32
      %cond3A_90 = arith.cmpi ne, %convert_element_type3A_88, %cond3A_89 : i32
      scf.if %cond3A_90 {
        %sub3A_432 = arith.constant 2 : i32
        %sub3A_433 = arith.subi %add3A_74, %sub3A_432 : i32
        %mul3A_434 = arith.constant 128 : i32
        %mul3A_435 = arith.muli %sub3A_433, %mul3A_434 : i32
        %add3A_436 = arith.addi %mul3A_2, %mul3A_435 : i32
        %dma_wait3A_437 = arith.constant 3 : i32
        %dma_wait3A_438 = arith.constant 0 : i32
        %dma_wait3A_439 = arith.constant 0 : i32
        %dma_wait3A_440 = tpu.memref_slice %arg7[%dma_wait3A_437, %dma_wait3A_438, %dma_wait3A_439] : memref<5x128x128xf32, #tpu.memory_space<vmem>> -> memref<1x128x128xf32, #tpu.memory_space<vmem>>
        %dma_wait3A_441 = tpu.memref_squeeze %dma_wait3A_440 : memref<1x128x128xf32, #tpu.memory_space<vmem>> -> memref<128x128xf32, #tpu.memory_space<vmem>>
        %dma_wait3A_442 = arith.constant 0 : i32
        %dma_wait3A_443 = tpu.memref_slice %arg5[%add3A_436, %dma_wait3A_442] : memref<204800x128xf32, #tpu.memory_space<hbm>> -> memref<128x128xf32, #tpu.memory_space<hbm>>
        %dma_wait3A_444 = arith.constant 0 : i32
        %dma_wait3A_445 = tpu.memref_slice %arg5[%add3A_436, %dma_wait3A_444] : memref<204800x128xf32, #tpu.memory_space<hbm>> -> memref<128x128xf32, #tpu.memory_space<hbm>>
        %dma_wait3A_446 = arith.constant 0 : i32
        %dma_wait3A_447 = arith.constant 0 : i32
        %dma_wait3A_448 = tpu.memref_slice %arg7[%dma_wait3A_437, %dma_wait3A_446, %dma_wait3A_447] : memref<5x128x128xf32, #tpu.memory_space<vmem>> -> memref<1x128x128xf32, #tpu.memory_space<vmem>>
        %dma_wait3A_449 = tpu.memref_squeeze %dma_wait3A_448 : memref<1x128x128xf32, #tpu.memory_space<vmem>> -> memref<128x128xf32, #tpu.memory_space<vmem>>
        tpu.wait_dma2 semaphore(%arg18 : memref<!tpu.dma_semaphore, #tpu.memory_space<semaphore_mem>>) src(%dma_wait3A_449 : memref<128x128xf32, #tpu.memory_space<vmem>>) dst(%dma_wait3A_445 : memref<128x128xf32, #tpu.memory_space<hbm>>)
      } else {
      }
      %add3A_91 = arith.constant 3 : i32
      %add3A_92 = arith.addi %add3A_74, %add3A_91 : i32
      %mul3A_93 = arith.constant 128 : i32
      %mul3A_94 = arith.muli %add3A_92, %mul3A_93 : i32
      %multiple_of3A_95 = tpu.assume_multiple %mul3A_94, 128 : i32
      %dma_start3A_96 = arith.constant 3 : i32
      %dma_start3A_97 = arith.constant 0 : i32
      %dma_start3A_98 = arith.constant 0 : i32
      %dma_start3A_99 = tpu.memref_slice %arg7[%dma_start3A_96, %dma_start3A_97, %dma_start3A_98] : memref<5x128x128xf32, #tpu.memory_space<vmem>> -> memref<1x128x128xf32, #tpu.memory_space<vmem>>
      %dma_start3A_100 = tpu.memref_squeeze %dma_start3A_99 : memref<1x128x128xf32, #tpu.memory_space<vmem>> -> memref<128x128xf32, #tpu.memory_space<vmem>>
      %dma_start3A_101 = tpu.memref_slice %arg6[%multiple_of3A_95] : memref<6400xi32, #tpu.memory_space<vmem>> -> memref<128xi32, #tpu.memory_space<vmem>>
      %dma_start3A_102 = arith.constant 0 : i32
      %dma_start3A_103 = arith.constant 0 : i32
      %dma_start3A_104 = tpu.memref_slice %arg9[%dma_start3A_102, %dma_start3A_103] : memref<512x128xf32, #tpu.memory_space<vmem_shared>> -> memref<512x128xf32, #tpu.memory_space<vmem_shared>>
      tpu.enqueue_indirect_dma source(%dma_start3A_104 : memref<512x128xf32, #tpu.memory_space<vmem_shared>>) target(%dma_start3A_100 : memref<128x128xf32, #tpu.memory_space<vmem>>) offsets(%dma_start3A_101 : memref<128xi32, #tpu.memory_space<vmem>>) semaphore(%arg13 : memref<!tpu.dma_semaphore, #tpu.memory_space<semaphore_mem>>)
      %mul3A_105 = arith.constant 128 : i32
      %mul3A_106 = arith.muli %add3A_74, %mul3A_105 : i32
      %add3A_107 = arith.addi %mul3A_2, %mul3A_106 : i32
      %rem3A = arith.constant 200 : i32
      %rem3A_108 = arith.remsi %add3A_107, %rem3A : i32
      %sub3A = arith.constant 200 : i32
      %sub3A_109 = arith.subi %sub3A, %rem3A_108 : i32
      %min3A = arith.constant 128 : i32
      %min3A_110 = arith.minsi %sub3A_109, %min3A : i32
      %while3A = arith.constant 0 : i32
      %while3A_111 = arith.constant 0 : i32
      %while3A_112 = arith.subi %min3A_110, %while3A_111 : i32
      %while3A_113 = arith.addi %while3A_111, %while3A_112 : i32
      %while3A_114 = arith.constant 1 : i32
      %while3A_115 = arith.divsi %while3A_112, %while3A_114 : i32
      %while3A_116 = arith.muli %while3A_115, %while3A_114 : i32
      %while3A_117 = arith.addi %while3A_111, %while3A_116 : i32
      %while3A_118 = arith.constant 1 : i32
      scf.for %while3A_432 = %while3A_111 to %while3A_117 step %while3A_118  : i32 {
        %add3A_433 = arith.addi %rem3A_108, %while3A_432 : i32
        %get3A = arith.index_cast %add3A_433 : i32 to index
        %get3A_434 = arith.constant 0 : index
        %get3A_435 = tpu.vector_load %arg8[%get3A, %get3A_434] {strides = array<i32>} : memref<200x128xf32, #tpu.memory_space<vmem>>, vector<1x16xf32>,
        %get3A_436 = vector.shape_cast %get3A_435 : vector<1x16xf32> to vector<16xf32>
        %get3A_437 = arith.index_cast %add3A_433 : i32 to index
        %get3A_438 = arith.constant 16 : index
        %get3A_439 = tpu.vector_load %arg8[%get3A_437, %get3A_438] {strides = array<i32>} : memref<200x128xf32, #tpu.memory_space<vmem>>, vector<1x16xf32>,
        %get3A_440 = vector.shape_cast %get3A_439 : vector<1x16xf32> to vector<16xf32>
        %get3A_441 = arith.index_cast %add3A_433 : i32 to index
        %get3A_442 = arith.constant 32 : index
        %get3A_443 = tpu.vector_load %arg8[%get3A_441, %get3A_442] {strides = array<i32>} : memref<200x128xf32, #tpu.memory_space<vmem>>, vector<1x16xf32>,
        %get3A_444 = vector.shape_cast %get3A_443 : vector<1x16xf32> to vector<16xf32>
        %get3A_445 = arith.index_cast %add3A_433 : i32 to index
        %get3A_446 = arith.constant 48 : index
        %get3A_447 = tpu.vector_load %arg8[%get3A_445, %get3A_446] {strides = array<i32>} : memref<200x128xf32, #tpu.memory_space<vmem>>, vector<1x16xf32>,
        %get3A_448 = vector.shape_cast %get3A_447 : vector<1x16xf32> to vector<16xf32>
        %get3A_449 = arith.index_cast %add3A_433 : i32 to index
        %get3A_450 = arith.constant 64 : index
        %get3A_451 = tpu.vector_load %arg8[%get3A_449, %get3A_450] {strides = array<i32>} : memref<200x128xf32, #tpu.memory_space<vmem>>, vector<1x16xf32>,
        %get3A_452 = vector.shape_cast %get3A_451 : vector<1x16xf32> to vector<16xf32>
        %get3A_453 = arith.index_cast %add3A_433 : i32 to index
        %get3A_454 = arith.constant 80 : index
        %get3A_455 = tpu.vector_load %arg8[%get3A_453, %get3A_454] {strides = array<i32>} : memref<200x128xf32, #tpu.memory_space<vmem>>, vector<1x16xf32>,
        %get3A_456 = vector.shape_cast %get3A_455 : vector<1x16xf32> to vector<16xf32>
        %get3A_457 = arith.index_cast %add3A_433 : i32 to index
        %get3A_458 = arith.constant 96 : index
        %get3A_459 = tpu.vector_load %arg8[%get3A_457, %get3A_458] {strides = array<i32>} : memref<200x128xf32, #tpu.memory_space<vmem>>, vector<1x16xf32>,
        %get3A_460 = vector.shape_cast %get3A_459 : vector<1x16xf32> to vector<16xf32>
        %get3A_461 = arith.index_cast %add3A_433 : i32 to index
        %get3A_462 = arith.constant 112 : index
        %get3A_463 = tpu.vector_load %arg8[%get3A_461, %get3A_462] {strides = array<i32>} : memref<200x128xf32, #tpu.memory_space<vmem>>, vector<1x16xf32>,
        %get3A_464 = vector.shape_cast %get3A_463 : vector<1x16xf32> to vector<16xf32>
        %swap3A = arith.constant 0 : i32
        %swap3A_465 = arith.index_cast %swap3A : i32 to index
        %swap3A_466 = arith.index_cast %while3A_432 : i32 to index
        %swap3A_467 = arith.constant 0 : index
        %swap3A_468 = tpu.vector_load %arg7[%swap3A_465, %swap3A_466, %swap3A_467] {strides = array<i32>} : memref<5x128x128xf32, #tpu.memory_space<vmem>>, vector<1x1x16xf32>,
        %swap3A_469 = vector.shape_cast %swap3A_468 : vector<1x1x16xf32> to vector<16xf32>
        %swap3A_470 = vector.shape_cast %get3A_436 : vector<16xf32> to vector<1x1x16xf32>
        tpu.vector_store %arg7[%swap3A_465, %swap3A_466, %swap3A_467], %swap3A_470 {add = true, strides = array<i32>} : memref<5x128x128xf32, #tpu.memory_space<vmem>>, vector<1x1x16xf32>,
        %swap3A_471 = arith.constant 0 : i32
        %swap3A_472 = arith.index_cast %swap3A_471 : i32 to index
        %swap3A_473 = arith.index_cast %while3A_432 : i32 to index
        %swap3A_474 = arith.constant 16 : index
        %swap3A_475 = tpu.vector_load %arg7[%swap3A_472, %swap3A_473, %swap3A_474] {strides = array<i32>} : memref<5x128x128xf32, #tpu.memory_space<vmem>>, vector<1x1x16xf32>,
        %swap3A_476 = vector.shape_cast %swap3A_475 : vector<1x1x16xf32> to vector<16xf32>
        %swap3A_477 = vector.shape_cast %get3A_440 : vector<16xf32> to vector<1x1x16xf32>
        tpu.vector_store %arg7[%swap3A_472, %swap3A_473, %swap3A_474], %swap3A_477 {add = true, strides = array<i32>} : memref<5x128x128xf32, #tpu.memory_space<vmem>>, vector<1x1x16xf32>,
        %swap3A_478 = arith.constant 0 : i32
        %swap3A_479 = arith.index_cast %swap3A_478 : i32 to index
        %swap3A_480 = arith.index_cast %while3A_432 : i32 to index
        %swap3A_481 = arith.constant 32 : index
        %swap3A_482 = tpu.vector_load %arg7[%swap3A_479, %swap3A_480, %swap3A_481] {strides = array<i32>} : memref<5x128x128xf32, #tpu.memory_space<vmem>>, vector<1x1x16xf32>,
        %swap3A_483 = vector.shape_cast %swap3A_482 : vector<1x1x16xf32> to vector<16xf32>
        %swap3A_484 = vector.shape_cast %get3A_444 : vector<16xf32> to vector<1x1x16xf32>
        tpu.vector_store %arg7[%swap3A_479, %swap3A_480, %swap3A_481], %swap3A_484 {add = true, strides = array<i32>} : memref<5x128x128xf32, #tpu.memory_space<vmem>>, vector<1x1x16xf32>,
        %swap3A_485 = arith.constant 0 : i32
        %swap3A_486 = arith.index_cast %swap3A_485 : i32 to index
        %swap3A_487 = arith.index_cast %while3A_432 : i32 to index
        %swap3A_488 = arith.constant 48 : index
        %swap3A_489 = tpu.vector_load %arg7[%swap3A_486, %swap3A_487, %swap3A_488] {strides = array<i32>} : memref<5x128x128xf32, #tpu.memory_space<vmem>>, vector<1x1x16xf32>,
        %swap3A_490 = vector.shape_cast %swap3A_489 : vector<1x1x16xf32> to vector<16xf32>
        %swap3A_491 = vector.shape_cast %get3A_448 : vector<16xf32> to vector<1x1x16xf32>
        tpu.vector_store %arg7[%swap3A_486, %swap3A_487, %swap3A_488], %swap3A_491 {add = true, strides = array<i32>} : memref<5x128x128xf32, #tpu.memory_space<vmem>>, vector<1x1x16xf32>,
        %swap3A_492 = arith.constant 0 : i32
        %swap3A_493 = arith.index_cast %swap3A_492 : i32 to index
        %swap3A_494 = arith.index_cast %while3A_432 : i32 to index
        %swap3A_495 = arith.constant 64 : index
        %swap3A_496 = tpu.vector_load %arg7[%swap3A_493, %swap3A_494, %swap3A_495] {strides = array<i32>} : memref<5x128x128xf32, #tpu.memory_space<vmem>>, vector<1x1x16xf32>,
        %swap3A_497 = vector.shape_cast %swap3A_496 : vector<1x1x16xf32> to vector<16xf32>
        %swap3A_498 = vector.shape_cast %get3A_452 : vector<16xf32> to vector<1x1x16xf32>
        tpu.vector_store %arg7[%swap3A_493, %swap3A_494, %swap3A_495], %swap3A_498 {add = true, strides = array<i32>} : memref<5x128x128xf32, #tpu.memory_space<vmem>>, vector<1x1x16xf32>,
        %swap3A_499 = arith.constant 0 : i32
        %swap3A_500 = arith.index_cast %swap3A_499 : i32 to index
        %swap3A_501 = arith.index_cast %while3A_432 : i32 to index
        %swap3A_502 = arith.constant 80 : index
        %swap3A_503 = tpu.vector_load %arg7[%swap3A_500, %swap3A_501, %swap3A_502] {strides = array<i32>} : memref<5x128x128xf32, #tpu.memory_space<vmem>>, vector<1x1x16xf32>,
        %swap3A_504 = vector.shape_cast %swap3A_503 : vector<1x1x16xf32> to vector<16xf32>
        %swap3A_505 = vector.shape_cast %get3A_456 : vector<16xf32> to vector<1x1x16xf32>
        tpu.vector_store %arg7[%swap3A_500, %swap3A_501, %swap3A_502], %swap3A_505 {add = true, strides = array<i32>} : memref<5x128x128xf32, #tpu.memory_space<vmem>>, vector<1x1x16xf32>,
        %swap3A_506 = arith.constant 0 : i32
        %swap3A_507 = arith.index_cast %swap3A_506 : i32 to index
        %swap3A_508 = arith.index_cast %while3A_432 : i32 to index
        %swap3A_509 = arith.constant 96 : index
        %swap3A_510 = tpu.vector_load %arg7[%swap3A_507, %swap3A_508, %swap3A_509] {strides = array<i32>} : memref<5x128x128xf32, #tpu.memory_space<vmem>>, vector<1x1x16xf32>,
        %swap3A_511 = vector.shape_cast %swap3A_510 : vector<1x1x16xf32> to vector<16xf32>
        %swap3A_512 = vector.shape_cast %get3A_460 : vector<16xf32> to vector<1x1x16xf32>
        tpu.vector_store %arg7[%swap3A_507, %swap3A_508, %swap3A_509], %swap3A_512 {add = true, strides = array<i32>} : memref<5x128x128xf32, #tpu.memory_space<vmem>>, vector<1x1x16xf32>,
        %swap3A_513 = arith.constant 0 : i32
        %swap3A_514 = arith.index_cast %swap3A_513 : i32 to index
        %swap3A_515 = arith.index_cast %while3A_432 : i32 to index
        %swap3A_516 = arith.constant 112 : index
        %swap3A_517 = tpu.vector_load %arg7[%swap3A_514, %swap3A_515, %swap3A_516] {strides = array<i32>} : memref<5x128x128xf32, #tpu.memory_space<vmem>>, vector<1x1x16xf32>,
        %swap3A_518 = vector.shape_cast %swap3A_517 : vector<1x1x16xf32> to vector<16xf32>
        %swap3A_519 = vector.shape_cast %get3A_464 : vector<16xf32> to vector<1x1x16xf32>
        tpu.vector_store %arg7[%swap3A_514, %swap3A_515, %swap3A_516], %swap3A_519 {add = true, strides = array<i32>} : memref<5x128x128xf32, #tpu.memory_space<vmem>>, vector<1x1x16xf32>,
      }
      %while3A_119 = arith.constant 1 : i32
      scf.for %while3A_432 = %while3A_117 to %while3A_113 step %while3A_119  : i32 {
        %add3A_433 = arith.addi %rem3A_108, %while3A_432 : i32
        %get3A = arith.index_cast %add3A_433 : i32 to index
        %get3A_434 = arith.constant 0 : index
        %get3A_435 = tpu.vector_load %arg8[%get3A, %get3A_434] {strides = array<i32>} : memref<200x128xf32, #tpu.memory_space<vmem>>, vector<1x16xf32>,
        %get3A_436 = vector.shape_cast %get3A_435 : vector<1x16xf32> to vector<16xf32>
        %get3A_437 = arith.index_cast %add3A_433 : i32 to index
        %get3A_438 = arith.constant 16 : index
        %get3A_439 = tpu.vector_load %arg8[%get3A_437, %get3A_438] {strides = array<i32>} : memref<200x128xf32, #tpu.memory_space<vmem>>, vector<1x16xf32>,
        %get3A_440 = vector.shape_cast %get3A_439 : vector<1x16xf32> to vector<16xf32>
        %get3A_441 = arith.index_cast %add3A_433 : i32 to index
        %get3A_442 = arith.constant 32 : index
        %get3A_443 = tpu.vector_load %arg8[%get3A_441, %get3A_442] {strides = array<i32>} : memref<200x128xf32, #tpu.memory_space<vmem>>, vector<1x16xf32>,
        %get3A_444 = vector.shape_cast %get3A_443 : vector<1x16xf32> to vector<16xf32>
        %get3A_445 = arith.index_cast %add3A_433 : i32 to index
        %get3A_446 = arith.constant 48 : index
        %get3A_447 = tpu.vector_load %arg8[%get3A_445, %get3A_446] {strides = array<i32>} : memref<200x128xf32, #tpu.memory_space<vmem>>, vector<1x16xf32>,
        %get3A_448 = vector.shape_cast %get3A_447 : vector<1x16xf32> to vector<16xf32>
        %get3A_449 = arith.index_cast %add3A_433 : i32 to index
        %get3A_450 = arith.constant 64 : index
        %get3A_451 = tpu.vector_load %arg8[%get3A_449, %get3A_450] {strides = array<i32>} : memref<200x128xf32, #tpu.memory_space<vmem>>, vector<1x16xf32>,
        %get3A_452 = vector.shape_cast %get3A_451 : vector<1x16xf32> to vector<16xf32>
        %get3A_453 = arith.index_cast %add3A_433 : i32 to index
        %get3A_454 = arith.constant 80 : index
        %get3A_455 = tpu.vector_load %arg8[%get3A_453, %get3A_454] {strides = array<i32>} : memref<200x128xf32, #tpu.memory_space<vmem>>, vector<1x16xf32>,
        %get3A_456 = vector.shape_cast %get3A_455 : vector<1x16xf32> to vector<16xf32>
        %get3A_457 = arith.index_cast %add3A_433 : i32 to index
        %get3A_458 = arith.constant 96 : index
        %get3A_459 = tpu.vector_load %arg8[%get3A_457, %get3A_458] {strides = array<i32>} : memref<200x128xf32, #tpu.memory_space<vmem>>, vector<1x16xf32>,
        %get3A_460 = vector.shape_cast %get3A_459 : vector<1x16xf32> to vector<16xf32>
        %get3A_461 = arith.index_cast %add3A_433 : i32 to index
        %get3A_462 = arith.constant 112 : index
        %get3A_463 = tpu.vector_load %arg8[%get3A_461, %get3A_462] {strides = array<i32>} : memref<200x128xf32, #tpu.memory_space<vmem>>, vector<1x16xf32>,
        %get3A_464 = vector.shape_cast %get3A_463 : vector<1x16xf32> to vector<16xf32>
        %swap3A = arith.constant 0 : i32
        %swap3A_465 = arith.index_cast %swap3A : i32 to index
        %swap3A_466 = arith.index_cast %while3A_432 : i32 to index
        %swap3A_467 = arith.constant 0 : index
        %swap3A_468 = tpu.vector_load %arg7[%swap3A_465, %swap3A_466, %swap3A_467] {strides = array<i32>} : memref<5x128x128xf32, #tpu.memory_space<vmem>>, vector<1x1x16xf32>,
        %swap3A_469 = vector.shape_cast %swap3A_468 : vector<1x1x16xf32> to vector<16xf32>
        %swap3A_470 = vector.shape_cast %get3A_436 : vector<16xf32> to vector<1x1x16xf32>
        tpu.vector_store %arg7[%swap3A_465, %swap3A_466, %swap3A_467], %swap3A_470 {add = true, strides = array<i32>} : memref<5x128x128xf32, #tpu.memory_space<vmem>>, vector<1x1x16xf32>,
        %swap3A_471 = arith.constant 0 : i32
        %swap3A_472 = arith.index_cast %swap3A_471 : i32 to index
        %swap3A_473 = arith.index_cast %while3A_432 : i32 to index
        %swap3A_474 = arith.constant 16 : index
        %swap3A_475 = tpu.vector_load %arg7[%swap3A_472, %swap3A_473, %swap3A_474] {strides = array<i32>} : memref<5x128x128xf32, #tpu.memory_space<vmem>>, vector<1x1x16xf32>,
        %swap3A_476 = vector.shape_cast %swap3A_475 : vector<1x1x16xf32> to vector<16xf32>
        %swap3A_477 = vector.shape_cast %get3A_440 : vector<16xf32> to vector<1x1x16xf32>
        tpu.vector_store %arg7[%swap3A_472, %swap3A_473, %swap3A_474], %swap3A_477 {add = true, strides = array<i32>} : memref<5x128x128xf32, #tpu.memory_space<vmem>>, vector<1x1x16xf32>,
        %swap3A_478 = arith.constant 0 : i32
        %swap3A_479 = arith.index_cast %swap3A_478 : i32 to index
        %swap3A_480 = arith.index_cast %while3A_432 : i32 to index
        %swap3A_481 = arith.constant 32 : index
        %swap3A_482 = tpu.vector_load %arg7[%swap3A_479, %swap3A_480, %swap3A_481] {strides = array<i32>} : memref<5x128x128xf32, #tpu.memory_space<vmem>>, vector<1x1x16xf32>,
        %swap3A_483 = vector.shape_cast %swap3A_482 : vector<1x1x16xf32> to vector<16xf32>
        %swap3A_484 = vector.shape_cast %get3A_444 : vector<16xf32> to vector<1x1x16xf32>
        tpu.vector_store %arg7[%swap3A_479, %swap3A_480, %swap3A_481], %swap3A_484 {add = true, strides = array<i32>} : memref<5x128x128xf32, #tpu.memory_space<vmem>>, vector<1x1x16xf32>,
        %swap3A_485 = arith.constant 0 : i32
        %swap3A_486 = arith.index_cast %swap3A_485 : i32 to index
        %swap3A_487 = arith.index_cast %while3A_432 : i32 to index
        %swap3A_488 = arith.constant 48 : index
        %swap3A_489 = tpu.vector_load %arg7[%swap3A_486, %swap3A_487, %swap3A_488] {strides = array<i32>} : memref<5x128x128xf32, #tpu.memory_space<vmem>>, vector<1x1x16xf32>,
        %swap3A_490 = vector.shape_cast %swap3A_489 : vector<1x1x16xf32> to vector<16xf32>
        %swap3A_491 = vector.shape_cast %get3A_448 : vector<16xf32> to vector<1x1x16xf32>
        tpu.vector_store %arg7[%swap3A_486, %swap3A_487, %swap3A_488], %swap3A_491 {add = true, strides = array<i32>} : memref<5x128x128xf32, #tpu.memory_space<vmem>>, vector<1x1x16xf32>,
        %swap3A_492 = arith.constant 0 : i32
        %swap3A_493 = arith.index_cast %swap3A_492 : i32 to index
        %swap3A_494 = arith.index_cast %while3A_432 : i32 to index
        %swap3A_495 = arith.constant 64 : index
        %swap3A_496 = tpu.vector_load %arg7[%swap3A_493, %swap3A_494, %swap3A_495] {strides = array<i32>} : memref<5x128x128xf32, #tpu.memory_space<vmem>>, vector<1x1x16xf32>,
        %swap3A_497 = vector.shape_cast %swap3A_496 : vector<1x1x16xf32> to vector<16xf32>
        %swap3A_498 = vector.shape_cast %get3A_452 : vector<16xf32> to vector<1x1x16xf32>
        tpu.vector_store %arg7[%swap3A_493, %swap3A_494, %swap3A_495], %swap3A_498 {add = true, strides = array<i32>} : memref<5x128x128xf32, #tpu.memory_space<vmem>>, vector<1x1x16xf32>,
        %swap3A_499 = arith.constant 0 : i32
        %swap3A_500 = arith.index_cast %swap3A_499 : i32 to index
        %swap3A_501 = arith.index_cast %while3A_432 : i32 to index
        %swap3A_502 = arith.constant 80 : index
        %swap3A_503 = tpu.vector_load %arg7[%swap3A_500, %swap3A_501, %swap3A_502] {strides = array<i32>} : memref<5x128x128xf32, #tpu.memory_space<vmem>>, vector<1x1x16xf32>,
        %swap3A_504 = vector.shape_cast %swap3A_503 : vector<1x1x16xf32> to vector<16xf32>
        %swap3A_505 = vector.shape_cast %get3A_456 : vector<16xf32> to vector<1x1x16xf32>
        tpu.vector_store %arg7[%swap3A_500, %swap3A_501, %swap3A_502], %swap3A_505 {add = true, strides = array<i32>} : memref<5x128x128xf32, #tpu.memory_space<vmem>>, vector<1x1x16xf32>,
        %swap3A_506 = arith.constant 0 : i32
        %swap3A_507 = arith.index_cast %swap3A_506 : i32 to index
        %swap3A_508 = arith.index_cast %while3A_432 : i32 to index
        %swap3A_509 = arith.constant 96 : index
        %swap3A_510 = tpu.vector_load %arg7[%swap3A_507, %swap3A_508, %swap3A_509] {strides = array<i32>} : memref<5x128x128xf32, #tpu.memory_space<vmem>>, vector<1x1x16xf32>,
        %swap3A_511 = vector.shape_cast %swap3A_510 : vector<1x1x16xf32> to vector<16xf32>
        %swap3A_512 = vector.shape_cast %get3A_460 : vector<16xf32> to vector<1x1x16xf32>
        tpu.vector_store %arg7[%swap3A_507, %swap3A_508, %swap3A_509], %swap3A_512 {add = true, strides = array<i32>} : memref<5x128x128xf32, #tpu.memory_space<vmem>>, vector<1x1x16xf32>,
        %swap3A_513 = arith.constant 0 : i32
        %swap3A_514 = arith.index_cast %swap3A_513 : i32 to index
        %swap3A_515 = arith.index_cast %while3A_432 : i32 to index
        %swap3A_516 = arith.constant 112 : index
        %swap3A_517 = tpu.vector_load %arg7[%swap3A_514, %swap3A_515, %swap3A_516] {strides = array<i32>} : memref<5x128x128xf32, #tpu.memory_space<vmem>>, vector<1x1x16xf32>,
        %swap3A_518 = vector.shape_cast %swap3A_517 : vector<1x1x16xf32> to vector<16xf32>
        %swap3A_519 = vector.shape_cast %get3A_464 : vector<16xf32> to vector<1x1x16xf32>
        tpu.vector_store %arg7[%swap3A_514, %swap3A_515, %swap3A_516], %swap3A_519 {add = true, strides = array<i32>} : memref<5x128x128xf32, #tpu.memory_space<vmem>>, vector<1x1x16xf32>,
      }
      %neg3A = arith.constant 0 : i32
      %neg3A_120 = arith.subi %neg3A, %min3A_110 : i32
      %while3A_121 = arith.constant 0 : i32
      %while3A_122 = arith.constant 128 : i32
      %while3A_123 = arith.subi %while3A_122, %min3A_110 : i32
      %while3A_124 = arith.addi %min3A_110, %while3A_123 : i32
      %while3A_125 = arith.constant 1 : i32
      %while3A_126 = arith.divsi %while3A_123, %while3A_125 : i32
      %while3A_127 = arith.muli %while3A_126, %while3A_125 : i32
      %while3A_128 = arith.addi %min3A_110, %while3A_127 : i32
      %while3A_129 = arith.constant 1 : i32
      scf.for %while3A_432 = %min3A_110 to %while3A_128 step %while3A_129  : i32 {
        %add3A_433 = arith.addi %neg3A_120, %while3A_432 : i32
        %get3A = arith.index_cast %add3A_433 : i32 to index
        %get3A_434 = arith.constant 0 : index
        %get3A_435 = tpu.vector_load %arg8[%get3A, %get3A_434] {strides = array<i32>} : memref<200x128xf32, #tpu.memory_space<vmem>>, vector<1x16xf32>,
        %get3A_436 = vector.shape_cast %get3A_435 : vector<1x16xf32> to vector<16xf32>
        %get3A_437 = arith.index_cast %add3A_433 : i32 to index
        %get3A_438 = arith.constant 16 : index
        %get3A_439 = tpu.vector_load %arg8[%get3A_437, %get3A_438] {strides = array<i32>} : memref<200x128xf32, #tpu.memory_space<vmem>>, vector<1x16xf32>,
        %get3A_440 = vector.shape_cast %get3A_439 : vector<1x16xf32> to vector<16xf32>
        %get3A_441 = arith.index_cast %add3A_433 : i32 to index
        %get3A_442 = arith.constant 32 : index
        %get3A_443 = tpu.vector_load %arg8[%get3A_441, %get3A_442] {strides = array<i32>} : memref<200x128xf32, #tpu.memory_space<vmem>>, vector<1x16xf32>,
        %get3A_444 = vector.shape_cast %get3A_443 : vector<1x16xf32> to vector<16xf32>
        %get3A_445 = arith.index_cast %add3A_433 : i32 to index
        %get3A_446 = arith.constant 48 : index
        %get3A_447 = tpu.vector_load %arg8[%get3A_445, %get3A_446] {strides = array<i32>} : memref<200x128xf32, #tpu.memory_space<vmem>>, vector<1x16xf32>,
        %get3A_448 = vector.shape_cast %get3A_447 : vector<1x16xf32> to vector<16xf32>
        %get3A_449 = arith.index_cast %add3A_433 : i32 to index
        %get3A_450 = arith.constant 64 : index
        %get3A_451 = tpu.vector_load %arg8[%get3A_449, %get3A_450] {strides = array<i32>} : memref<200x128xf32, #tpu.memory_space<vmem>>, vector<1x16xf32>,
        %get3A_452 = vector.shape_cast %get3A_451 : vector<1x16xf32> to vector<16xf32>
        %get3A_453 = arith.index_cast %add3A_433 : i32 to index
        %get3A_454 = arith.constant 80 : index
        %get3A_455 = tpu.vector_load %arg8[%get3A_453, %get3A_454] {strides = array<i32>} : memref<200x128xf32, #tpu.memory_space<vmem>>, vector<1x16xf32>,
        %get3A_456 = vector.shape_cast %get3A_455 : vector<1x16xf32> to vector<16xf32>
        %get3A_457 = arith.index_cast %add3A_433 : i32 to index
        %get3A_458 = arith.constant 96 : index
        %get3A_459 = tpu.vector_load %arg8[%get3A_457, %get3A_458] {strides = array<i32>} : memref<200x128xf32, #tpu.memory_space<vmem>>, vector<1x16xf32>,
        %get3A_460 = vector.shape_cast %get3A_459 : vector<1x16xf32> to vector<16xf32>
        %get3A_461 = arith.index_cast %add3A_433 : i32 to index
        %get3A_462 = arith.constant 112 : index
        %get3A_463 = tpu.vector_load %arg8[%get3A_461, %get3A_462] {strides = array<i32>} : memref<200x128xf32, #tpu.memory_space<vmem>>, vector<1x16xf32>,
        %get3A_464 = vector.shape_cast %get3A_463 : vector<1x16xf32> to vector<16xf32>
        %swap3A = arith.constant 0 : i32
        %swap3A_465 = arith.index_cast %swap3A : i32 to index
        %swap3A_466 = arith.index_cast %while3A_432 : i32 to index
        %swap3A_467 = arith.constant 0 : index
        %swap3A_468 = tpu.vector_load %arg7[%swap3A_465, %swap3A_466, %swap3A_467] {strides = array<i32>} : memref<5x128x128xf32, #tpu.memory_space<vmem>>, vector<1x1x16xf32>,
        %swap3A_469 = vector.shape_cast %swap3A_468 : vector<1x1x16xf32> to vector<16xf32>
        %swap3A_470 = vector.shape_cast %get3A_436 : vector<16xf32> to vector<1x1x16xf32>
        tpu.vector_store %arg7[%swap3A_465, %swap3A_466, %swap3A_467], %swap3A_470 {add = true, strides = array<i32>} : memref<5x128x128xf32, #tpu.memory_space<vmem>>, vector<1x1x16xf32>,
        %swap3A_471 = arith.constant 0 : i32
        %swap3A_472 = arith.index_cast %swap3A_471 : i32 to index
        %swap3A_473 = arith.index_cast %while3A_432 : i32 to index
        %swap3A_474 = arith.constant 16 : index
        %swap3A_475 = tpu.vector_load %arg7[%swap3A_472, %swap3A_473, %swap3A_474] {strides = array<i32>} : memref<5x128x128xf32, #tpu.memory_space<vmem>>, vector<1x1x16xf32>,
        %swap3A_476 = vector.shape_cast %swap3A_475 : vector<1x1x16xf32> to vector<16xf32>
        %swap3A_477 = vector.shape_cast %get3A_440 : vector<16xf32> to vector<1x1x16xf32>
        tpu.vector_store %arg7[%swap3A_472, %swap3A_473, %swap3A_474], %swap3A_477 {add = true, strides = array<i32>} : memref<5x128x128xf32, #tpu.memory_space<vmem>>, vector<1x1x16xf32>,
        %swap3A_478 = arith.constant 0 : i32
        %swap3A_479 = arith.index_cast %swap3A_478 : i32 to index
        %swap3A_480 = arith.index_cast %while3A_432 : i32 to index
        %swap3A_481 = arith.constant 32 : index
        %swap3A_482 = tpu.vector_load %arg7[%swap3A_479, %swap3A_480, %swap3A_481] {strides = array<i32>} : memref<5x128x128xf32, #tpu.memory_space<vmem>>, vector<1x1x16xf32>,
        %swap3A_483 = vector.shape_cast %swap3A_482 : vector<1x1x16xf32> to vector<16xf32>
        %swap3A_484 = vector.shape_cast %get3A_444 : vector<16xf32> to vector<1x1x16xf32>
        tpu.vector_store %arg7[%swap3A_479, %swap3A_480, %swap3A_481], %swap3A_484 {add = true, strides = array<i32>} : memref<5x128x128xf32, #tpu.memory_space<vmem>>, vector<1x1x16xf32>,
        %swap3A_485 = arith.constant 0 : i32
        %swap3A_486 = arith.index_cast %swap3A_485 : i32 to index
        %swap3A_487 = arith.index_cast %while3A_432 : i32 to index
        %swap3A_488 = arith.constant 48 : index
        %swap3A_489 = tpu.vector_load %arg7[%swap3A_486, %swap3A_487, %swap3A_488] {strides = array<i32>} : memref<5x128x128xf32, #tpu.memory_space<vmem>>, vector<1x1x16xf32>,
        %swap3A_490 = vector.shape_cast %swap3A_489 : vector<1x1x16xf32> to vector<16xf32>
        %swap3A_491 = vector.shape_cast %get3A_448 : vector<16xf32> to vector<1x1x16xf32>
        tpu.vector_store %arg7[%swap3A_486, %swap3A_487, %swap3A_488], %swap3A_491 {add = true, strides = array<i32>} : memref<5x128x128xf32, #tpu.memory_space<vmem>>, vector<1x1x16xf32>,
        %swap3A_492 = arith.constant 0 : i32
        %swap3A_493 = arith.index_cast %swap3A_492 : i32 to index
        %swap3A_494 = arith.index_cast %while3A_432 : i32 to index
        %swap3A_495 = arith.constant 64 : index
        %swap3A_496 = tpu.vector_load %arg7[%swap3A_493, %swap3A_494, %swap3A_495] {strides = array<i32>} : memref<5x128x128xf32, #tpu.memory_space<vmem>>, vector<1x1x16xf32>,
        %swap3A_497 = vector.shape_cast %swap3A_496 : vector<1x1x16xf32> to vector<16xf32>
        %swap3A_498 = vector.shape_cast %get3A_452 : vector<16xf32> to vector<1x1x16xf32>
        tpu.vector_store %arg7[%swap3A_493, %swap3A_494, %swap3A_495], %swap3A_498 {add = true, strides = array<i32>} : memref<5x128x128xf32, #tpu.memory_space<vmem>>, vector<1x1x16xf32>,
        %swap3A_499 = arith.constant 0 : i32
        %swap3A_500 = arith.index_cast %swap3A_499 : i32 to index
        %swap3A_501 = arith.index_cast %while3A_432 : i32 to index
        %swap3A_502 = arith.constant 80 : index
        %swap3A_503 = tpu.vector_load %arg7[%swap3A_500, %swap3A_501, %swap3A_502] {strides = array<i32>} : memref<5x128x128xf32, #tpu.memory_space<vmem>>, vector<1x1x16xf32>,
        %swap3A_504 = vector.shape_cast %swap3A_503 : vector<1x1x16xf32> to vector<16xf32>
        %swap3A_505 = vector.shape_cast %get3A_456 : vector<16xf32> to vector<1x1x16xf32>
        tpu.vector_store %arg7[%swap3A_500, %swap3A_501, %swap3A_502], %swap3A_505 {add = true, strides = array<i32>} : memref<5x128x128xf32, #tpu.memory_space<vmem>>, vector<1x1x16xf32>,
        %swap3A_506 = arith.constant 0 : i32
        %swap3A_507 = arith.index_cast %swap3A_506 : i32 to index
        %swap3A_508 = arith.index_cast %while3A_432 : i32 to index
        %swap3A_509 = arith.constant 96 : index
        %swap3A_510 = tpu.vector_load %arg7[%swap3A_507, %swap3A_508, %swap3A_509] {strides = array<i32>} : memref<5x128x128xf32, #tpu.memory_space<vmem>>, vector<1x1x16xf32>,
        %swap3A_511 = vector.shape_cast %swap3A_510 : vector<1x1x16xf32> to vector<16xf32>
        %swap3A_512 = vector.shape_cast %get3A_460 : vector<16xf32> to vector<1x1x16xf32>
        tpu.vector_store %arg7[%swap3A_507, %swap3A_508, %swap3A_509], %swap3A_512 {add = true, strides = array<i32>} : memref<5x128x128xf32, #tpu.memory_space<vmem>>, vector<1x1x16xf32>,
        %swap3A_513 = arith.constant 0 : i32
        %swap3A_514 = arith.index_cast %swap3A_513 : i32 to index
        %swap3A_515 = arith.index_cast %while3A_432 : i32 to index
        %swap3A_516 = arith.constant 112 : index
        %swap3A_517 = tpu.vector_load %arg7[%swap3A_514, %swap3A_515, %swap3A_516] {strides = array<i32>} : memref<5x128x128xf32, #tpu.memory_space<vmem>>, vector<1x1x16xf32>,
        %swap3A_518 = vector.shape_cast %swap3A_517 : vector<1x1x16xf32> to vector<16xf32>
        %swap3A_519 = vector.shape_cast %get3A_464 : vector<16xf32> to vector<1x1x16xf32>
        tpu.vector_store %arg7[%swap3A_514, %swap3A_515, %swap3A_516], %swap3A_519 {add = true, strides = array<i32>} : memref<5x128x128xf32, #tpu.memory_space<vmem>>, vector<1x1x16xf32>,
      }
      %while3A_130 = arith.constant 1 : i32
      scf.for %while3A_432 = %while3A_128 to %while3A_124 step %while3A_130  : i32 {
        %add3A_433 = arith.addi %neg3A_120, %while3A_432 : i32
        %get3A = arith.index_cast %add3A_433 : i32 to index
        %get3A_434 = arith.constant 0 : index
        %get3A_435 = tpu.vector_load %arg8[%get3A, %get3A_434] {strides = array<i32>} : memref<200x128xf32, #tpu.memory_space<vmem>>, vector<1x16xf32>,
        %get3A_436 = vector.shape_cast %get3A_435 : vector<1x16xf32> to vector<16xf32>
        %get3A_437 = arith.index_cast %add3A_433 : i32 to index
        %get3A_438 = arith.constant 16 : index
        %get3A_439 = tpu.vector_load %arg8[%get3A_437, %get3A_438] {strides = array<i32>} : memref<200x128xf32, #tpu.memory_space<vmem>>, vector<1x16xf32>,
        %get3A_440 = vector.shape_cast %get3A_439 : vector<1x16xf32> to vector<16xf32>
        %get3A_441 = arith.index_cast %add3A_433 : i32 to index
        %get3A_442 = arith.constant 32 : index
        %get3A_443 = tpu.vector_load %arg8[%get3A_441, %get3A_442] {strides = array<i32>} : memref<200x128xf32, #tpu.memory_space<vmem>>, vector<1x16xf32>,
        %get3A_444 = vector.shape_cast %get3A_443 : vector<1x16xf32> to vector<16xf32>
        %get3A_445 = arith.index_cast %add3A_433 : i32 to index
        %get3A_446 = arith.constant 48 : index
        %get3A_447 = tpu.vector_load %arg8[%get3A_445, %get3A_446] {strides = array<i32>} : memref<200x128xf32, #tpu.memory_space<vmem>>, vector<1x16xf32>,
        %get3A_448 = vector.shape_cast %get3A_447 : vector<1x16xf32> to vector<16xf32>
        %get3A_449 = arith.index_cast %add3A_433 : i32 to index
        %get3A_450 = arith.constant 64 : index
        %get3A_451 = tpu.vector_load %arg8[%get3A_449, %get3A_450] {strides = array<i32>} : memref<200x128xf32, #tpu.memory_space<vmem>>, vector<1x16xf32>,
        %get3A_452 = vector.shape_cast %get3A_451 : vector<1x16xf32> to vector<16xf32>
        %get3A_453 = arith.index_cast %add3A_433 : i32 to index
        %get3A_454 = arith.constant 80 : index
        %get3A_455 = tpu.vector_load %arg8[%get3A_453, %get3A_454] {strides = array<i32>} : memref<200x128xf32, #tpu.memory_space<vmem>>, vector<1x16xf32>,
        %get3A_456 = vector.shape_cast %get3A_455 : vector<1x16xf32> to vector<16xf32>
        %get3A_457 = arith.index_cast %add3A_433 : i32 to index
        %get3A_458 = arith.constant 96 : index
        %get3A_459 = tpu.vector_load %arg8[%get3A_457, %get3A_458] {strides = array<i32>} : memref<200x128xf32, #tpu.memory_space<vmem>>, vector<1x16xf32>,
        %get3A_460 = vector.shape_cast %get3A_459 : vector<1x16xf32> to vector<16xf32>
        %get3A_461 = arith.index_cast %add3A_433 : i32 to index
        %get3A_462 = arith.constant 112 : index
        %get3A_463 = tpu.vector_load %arg8[%get3A_461, %get3A_462] {strides = array<i32>} : memref<200x128xf32, #tpu.memory_space<vmem>>, vector<1x16xf32>,
        %get3A_464 = vector.shape_cast %get3A_463 : vector<1x16xf32> to vector<16xf32>
        %swap3A = arith.constant 0 : i32
        %swap3A_465 = arith.index_cast %swap3A : i32 to index
        %swap3A_466 = arith.index_cast %while3A_432 : i32 to index
        %swap3A_467 = arith.constant 0 : index
        %swap3A_468 = tpu.vector_load %arg7[%swap3A_465, %swap3A_466, %swap3A_467] {strides = array<i32>} : memref<5x128x128xf32, #tpu.memory_space<vmem>>, vector<1x1x16xf32>,
        %swap3A_469 = vector.shape_cast %swap3A_468 : vector<1x1x16xf32> to vector<16xf32>
        %swap3A_470 = vector.shape_cast %get3A_436 : vector<16xf32> to vector<1x1x16xf32>
        tpu.vector_store %arg7[%swap3A_465, %swap3A_466, %swap3A_467], %swap3A_470 {add = true, strides = array<i32>} : memref<5x128x128xf32, #tpu.memory_space<vmem>>, vector<1x1x16xf32>,
        %swap3A_471 = arith.constant 0 : i32
        %swap3A_472 = arith.index_cast %swap3A_471 : i32 to index
        %swap3A_473 = arith.index_cast %while3A_432 : i32 to index
        %swap3A_474 = arith.constant 16 : index
        %swap3A_475 = tpu.vector_load %arg7[%swap3A_472, %swap3A_473, %swap3A_474] {strides = array<i32>} : memref<5x128x128xf32, #tpu.memory_space<vmem>>, vector<1x1x16xf32>,
        %swap3A_476 = vector.shape_cast %swap3A_475 : vector<1x1x16xf32> to vector<16xf32>
        %swap3A_477 = vector.shape_cast %get3A_440 : vector<16xf32> to vector<1x1x16xf32>
        tpu.vector_store %arg7[%swap3A_472, %swap3A_473, %swap3A_474], %swap3A_477 {add = true, strides = array<i32>} : memref<5x128x128xf32, #tpu.memory_space<vmem>>, vector<1x1x16xf32>,
        %swap3A_478 = arith.constant 0 : i32
        %swap3A_479 = arith.index_cast %swap3A_478 : i32 to index
        %swap3A_480 = arith.index_cast %while3A_432 : i32 to index
        %swap3A_481 = arith.constant 32 : index
        %swap3A_482 = tpu.vector_load %arg7[%swap3A_479, %swap3A_480, %swap3A_481] {strides = array<i32>} : memref<5x128x128xf32, #tpu.memory_space<vmem>>, vector<1x1x16xf32>,
        %swap3A_483 = vector.shape_cast %swap3A_482 : vector<1x1x16xf32> to vector<16xf32>
        %swap3A_484 = vector.shape_cast %get3A_444 : vector<16xf32> to vector<1x1x16xf32>
        tpu.vector_store %arg7[%swap3A_479, %swap3A_480, %swap3A_481], %swap3A_484 {add = true, strides = array<i32>} : memref<5x128x128xf32, #tpu.memory_space<vmem>>, vector<1x1x16xf32>,
        %swap3A_485 = arith.constant 0 : i32
        %swap3A_486 = arith.index_cast %swap3A_485 : i32 to index
        %swap3A_487 = arith.index_cast %while3A_432 : i32 to index
        %swap3A_488 = arith.constant 48 : index
        %swap3A_489 = tpu.vector_load %arg7[%swap3A_486, %swap3A_487, %swap3A_488] {strides = array<i32>} : memref<5x128x128xf32, #tpu.memory_space<vmem>>, vector<1x1x16xf32>,
        %swap3A_490 = vector.shape_cast %swap3A_489 : vector<1x1x16xf32> to vector<16xf32>
        %swap3A_491 = vector.shape_cast %get3A_448 : vector<16xf32> to vector<1x1x16xf32>
        tpu.vector_store %arg7[%swap3A_486, %swap3A_487, %swap3A_488], %swap3A_491 {add = true, strides = array<i32>} : memref<5x128x128xf32, #tpu.memory_space<vmem>>, vector<1x1x16xf32>,
        %swap3A_492 = arith.constant 0 : i32
        %swap3A_493 = arith.index_cast %swap3A_492 : i32 to index
        %swap3A_494 = arith.index_cast %while3A_432 : i32 to index
        %swap3A_495 = arith.constant 64 : index
        %swap3A_496 = tpu.vector_load %arg7[%swap3A_493, %swap3A_494, %swap3A_495] {strides = array<i32>} : memref<5x128x128xf32, #tpu.memory_space<vmem>>, vector<1x1x16xf32>,
        %swap3A_497 = vector.shape_cast %swap3A_496 : vector<1x1x16xf32> to vector<16xf32>
        %swap3A_498 = vector.shape_cast %get3A_452 : vector<16xf32> to vector<1x1x16xf32>
        tpu.vector_store %arg7[%swap3A_493, %swap3A_494, %swap3A_495], %swap3A_498 {add = true, strides = array<i32>} : memref<5x128x128xf32, #tpu.memory_space<vmem>>, vector<1x1x16xf32>,
        %swap3A_499 = arith.constant 0 : i32
        %swap3A_500 = arith.index_cast %swap3A_499 : i32 to index
        %swap3A_501 = arith.index_cast %while3A_432 : i32 to index
        %swap3A_502 = arith.constant 80 : index
        %swap3A_503 = tpu.vector_load %arg7[%swap3A_500, %swap3A_501, %swap3A_502] {strides = array<i32>} : memref<5x128x128xf32, #tpu.memory_space<vmem>>, vector<1x1x16xf32>,
        %swap3A_504 = vector.shape_cast %swap3A_503 : vector<1x1x16xf32> to vector<16xf32>
        %swap3A_505 = vector.shape_cast %get3A_456 : vector<16xf32> to vector<1x1x16xf32>
        tpu.vector_store %arg7[%swap3A_500, %swap3A_501, %swap3A_502], %swap3A_505 {add = true, strides = array<i32>} : memref<5x128x128xf32, #tpu.memory_space<vmem>>, vector<1x1x16xf32>,
        %swap3A_506 = arith.constant 0 : i32
        %swap3A_507 = arith.index_cast %swap3A_506 : i32 to index
        %swap3A_508 = arith.index_cast %while3A_432 : i32 to index
        %swap3A_509 = arith.constant 96 : index
        %swap3A_510 = tpu.vector_load %arg7[%swap3A_507, %swap3A_508, %swap3A_509] {strides = array<i32>} : memref<5x128x128xf32, #tpu.memory_space<vmem>>, vector<1x1x16xf32>,
        %swap3A_511 = vector.shape_cast %swap3A_510 : vector<1x1x16xf32> to vector<16xf32>
        %swap3A_512 = vector.shape_cast %get3A_460 : vector<16xf32> to vector<1x1x16xf32>
        tpu.vector_store %arg7[%swap3A_507, %swap3A_508, %swap3A_509], %swap3A_512 {add = true, strides = array<i32>} : memref<5x128x128xf32, #tpu.memory_space<vmem>>, vector<1x1x16xf32>,
        %swap3A_513 = arith.constant 0 : i32
        %swap3A_514 = arith.index_cast %swap3A_513 : i32 to index
        %swap3A_515 = arith.index_cast %while3A_432 : i32 to index
        %swap3A_516 = arith.constant 112 : index
        %swap3A_517 = tpu.vector_load %arg7[%swap3A_514, %swap3A_515, %swap3A_516] {strides = array<i32>} : memref<5x128x128xf32, #tpu.memory_space<vmem>>, vector<1x1x16xf32>,
        %swap3A_518 = vector.shape_cast %swap3A_517 : vector<1x1x16xf32> to vector<16xf32>
        %swap3A_519 = vector.shape_cast %get3A_464 : vector<16xf32> to vector<1x1x16xf32>
        tpu.vector_store %arg7[%swap3A_514, %swap3A_515, %swap3A_516], %swap3A_519 {add = true, strides = array<i32>} : memref<5x128x128xf32, #tpu.memory_space<vmem>>, vector<1x1x16xf32>,
      }
      %mul3A_131 = arith.constant 128 : i32
      %mul3A_132 = arith.muli %add3A_74, %mul3A_131 : i32
      %add3A_133 = arith.addi %mul3A_2, %mul3A_132 : i32
      %dma_start3A_134 = arith.constant 0 : i32
      %dma_start3A_135 = arith.constant 0 : i32
      %dma_start3A_136 = arith.constant 0 : i32
      %dma_start3A_137 = tpu.memref_slice %arg7[%dma_start3A_134, %dma_start3A_135, %dma_start3A_136] : memref<5x128x128xf32, #tpu.memory_space<vmem>> -> memref<1x128x128xf32, #tpu.memory_space<vmem>>
      %dma_start3A_138 = tpu.memref_squeeze %dma_start3A_137 : memref<1x128x128xf32, #tpu.memory_space<vmem>> -> memref<128x128xf32, #tpu.memory_space<vmem>>
      %dma_start3A_139 = arith.constant 0 : i32
      %dma_start3A_140 = tpu.memref_slice %arg5[%add3A_133, %dma_start3A_139] : memref<204800x128xf32, #tpu.memory_space<hbm>> -> memref<128x128xf32, #tpu.memory_space<hbm>>
      %dma_start3A_141 = arith.constant 0 : i32
      %dma_start3A_142 = tpu.memref_slice %arg5[%add3A_133, %dma_start3A_141] : memref<204800x128xf32, #tpu.memory_space<hbm>> -> memref<128x128xf32, #tpu.memory_space<hbm>>
      %dma_start3A_143 = arith.constant 0 : i32
      %dma_start3A_144 = arith.constant 0 : i32
      %dma_start3A_145 = tpu.memref_slice %arg7[%dma_start3A_134, %dma_start3A_143, %dma_start3A_144] : memref<5x128x128xf32, #tpu.memory_space<vmem>> -> memref<1x128x128xf32, #tpu.memory_space<vmem>>
      %dma_start3A_146 = tpu.memref_squeeze %dma_start3A_145 : memref<1x128x128xf32, #tpu.memory_space<vmem>> -> memref<128x128xf32, #tpu.memory_space<vmem>>
      tpu.enqueue_dma source(%dma_start3A_146 : memref<128x128xf32, #tpu.memory_space<vmem>>) target(%dma_start3A_142 : memref<128x128xf32, #tpu.memory_space<hbm>>) target_semaphore(%arg15 : memref<!tpu.dma_semaphore, #tpu.memory_space<semaphore_mem>>)
      %mul3A_147 = arith.constant 5 : i32
      %mul3A_148 = arith.muli %scan3A_70, %mul3A_147 : i32
      %add3A_149 = arith.constant 1 : i32
      %add3A_150 = arith.addi %mul3A_148, %add3A_149 : i32
      %mul3A_151 = arith.constant 128 : i32
      %mul3A_152 = arith.muli %add3A_150, %mul3A_151 : i32
      %multiple_of3A_153 = tpu.assume_multiple %mul3A_152, 128 : i32
      %dma_wait3A_154 = arith.constant 1 : i32
      %dma_wait3A_155 = arith.constant 0 : i32
      %dma_wait3A_156 = arith.constant 0 : i32
      %dma_wait3A_157 = tpu.memref_slice %arg7[%dma_wait3A_154, %dma_wait3A_155, %dma_wait3A_156] : memref<5x128x128xf32, #tpu.memory_space<vmem>> -> memref<1x128x128xf32, #tpu.memory_space<vmem>>
      %dma_wait3A_158 = tpu.memref_squeeze %dma_wait3A_157 : memref<1x128x128xf32, #tpu.memory_space<vmem>> -> memref<128x128xf32, #tpu.memory_space<vmem>>
      %dma_wait3A_159 = tpu.memref_slice %arg6[%multiple_of3A_153] : memref<6400xi32, #tpu.memory_space<vmem>> -> memref<128xi32, #tpu.memory_space<vmem>>
      %dma_wait3A_160 = arith.constant 0 : i32
      %dma_wait3A_161 = arith.constant 0 : i32
      %dma_wait3A_162 = tpu.memref_slice %arg9[%dma_wait3A_160, %dma_wait3A_161] : memref<512x128xf32, #tpu.memory_space<vmem_shared>> -> memref<512x128xf32, #tpu.memory_space<vmem_shared>>
      tpu.wait_indirect_dma semaphore(%arg11 : memref<!tpu.dma_semaphore, #tpu.memory_space<semaphore_mem>>) src(%dma_wait3A_162 : memref<512x128xf32, #tpu.memory_space<vmem_shared>>) dst(%dma_wait3A_158 : memref<128x128xf32, #tpu.memory_space<vmem>>)
      %ge3A_163 = arith.constant 1 : i32
      %ge3A_164 = arith.cmpi sge, %scan3A_70, %ge3A_163 : i32
      %convert_element_type3A_165 = arith.extui %ge3A_164 : i1 to i32
      %cond3A_166 = arith.constant 0 : i32
      %cond3A_167 = arith.cmpi ne, %convert_element_type3A_165, %cond3A_166 : i32
      scf.if %cond3A_167 {
        %sub3A_432 = arith.constant 2 : i32
        %sub3A_433 = arith.subi %add3A_150, %sub3A_432 : i32
        %mul3A_434 = arith.constant 128 : i32
        %mul3A_435 = arith.muli %sub3A_433, %mul3A_434 : i32
        %add3A_436 = arith.addi %mul3A_2, %mul3A_435 : i32
        %dma_wait3A_437 = arith.constant 4 : i32
        %dma_wait3A_438 = arith.constant 0 : i32
        %dma_wait3A_439 = arith.constant 0 : i32
        %dma_wait3A_440 = tpu.memref_slice %arg7[%dma_wait3A_437, %dma_wait3A_438, %dma_wait3A_439] : memref<5x128x128xf32, #tpu.memory_space<vmem>> -> memref<1x128x128xf32, #tpu.memory_space<vmem>>
        %dma_wait3A_441 = tpu.memref_squeeze %dma_wait3A_440 : memref<1x128x128xf32, #tpu.memory_space<vmem>> -> memref<128x128xf32, #tpu.memory_space<vmem>>
        %dma_wait3A_442 = arith.constant 0 : i32
        %dma_wait3A_443 = tpu.memref_slice %arg5[%add3A_436, %dma_wait3A_442] : memref<204800x128xf32, #tpu.memory_space<hbm>> -> memref<128x128xf32, #tpu.memory_space<hbm>>
        %dma_wait3A_444 = arith.constant 0 : i32
        %dma_wait3A_445 = tpu.memref_slice %arg5[%add3A_436, %dma_wait3A_444] : memref<204800x128xf32, #tpu.memory_space<hbm>> -> memref<128x128xf32, #tpu.memory_space<hbm>>
        %dma_wait3A_446 = arith.constant 0 : i32
        %dma_wait3A_447 = arith.constant 0 : i32
        %dma_wait3A_448 = tpu.memref_slice %arg7[%dma_wait3A_437, %dma_wait3A_446, %dma_wait3A_447] : memref<5x128x128xf32, #tpu.memory_space<vmem>> -> memref<1x128x128xf32, #tpu.memory_space<vmem>>
        %dma_wait3A_449 = tpu.memref_squeeze %dma_wait3A_448 : memref<1x128x128xf32, #tpu.memory_space<vmem>> -> memref<128x128xf32, #tpu.memory_space<vmem>>
        tpu.wait_dma2 semaphore(%arg19 : memref<!tpu.dma_semaphore, #tpu.memory_space<semaphore_mem>>) src(%dma_wait3A_449 : memref<128x128xf32, #tpu.memory_space<vmem>>) dst(%dma_wait3A_445 : memref<128x128xf32, #tpu.memory_space<hbm>>)
      } else {
      }
      %add3A_168 = arith.constant 3 : i32
      %add3A_169 = arith.addi %add3A_150, %add3A_168 : i32
      %mul3A_170 = arith.constant 128 : i32
      %mul3A_171 = arith.muli %add3A_169, %mul3A_170 : i32
      %multiple_of3A_172 = tpu.assume_multiple %mul3A_171, 128 : i32
      %dma_start3A_173 = arith.constant 4 : i32
      %dma_start3A_174 = arith.constant 0 : i32
      %dma_start3A_175 = arith.constant 0 : i32
      %dma_start3A_176 = tpu.memref_slice %arg7[%dma_start3A_173, %dma_start3A_174, %dma_start3A_175] : memref<5x128x128xf32, #tpu.memory_space<vmem>> -> memref<1x128x128xf32, #tpu.memory_space<vmem>>
      %dma_start3A_177 = tpu.memref_squeeze %dma_start3A_176 : memref<1x128x128xf32, #tpu.memory_space<vmem>> -> memref<128x128xf32, #tpu.memory_space<vmem>>
      %dma_start3A_178 = tpu.memref_slice %arg6[%multiple_of3A_172] : memref<6400xi32, #tpu.memory_space<vmem>> -> memref<128xi32, #tpu.memory_space<vmem>>
      %dma_start3A_179 = arith.constant 0 : i32
      %dma_start3A_180 = arith.constant 0 : i32
      %dma_start3A_181 = tpu.memref_slice %arg9[%dma_start3A_179, %dma_start3A_180] : memref<512x128xf32, #tpu.memory_space<vmem_shared>> -> memref<512x128xf32, #tpu.memory_space<vmem_shared>>
      tpu.enqueue_indirect_dma source(%dma_start3A_181 : memref<512x128xf32, #tpu.memory_space<vmem_shared>>) target(%dma_start3A_177 : memref<128x128xf32, #tpu.memory_space<vmem>>) offsets(%dma_start3A_178 : memref<128xi32, #tpu.memory_space<vmem>>) semaphore(%arg14 : memref<!tpu.dma_semaphore, #tpu.memory_space<semaphore_mem>>)
      %mul3A_182 = arith.constant 128 : i32
      %mul3A_183 = arith.muli %add3A_150, %mul3A_182 : i32
      %add3A_184 = arith.addi %mul3A_2, %mul3A_183 : i32
      %rem3A_185 = arith.constant 200 : i32
      %rem3A_186 = arith.remsi %add3A_184, %rem3A_185 : i32
      %sub3A_187 = arith.constant 200 : i32
      %sub3A_188 = arith.subi %sub3A_187, %rem3A_186 : i32
      %min3A_189 = arith.constant 128 : i32
      %min3A_190 = arith.minsi %sub3A_188, %min3A_189 : i32
      %while3A_191 = arith.constant 0 : i32
      %while3A_192 = arith.constant 0 : i32
      %while3A_193 = arith.subi %min3A_190, %while3A_192 : i32
      %while3A_194 = arith.addi %while3A_192, %while3A_193 : i32
      %while3A_195 = arith.constant 1 : i32
      %while3A_196 = arith.divsi %while3A_193, %while3A_195 : i32
      %while3A_197 = arith.muli %while3A_196, %while3A_195 : i32
      %while3A_198 = arith.addi %while3A_192, %while3A_197 : i32
      %while3A_199 = arith.constant 1 : i32
      scf.for %while3A_432 = %while3A_192 to %while3A_198 step %while3A_199  : i32 {
        %add3A_433 = arith.addi %rem3A_186, %while3A_432 : i32
        %get3A = arith.index_cast %add3A_433 : i32 to index
        %get3A_434 = arith.constant 0 : index
        %get3A_435 = tpu.vector_load %arg8[%get3A, %get3A_434] {strides = array<i32>} : memref<200x128xf32, #tpu.memory_space<vmem>>, vector<1x16xf32>,
        %get3A_436 = vector.shape_cast %get3A_435 : vector<1x16xf32> to vector<16xf32>
        %get3A_437 = arith.index_cast %add3A_433 : i32 to index
        %get3A_438 = arith.constant 16 : index
        %get3A_439 = tpu.vector_load %arg8[%get3A_437, %get3A_438] {strides = array<i32>} : memref<200x128xf32, #tpu.memory_space<vmem>>, vector<1x16xf32>,
        %get3A_440 = vector.shape_cast %get3A_439 : vector<1x16xf32> to vector<16xf32>
        %get3A_441 = arith.index_cast %add3A_433 : i32 to index
        %get3A_442 = arith.constant 32 : index
        %get3A_443 = tpu.vector_load %arg8[%get3A_441, %get3A_442] {strides = array<i32>} : memref<200x128xf32, #tpu.memory_space<vmem>>, vector<1x16xf32>,
        %get3A_444 = vector.shape_cast %get3A_443 : vector<1x16xf32> to vector<16xf32>
        %get3A_445 = arith.index_cast %add3A_433 : i32 to index
        %get3A_446 = arith.constant 48 : index
        %get3A_447 = tpu.vector_load %arg8[%get3A_445, %get3A_446] {strides = array<i32>} : memref<200x128xf32, #tpu.memory_space<vmem>>, vector<1x16xf32>,
        %get3A_448 = vector.shape_cast %get3A_447 : vector<1x16xf32> to vector<16xf32>
        %get3A_449 = arith.index_cast %add3A_433 : i32 to index
        %get3A_450 = arith.constant 64 : index
        %get3A_451 = tpu.vector_load %arg8[%get3A_449, %get3A_450] {strides = array<i32>} : memref<200x128xf32, #tpu.memory_space<vmem>>, vector<1x16xf32>,
        %get3A_452 = vector.shape_cast %get3A_451 : vector<1x16xf32> to vector<16xf32>
        %get3A_453 = arith.index_cast %add3A_433 : i32 to index
        %get3A_454 = arith.constant 80 : index
        %get3A_455 = tpu.vector_load %arg8[%get3A_453, %get3A_454] {strides = array<i32>} : memref<200x128xf32, #tpu.memory_space<vmem>>, vector<1x16xf32>,
        %get3A_456 = vector.shape_cast %get3A_455 : vector<1x16xf32> to vector<16xf32>
        %get3A_457 = arith.index_cast %add3A_433 : i32 to index
        %get3A_458 = arith.constant 96 : index
        %get3A_459 = tpu.vector_load %arg8[%get3A_457, %get3A_458] {strides = array<i32>} : memref<200x128xf32, #tpu.memory_space<vmem>>, vector<1x16xf32>,
        %get3A_460 = vector.shape_cast %get3A_459 : vector<1x16xf32> to vector<16xf32>
        %get3A_461 = arith.index_cast %add3A_433 : i32 to index
        %get3A_462 = arith.constant 112 : index
        %get3A_463 = tpu.vector_load %arg8[%get3A_461, %get3A_462] {strides = array<i32>} : memref<200x128xf32, #tpu.memory_space<vmem>>, vector<1x16xf32>,
        %get3A_464 = vector.shape_cast %get3A_463 : vector<1x16xf32> to vector<16xf32>
        %swap3A = arith.constant 1 : i32
        %swap3A_465 = arith.index_cast %swap3A : i32 to index
        %swap3A_466 = arith.index_cast %while3A_432 : i32 to index
        %swap3A_467 = arith.constant 0 : index
        %swap3A_468 = tpu.vector_load %arg7[%swap3A_465, %swap3A_466, %swap3A_467] {strides = array<i32>} : memref<5x128x128xf32, #tpu.memory_space<vmem>>, vector<1x1x16xf32>,
        %swap3A_469 = vector.shape_cast %swap3A_468 : vector<1x1x16xf32> to vector<16xf32>
        %swap3A_470 = vector.shape_cast %get3A_436 : vector<16xf32> to vector<1x1x16xf32>
        tpu.vector_store %arg7[%swap3A_465, %swap3A_466, %swap3A_467], %swap3A_470 {add = true, strides = array<i32>} : memref<5x128x128xf32, #tpu.memory_space<vmem>>, vector<1x1x16xf32>,
        %swap3A_471 = arith.constant 1 : i32
        %swap3A_472 = arith.index_cast %swap3A_471 : i32 to index
        %swap3A_473 = arith.index_cast %while3A_432 : i32 to index
        %swap3A_474 = arith.constant 16 : index
        %swap3A_475 = tpu.vector_load %arg7[%swap3A_472, %swap3A_473, %swap3A_474] {strides = array<i32>} : memref<5x128x128xf32, #tpu.memory_space<vmem>>, vector<1x1x16xf32>,
        %swap3A_476 = vector.shape_cast %swap3A_475 : vector<1x1x16xf32> to vector<16xf32>
        %swap3A_477 = vector.shape_cast %get3A_440 : vector<16xf32> to vector<1x1x16xf32>
        tpu.vector_store %arg7[%swap3A_472, %swap3A_473, %swap3A_474], %swap3A_477 {add = true, strides = array<i32>} : memref<5x128x128xf32, #tpu.memory_space<vmem>>, vector<1x1x16xf32>,
        %swap3A_478 = arith.constant 1 : i32
        %swap3A_479 = arith.index_cast %swap3A_478 : i32 to index
        %swap3A_480 = arith.index_cast %while3A_432 : i32 to index
        %swap3A_481 = arith.constant 32 : index
        %swap3A_482 = tpu.vector_load %arg7[%swap3A_479, %swap3A_480, %swap3A_481] {strides = array<i32>} : memref<5x128x128xf32, #tpu.memory_space<vmem>>, vector<1x1x16xf32>,
        %swap3A_483 = vector.shape_cast %swap3A_482 : vector<1x1x16xf32> to vector<16xf32>
        %swap3A_484 = vector.shape_cast %get3A_444 : vector<16xf32> to vector<1x1x16xf32>
        tpu.vector_store %arg7[%swap3A_479, %swap3A_480, %swap3A_481], %swap3A_484 {add = true, strides = array<i32>} : memref<5x128x128xf32, #tpu.memory_space<vmem>>, vector<1x1x16xf32>,
        %swap3A_485 = arith.constant 1 : i32
        %swap3A_486 = arith.index_cast %swap3A_485 : i32 to index
        %swap3A_487 = arith.index_cast %while3A_432 : i32 to index
        %swap3A_488 = arith.constant 48 : index
        %swap3A_489 = tpu.vector_load %arg7[%swap3A_486, %swap3A_487, %swap3A_488] {strides = array<i32>} : memref<5x128x128xf32, #tpu.memory_space<vmem>>, vector<1x1x16xf32>,
        %swap3A_490 = vector.shape_cast %swap3A_489 : vector<1x1x16xf32> to vector<16xf32>
        %swap3A_491 = vector.shape_cast %get3A_448 : vector<16xf32> to vector<1x1x16xf32>
        tpu.vector_store %arg7[%swap3A_486, %swap3A_487, %swap3A_488], %swap3A_491 {add = true, strides = array<i32>} : memref<5x128x128xf32, #tpu.memory_space<vmem>>, vector<1x1x16xf32>,
        %swap3A_492 = arith.constant 1 : i32
        %swap3A_493 = arith.index_cast %swap3A_492 : i32 to index
        %swap3A_494 = arith.index_cast %while3A_432 : i32 to index
        %swap3A_495 = arith.constant 64 : index
        %swap3A_496 = tpu.vector_load %arg7[%swap3A_493, %swap3A_494, %swap3A_495] {strides = array<i32>} : memref<5x128x128xf32, #tpu.memory_space<vmem>>, vector<1x1x16xf32>,
        %swap3A_497 = vector.shape_cast %swap3A_496 : vector<1x1x16xf32> to vector<16xf32>
        %swap3A_498 = vector.shape_cast %get3A_452 : vector<16xf32> to vector<1x1x16xf32>
        tpu.vector_store %arg7[%swap3A_493, %swap3A_494, %swap3A_495], %swap3A_498 {add = true, strides = array<i32>} : memref<5x128x128xf32, #tpu.memory_space<vmem>>, vector<1x1x16xf32>,
        %swap3A_499 = arith.constant 1 : i32
        %swap3A_500 = arith.index_cast %swap3A_499 : i32 to index
        %swap3A_501 = arith.index_cast %while3A_432 : i32 to index
        %swap3A_502 = arith.constant 80 : index
        %swap3A_503 = tpu.vector_load %arg7[%swap3A_500, %swap3A_501, %swap3A_502] {strides = array<i32>} : memref<5x128x128xf32, #tpu.memory_space<vmem>>, vector<1x1x16xf32>,
        %swap3A_504 = vector.shape_cast %swap3A_503 : vector<1x1x16xf32> to vector<16xf32>
        %swap3A_505 = vector.shape_cast %get3A_456 : vector<16xf32> to vector<1x1x16xf32>
        tpu.vector_store %arg7[%swap3A_500, %swap3A_501, %swap3A_502], %swap3A_505 {add = true, strides = array<i32>} : memref<5x128x128xf32, #tpu.memory_space<vmem>>, vector<1x1x16xf32>,
        %swap3A_506 = arith.constant 1 : i32
        %swap3A_507 = arith.index_cast %swap3A_506 : i32 to index
        %swap3A_508 = arith.index_cast %while3A_432 : i32 to index
        %swap3A_509 = arith.constant 96 : index
        %swap3A_510 = tpu.vector_load %arg7[%swap3A_507, %swap3A_508, %swap3A_509] {strides = array<i32>} : memref<5x128x128xf32, #tpu.memory_space<vmem>>, vector<1x1x16xf32>,
        %swap3A_511 = vector.shape_cast %swap3A_510 : vector<1x1x16xf32> to vector<16xf32>
        %swap3A_512 = vector.shape_cast %get3A_460 : vector<16xf32> to vector<1x1x16xf32>
        tpu.vector_store %arg7[%swap3A_507, %swap3A_508, %swap3A_509], %swap3A_512 {add = true, strides = array<i32>} : memref<5x128x128xf32, #tpu.memory_space<vmem>>, vector<1x1x16xf32>,
        %swap3A_513 = arith.constant 1 : i32
        %swap3A_514 = arith.index_cast %swap3A_513 : i32 to index
        %swap3A_515 = arith.index_cast %while3A_432 : i32 to index
        %swap3A_516 = arith.constant 112 : index
        %swap3A_517 = tpu.vector_load %arg7[%swap3A_514, %swap3A_515, %swap3A_516] {strides = array<i32>} : memref<5x128x128xf32, #tpu.memory_space<vmem>>, vector<1x1x16xf32>,
        %swap3A_518 = vector.shape_cast %swap3A_517 : vector<1x1x16xf32> to vector<16xf32>
        %swap3A_519 = vector.shape_cast %get3A_464 : vector<16xf32> to vector<1x1x16xf32>
        tpu.vector_store %arg7[%swap3A_514, %swap3A_515, %swap3A_516], %swap3A_519 {add = true, strides = array<i32>} : memref<5x128x128xf32, #tpu.memory_space<vmem>>, vector<1x1x16xf32>,
      }
      %while3A_200 = arith.constant 1 : i32
      scf.for %while3A_432 = %while3A_198 to %while3A_194 step %while3A_200  : i32 {
        %add3A_433 = arith.addi %rem3A_186, %while3A_432 : i32
        %get3A = arith.index_cast %add3A_433 : i32 to index
        %get3A_434 = arith.constant 0 : index
        %get3A_435 = tpu.vector_load %arg8[%get3A, %get3A_434] {strides = array<i32>} : memref<200x128xf32, #tpu.memory_space<vmem>>, vector<1x16xf32>,
        %get3A_436 = vector.shape_cast %get3A_435 : vector<1x16xf32> to vector<16xf32>
        %get3A_437 = arith.index_cast %add3A_433 : i32 to index
        %get3A_438 = arith.constant 16 : index
        %get3A_439 = tpu.vector_load %arg8[%get3A_437, %get3A_438] {strides = array<i32>} : memref<200x128xf32, #tpu.memory_space<vmem>>, vector<1x16xf32>,
        %get3A_440 = vector.shape_cast %get3A_439 : vector<1x16xf32> to vector<16xf32>
        %get3A_441 = arith.index_cast %add3A_433 : i32 to index
        %get3A_442 = arith.constant 32 : index
        %get3A_443 = tpu.vector_load %arg8[%get3A_441, %get3A_442] {strides = array<i32>} : memref<200x128xf32, #tpu.memory_space<vmem>>, vector<1x16xf32>,
        %get3A_444 = vector.shape_cast %get3A_443 : vector<1x16xf32> to vector<16xf32>
        %get3A_445 = arith.index_cast %add3A_433 : i32 to index
        %get3A_446 = arith.constant 48 : index
        %get3A_447 = tpu.vector_load %arg8[%get3A_445, %get3A_446] {strides = array<i32>} : memref<200x128xf32, #tpu.memory_space<vmem>>, vector<1x16xf32>,
        %get3A_448 = vector.shape_cast %get3A_447 : vector<1x16xf32> to vector<16xf32>
        %get3A_449 = arith.index_cast %add3A_433 : i32 to index
        %get3A_450 = arith.constant 64 : index
        %get3A_451 = tpu.vector_load %arg8[%get3A_449, %get3A_450] {strides = array<i32>} : memref<200x128xf32, #tpu.memory_space<vmem>>, vector<1x16xf32>,
        %get3A_452 = vector.shape_cast %get3A_451 : vector<1x16xf32> to vector<16xf32>
        %get3A_453 = arith.index_cast %add3A_433 : i32 to index
        %get3A_454 = arith.constant 80 : index
        %get3A_455 = tpu.vector_load %arg8[%get3A_453, %get3A_454] {strides = array<i32>} : memref<200x128xf32, #tpu.memory_space<vmem>>, vector<1x16xf32>,
        %get3A_456 = vector.shape_cast %get3A_455 : vector<1x16xf32> to vector<16xf32>
        %get3A_457 = arith.index_cast %add3A_433 : i32 to index
        %get3A_458 = arith.constant 96 : index
        %get3A_459 = tpu.vector_load %arg8[%get3A_457, %get3A_458] {strides = array<i32>} : memref<200x128xf32, #tpu.memory_space<vmem>>, vector<1x16xf32>,
        %get3A_460 = vector.shape_cast %get3A_459 : vector<1x16xf32> to vector<16xf32>
        %get3A_461 = arith.index_cast %add3A_433 : i32 to index
        %get3A_462 = arith.constant 112 : index
        %get3A_463 = tpu.vector_load %arg8[%get3A_461, %get3A_462] {strides = array<i32>} : memref<200x128xf32, #tpu.memory_space<vmem>>, vector<1x16xf32>,
        %get3A_464 = vector.shape_cast %get3A_463 : vector<1x16xf32> to vector<16xf32>
        %swap3A = arith.constant 1 : i32
        %swap3A_465 = arith.index_cast %swap3A : i32 to index
        %swap3A_466 = arith.index_cast %while3A_432 : i32 to index
        %swap3A_467 = arith.constant 0 : index
        %swap3A_468 = tpu.vector_load %arg7[%swap3A_465, %swap3A_466, %swap3A_467] {strides = array<i32>} : memref<5x128x128xf32, #tpu.memory_space<vmem>>, vector<1x1x16xf32>,
        %swap3A_469 = vector.shape_cast %swap3A_468 : vector<1x1x16xf32> to vector<16xf32>
        %swap3A_470 = vector.shape_cast %get3A_436 : vector<16xf32> to vector<1x1x16xf32>
        tpu.vector_store %arg7[%swap3A_465, %swap3A_466, %swap3A_467], %swap3A_470 {add = true, strides = array<i32>} : memref<5x128x128xf32, #tpu.memory_space<vmem>>, vector<1x1x16xf32>,
        %swap3A_471 = arith.constant 1 : i32
        %swap3A_472 = arith.index_cast %swap3A_471 : i32 to index
        %swap3A_473 = arith.index_cast %while3A_432 : i32 to index
        %swap3A_474 = arith.constant 16 : index
        %swap3A_475 = tpu.vector_load %arg7[%swap3A_472, %swap3A_473, %swap3A_474] {strides = array<i32>} : memref<5x128x128xf32, #tpu.memory_space<vmem>>, vector<1x1x16xf32>,
        %swap3A_476 = vector.shape_cast %swap3A_475 : vector<1x1x16xf32> to vector<16xf32>
        %swap3A_477 = vector.shape_cast %get3A_440 : vector<16xf32> to vector<1x1x16xf32>
        tpu.vector_store %arg7[%swap3A_472, %swap3A_473, %swap3A_474], %swap3A_477 {add = true, strides = array<i32>} : memref<5x128x128xf32, #tpu.memory_space<vmem>>, vector<1x1x16xf32>,
        %swap3A_478 = arith.constant 1 : i32
        %swap3A_479 = arith.index_cast %swap3A_478 : i32 to index
        %swap3A_480 = arith.index_cast %while3A_432 : i32 to index
        %swap3A_481 = arith.constant 32 : index
        %swap3A_482 = tpu.vector_load %arg7[%swap3A_479, %swap3A_480, %swap3A_481] {strides = array<i32>} : memref<5x128x128xf32, #tpu.memory_space<vmem>>, vector<1x1x16xf32>,
        %swap3A_483 = vector.shape_cast %swap3A_482 : vector<1x1x16xf32> to vector<16xf32>
        %swap3A_484 = vector.shape_cast %get3A_444 : vector<16xf32> to vector<1x1x16xf32>
        tpu.vector_store %arg7[%swap3A_479, %swap3A_480, %swap3A_481], %swap3A_484 {add = true, strides = array<i32>} : memref<5x128x128xf32, #tpu.memory_space<vmem>>, vector<1x1x16xf32>,
        %swap3A_485 = arith.constant 1 : i32
        %swap3A_486 = arith.index_cast %swap3A_485 : i32 to index
        %swap3A_487 = arith.index_cast %while3A_432 : i32 to index
        %swap3A_488 = arith.constant 48 : index
        %swap3A_489 = tpu.vector_load %arg7[%swap3A_486, %swap3A_487, %swap3A_488] {strides = array<i32>} : memref<5x128x128xf32, #tpu.memory_space<vmem>>, vector<1x1x16xf32>,
        %swap3A_490 = vector.shape_cast %swap3A_489 : vector<1x1x16xf32> to vector<16xf32>
        %swap3A_491 = vector.shape_cast %get3A_448 : vector<16xf32> to vector<1x1x16xf32>
        tpu.vector_store %arg7[%swap3A_486, %swap3A_487, %swap3A_488], %swap3A_491 {add = true, strides = array<i32>} : memref<5x128x128xf32, #tpu.memory_space<vmem>>, vector<1x1x16xf32>,
        %swap3A_492 = arith.constant 1 : i32
        %swap3A_493 = arith.index_cast %swap3A_492 : i32 to index
        %swap3A_494 = arith.index_cast %while3A_432 : i32 to index
        %swap3A_495 = arith.constant 64 : index
        %swap3A_496 = tpu.vector_load %arg7[%swap3A_493, %swap3A_494, %swap3A_495] {strides = array<i32>} : memref<5x128x128xf32, #tpu.memory_space<vmem>>, vector<1x1x16xf32>,
        %swap3A_497 = vector.shape_cast %swap3A_496 : vector<1x1x16xf32> to vector<16xf32>
        %swap3A_498 = vector.shape_cast %get3A_452 : vector<16xf32> to vector<1x1x16xf32>
        tpu.vector_store %arg7[%swap3A_493, %swap3A_494, %swap3A_495], %swap3A_498 {add = true, strides = array<i32>} : memref<5x128x128xf32, #tpu.memory_space<vmem>>, vector<1x1x16xf32>,
        %swap3A_499 = arith.constant 1 : i32
        %swap3A_500 = arith.index_cast %swap3A_499 : i32 to index
        %swap3A_501 = arith.index_cast %while3A_432 : i32 to index
        %swap3A_502 = arith.constant 80 : index
        %swap3A_503 = tpu.vector_load %arg7[%swap3A_500, %swap3A_501, %swap3A_502] {strides = array<i32>} : memref<5x128x128xf32, #tpu.memory_space<vmem>>, vector<1x1x16xf32>,
        %swap3A_504 = vector.shape_cast %swap3A_503 : vector<1x1x16xf32> to vector<16xf32>
        %swap3A_505 = vector.shape_cast %get3A_456 : vector<16xf32> to vector<1x1x16xf32>
        tpu.vector_store %arg7[%swap3A_500, %swap3A_501, %swap3A_502], %swap3A_505 {add = true, strides = array<i32>} : memref<5x128x128xf32, #tpu.memory_space<vmem>>, vector<1x1x16xf32>,
        %swap3A_506 = arith.constant 1 : i32
        %swap3A_507 = arith.index_cast %swap3A_506 : i32 to index
        %swap3A_508 = arith.index_cast %while3A_432 : i32 to index
        %swap3A_509 = arith.constant 96 : index
        %swap3A_510 = tpu.vector_load %arg7[%swap3A_507, %swap3A_508, %swap3A_509] {strides = array<i32>} : memref<5x128x128xf32, #tpu.memory_space<vmem>>, vector<1x1x16xf32>,
        %swap3A_511 = vector.shape_cast %swap3A_510 : vector<1x1x16xf32> to vector<16xf32>
        %swap3A_512 = vector.shape_cast %get3A_460 : vector<16xf32> to vector<1x1x16xf32>
        tpu.vector_store %arg7[%swap3A_507, %swap3A_508, %swap3A_509], %swap3A_512 {add = true, strides = array<i32>} : memref<5x128x128xf32, #tpu.memory_space<vmem>>, vector<1x1x16xf32>,
        %swap3A_513 = arith.constant 1 : i32
        %swap3A_514 = arith.index_cast %swap3A_513 : i32 to index
        %swap3A_515 = arith.index_cast %while3A_432 : i32 to index
        %swap3A_516 = arith.constant 112 : index
        %swap3A_517 = tpu.vector_load %arg7[%swap3A_514, %swap3A_515, %swap3A_516] {strides = array<i32>} : memref<5x128x128xf32, #tpu.memory_space<vmem>>, vector<1x1x16xf32>,
        %swap3A_518 = vector.shape_cast %swap3A_517 : vector<1x1x16xf32> to vector<16xf32>
        %swap3A_519 = vector.shape_cast %get3A_464 : vector<16xf32> to vector<1x1x16xf32>
        tpu.vector_store %arg7[%swap3A_514, %swap3A_515, %swap3A_516], %swap3A_519 {add = true, strides = array<i32>} : memref<5x128x128xf32, #tpu.memory_space<vmem>>, vector<1x1x16xf32>,
      }
      %neg3A_201 = arith.constant 0 : i32
      %neg3A_202 = arith.subi %neg3A_201, %min3A_190 : i32
      %while3A_203 = arith.constant 0 : i32
      %while3A_204 = arith.constant 128 : i32
      %while3A_205 = arith.subi %while3A_204, %min3A_190 : i32
      %while3A_206 = arith.addi %min3A_190, %while3A_205 : i32
      %while3A_207 = arith.constant 1 : i32
      %while3A_208 = arith.divsi %while3A_205, %while3A_207 : i32
      %while3A_209 = arith.muli %while3A_208, %while3A_207 : i32
      %while3A_210 = arith.addi %min3A_190, %while3A_209 : i32
      %while3A_211 = arith.constant 1 : i32
      scf.for %while3A_432 = %min3A_190 to %while3A_210 step %while3A_211  : i32 {
        %add3A_433 = arith.addi %neg3A_202, %while3A_432 : i32
        %get3A = arith.index_cast %add3A_433 : i32 to index
        %get3A_434 = arith.constant 0 : index
        %get3A_435 = tpu.vector_load %arg8[%get3A, %get3A_434] {strides = array<i32>} : memref<200x128xf32, #tpu.memory_space<vmem>>, vector<1x16xf32>,
        %get3A_436 = vector.shape_cast %get3A_435 : vector<1x16xf32> to vector<16xf32>
        %get3A_437 = arith.index_cast %add3A_433 : i32 to index
        %get3A_438 = arith.constant 16 : index
        %get3A_439 = tpu.vector_load %arg8[%get3A_437, %get3A_438] {strides = array<i32>} : memref<200x128xf32, #tpu.memory_space<vmem>>, vector<1x16xf32>,
        %get3A_440 = vector.shape_cast %get3A_439 : vector<1x16xf32> to vector<16xf32>
        %get3A_441 = arith.index_cast %add3A_433 : i32 to index
        %get3A_442 = arith.constant 32 : index
        %get3A_443 = tpu.vector_load %arg8[%get3A_441, %get3A_442] {strides = array<i32>} : memref<200x128xf32, #tpu.memory_space<vmem>>, vector<1x16xf32>,
        %get3A_444 = vector.shape_cast %get3A_443 : vector<1x16xf32> to vector<16xf32>
        %get3A_445 = arith.index_cast %add3A_433 : i32 to index
        %get3A_446 = arith.constant 48 : index
        %get3A_447 = tpu.vector_load %arg8[%get3A_445, %get3A_446] {strides = array<i32>} : memref<200x128xf32, #tpu.memory_space<vmem>>, vector<1x16xf32>,
        %get3A_448 = vector.shape_cast %get3A_447 : vector<1x16xf32> to vector<16xf32>
        %get3A_449 = arith.index_cast %add3A_433 : i32 to index
        %get3A_450 = arith.constant 64 : index
        %get3A_451 = tpu.vector_load %arg8[%get3A_449, %get3A_450] {strides = array<i32>} : memref<200x128xf32, #tpu.memory_space<vmem>>, vector<1x16xf32>,
        %get3A_452 = vector.shape_cast %get3A_451 : vector<1x16xf32> to vector<16xf32>
        %get3A_453 = arith.index_cast %add3A_433 : i32 to index
        %get3A_454 = arith.constant 80 : index
        %get3A_455 = tpu.vector_load %arg8[%get3A_453, %get3A_454] {strides = array<i32>} : memref<200x128xf32, #tpu.memory_space<vmem>>, vector<1x16xf32>,
        %get3A_456 = vector.shape_cast %get3A_455 : vector<1x16xf32> to vector<16xf32>
        %get3A_457 = arith.index_cast %add3A_433 : i32 to index
        %get3A_458 = arith.constant 96 : index
        %get3A_459 = tpu.vector_load %arg8[%get3A_457, %get3A_458] {strides = array<i32>} : memref<200x128xf32, #tpu.memory_space<vmem>>, vector<1x16xf32>,
        %get3A_460 = vector.shape_cast %get3A_459 : vector<1x16xf32> to vector<16xf32>
        %get3A_461 = arith.index_cast %add3A_433 : i32 to index
        %get3A_462 = arith.constant 112 : index
        %get3A_463 = tpu.vector_load %arg8[%get3A_461, %get3A_462] {strides = array<i32>} : memref<200x128xf32, #tpu.memory_space<vmem>>, vector<1x16xf32>,
        %get3A_464 = vector.shape_cast %get3A_463 : vector<1x16xf32> to vector<16xf32>
        %swap3A = arith.constant 1 : i32
        %swap3A_465 = arith.index_cast %swap3A : i32 to index
        %swap3A_466 = arith.index_cast %while3A_432 : i32 to index
        %swap3A_467 = arith.constant 0 : index
        %swap3A_468 = tpu.vector_load %arg7[%swap3A_465, %swap3A_466, %swap3A_467] {strides = array<i32>} : memref<5x128x128xf32, #tpu.memory_space<vmem>>, vector<1x1x16xf32>,
        %swap3A_469 = vector.shape_cast %swap3A_468 : vector<1x1x16xf32> to vector<16xf32>
        %swap3A_470 = vector.shape_cast %get3A_436 : vector<16xf32> to vector<1x1x16xf32>
        tpu.vector_store %arg7[%swap3A_465, %swap3A_466, %swap3A_467], %swap3A_470 {add = true, strides = array<i32>} : memref<5x128x128xf32, #tpu.memory_space<vmem>>, vector<1x1x16xf32>,
        %swap3A_471 = arith.constant 1 : i32
        %swap3A_472 = arith.index_cast %swap3A_471 : i32 to index
        %swap3A_473 = arith.index_cast %while3A_432 : i32 to index
        %swap3A_474 = arith.constant 16 : index
        %swap3A_475 = tpu.vector_load %arg7[%swap3A_472, %swap3A_473, %swap3A_474] {strides = array<i32>} : memref<5x128x128xf32, #tpu.memory_space<vmem>>, vector<1x1x16xf32>,
        %swap3A_476 = vector.shape_cast %swap3A_475 : vector<1x1x16xf32> to vector<16xf32>
        %swap3A_477 = vector.shape_cast %get3A_440 : vector<16xf32> to vector<1x1x16xf32>
        tpu.vector_store %arg7[%swap3A_472, %swap3A_473, %swap3A_474], %swap3A_477 {add = true, strides = array<i32>} : memref<5x128x128xf32, #tpu.memory_space<vmem>>, vector<1x1x16xf32>,
        %swap3A_478 = arith.constant 1 : i32
        %swap3A_479 = arith.index_cast %swap3A_478 : i32 to index
        %swap3A_480 = arith.index_cast %while3A_432 : i32 to index
        %swap3A_481 = arith.constant 32 : index
        %swap3A_482 = tpu.vector_load %arg7[%swap3A_479, %swap3A_480, %swap3A_481] {strides = array<i32>} : memref<5x128x128xf32, #tpu.memory_space<vmem>>, vector<1x1x16xf32>,
        %swap3A_483 = vector.shape_cast %swap3A_482 : vector<1x1x16xf32> to vector<16xf32>
        %swap3A_484 = vector.shape_cast %get3A_444 : vector<16xf32> to vector<1x1x16xf32>
        tpu.vector_store %arg7[%swap3A_479, %swap3A_480, %swap3A_481], %swap3A_484 {add = true, strides = array<i32>} : memref<5x128x128xf32, #tpu.memory_space<vmem>>, vector<1x1x16xf32>,
        %swap3A_485 = arith.constant 1 : i32
        %swap3A_486 = arith.index_cast %swap3A_485 : i32 to index
        %swap3A_487 = arith.index_cast %while3A_432 : i32 to index
        %swap3A_488 = arith.constant 48 : index
        %swap3A_489 = tpu.vector_load %arg7[%swap3A_486, %swap3A_487, %swap3A_488] {strides = array<i32>} : memref<5x128x128xf32, #tpu.memory_space<vmem>>, vector<1x1x16xf32>,
        %swap3A_490 = vector.shape_cast %swap3A_489 : vector<1x1x16xf32> to vector<16xf32>
        %swap3A_491 = vector.shape_cast %get3A_448 : vector<16xf32> to vector<1x1x16xf32>
        tpu.vector_store %arg7[%swap3A_486, %swap3A_487, %swap3A_488], %swap3A_491 {add = true, strides = array<i32>} : memref<5x128x128xf32, #tpu.memory_space<vmem>>, vector<1x1x16xf32>,
        %swap3A_492 = arith.constant 1 : i32
        %swap3A_493 = arith.index_cast %swap3A_492 : i32 to index
        %swap3A_494 = arith.index_cast %while3A_432 : i32 to index
        %swap3A_495 = arith.constant 64 : index
        %swap3A_496 = tpu.vector_load %arg7[%swap3A_493, %swap3A_494, %swap3A_495] {strides = array<i32>} : memref<5x128x128xf32, #tpu.memory_space<vmem>>, vector<1x1x16xf32>,
        %swap3A_497 = vector.shape_cast %swap3A_496 : vector<1x1x16xf32> to vector<16xf32>
        %swap3A_498 = vector.shape_cast %get3A_452 : vector<16xf32> to vector<1x1x16xf32>
        tpu.vector_store %arg7[%swap3A_493, %swap3A_494, %swap3A_495], %swap3A_498 {add = true, strides = array<i32>} : memref<5x128x128xf32, #tpu.memory_space<vmem>>, vector<1x1x16xf32>,
        %swap3A_499 = arith.constant 1 : i32
        %swap3A_500 = arith.index_cast %swap3A_499 : i32 to index
        %swap3A_501 = arith.index_cast %while3A_432 : i32 to index
        %swap3A_502 = arith.constant 80 : index
        %swap3A_503 = tpu.vector_load %arg7[%swap3A_500, %swap3A_501, %swap3A_502] {strides = array<i32>} : memref<5x128x128xf32, #tpu.memory_space<vmem>>, vector<1x1x16xf32>,
        %swap3A_504 = vector.shape_cast %swap3A_503 : vector<1x1x16xf32> to vector<16xf32>
        %swap3A_505 = vector.shape_cast %get3A_456 : vector<16xf32> to vector<1x1x16xf32>
        tpu.vector_store %arg7[%swap3A_500, %swap3A_501, %swap3A_502], %swap3A_505 {add = true, strides = array<i32>} : memref<5x128x128xf32, #tpu.memory_space<vmem>>, vector<1x1x16xf32>,
        %swap3A_506 = arith.constant 1 : i32
        %swap3A_507 = arith.index_cast %swap3A_506 : i32 to index
        %swap3A_508 = arith.index_cast %while3A_432 : i32 to index
        %swap3A_509 = arith.constant 96 : index
        %swap3A_510 = tpu.vector_load %arg7[%swap3A_507, %swap3A_508, %swap3A_509] {strides = array<i32>} : memref<5x128x128xf32, #tpu.memory_space<vmem>>, vector<1x1x16xf32>,
        %swap3A_511 = vector.shape_cast %swap3A_510 : vector<1x1x16xf32> to vector<16xf32>
        %swap3A_512 = vector.shape_cast %get3A_460 : vector<16xf32> to vector<1x1x16xf32>
        tpu.vector_store %arg7[%swap3A_507, %swap3A_508, %swap3A_509], %swap3A_512 {add = true, strides = array<i32>} : memref<5x128x128xf32, #tpu.memory_space<vmem>>, vector<1x1x16xf32>,
        %swap3A_513 = arith.constant 1 : i32
        %swap3A_514 = arith.index_cast %swap3A_513 : i32 to index
        %swap3A_515 = arith.index_cast %while3A_432 : i32 to index
        %swap3A_516 = arith.constant 112 : index
        %swap3A_517 = tpu.vector_load %arg7[%swap3A_514, %swap3A_515, %swap3A_516] {strides = array<i32>} : memref<5x128x128xf32, #tpu.memory_space<vmem>>, vector<1x1x16xf32>,
        %swap3A_518 = vector.shape_cast %swap3A_517 : vector<1x1x16xf32> to vector<16xf32>
        %swap3A_519 = vector.shape_cast %get3A_464 : vector<16xf32> to vector<1x1x16xf32>
        tpu.vector_store %arg7[%swap3A_514, %swap3A_515, %swap3A_516], %swap3A_519 {add = true, strides = array<i32>} : memref<5x128x128xf32, #tpu.memory_space<vmem>>, vector<1x1x16xf32>,
      }
      %while3A_212 = arith.constant 1 : i32
      scf.for %while3A_432 = %while3A_210 to %while3A_206 step %while3A_212  : i32 {
        %add3A_433 = arith.addi %neg3A_202, %while3A_432 : i32
        %get3A = arith.index_cast %add3A_433 : i32 to index
        %get3A_434 = arith.constant 0 : index
        %get3A_435 = tpu.vector_load %arg8[%get3A, %get3A_434] {strides = array<i32>} : memref<200x128xf32, #tpu.memory_space<vmem>>, vector<1x16xf32>,
        %get3A_436 = vector.shape_cast %get3A_435 : vector<1x16xf32> to vector<16xf32>
        %get3A_437 = arith.index_cast %add3A_433 : i32 to index
        %get3A_438 = arith.constant 16 : index
        %get3A_439 = tpu.vector_load %arg8[%get3A_437, %get3A_438] {strides = array<i32>} : memref<200x128xf32, #tpu.memory_space<vmem>>, vector<1x16xf32>,
        %get3A_440 = vector.shape_cast %get3A_439 : vector<1x16xf32> to vector<16xf32>
        %get3A_441 = arith.index_cast %add3A_433 : i32 to index
        %get3A_442 = arith.constant 32 : index
        %get3A_443 = tpu.vector_load %arg8[%get3A_441, %get3A_442] {strides = array<i32>} : memref<200x128xf32, #tpu.memory_space<vmem>>, vector<1x16xf32>,
        %get3A_444 = vector.shape_cast %get3A_443 : vector<1x16xf32> to vector<16xf32>
        %get3A_445 = arith.index_cast %add3A_433 : i32 to index
        %get3A_446 = arith.constant 48 : index
        %get3A_447 = tpu.vector_load %arg8[%get3A_445, %get3A_446] {strides = array<i32>} : memref<200x128xf32, #tpu.memory_space<vmem>>, vector<1x16xf32>,
        %get3A_448 = vector.shape_cast %get3A_447 : vector<1x16xf32> to vector<16xf32>
        %get3A_449 = arith.index_cast %add3A_433 : i32 to index
        %get3A_450 = arith.constant 64 : index
        %get3A_451 = tpu.vector_load %arg8[%get3A_449, %get3A_450] {strides = array<i32>} : memref<200x128xf32, #tpu.memory_space<vmem>>, vector<1x16xf32>,
        %get3A_452 = vector.shape_cast %get3A_451 : vector<1x16xf32> to vector<16xf32>
        %get3A_453 = arith.index_cast %add3A_433 : i32 to index
        %get3A_454 = arith.constant 80 : index
        %get3A_455 = tpu.vector_load %arg8[%get3A_453, %get3A_454] {strides = array<i32>} : memref<200x128xf32, #tpu.memory_space<vmem>>, vector<1x16xf32>,
        %get3A_456 = vector.shape_cast %get3A_455 : vector<1x16xf32> to vector<16xf32>
        %get3A_457 = arith.index_cast %add3A_433 : i32 to index
        %get3A_458 = arith.constant 96 : index
        %get3A_459 = tpu.vector_load %arg8[%get3A_457, %get3A_458] {strides = array<i32>} : memref<200x128xf32, #tpu.memory_space<vmem>>, vector<1x16xf32>,
        %get3A_460 = vector.shape_cast %get3A_459 : vector<1x16xf32> to vector<16xf32>
        %get3A_461 = arith.index_cast %add3A_433 : i32 to index
        %get3A_462 = arith.constant 112 : index
        %get3A_463 = tpu.vector_load %arg8[%get3A_461, %get3A_462] {strides = array<i32>} : memref<200x128xf32, #tpu.memory_space<vmem>>, vector<1x16xf32>,
        %get3A_464 = vector.shape_cast %get3A_463 : vector<1x16xf32> to vector<16xf32>
        %swap3A = arith.constant 1 : i32
        %swap3A_465 = arith.index_cast %swap3A : i32 to index
        %swap3A_466 = arith.index_cast %while3A_432 : i32 to index
        %swap3A_467 = arith.constant 0 : index
        %swap3A_468 = tpu.vector_load %arg7[%swap3A_465, %swap3A_466, %swap3A_467] {strides = array<i32>} : memref<5x128x128xf32, #tpu.memory_space<vmem>>, vector<1x1x16xf32>,
        %swap3A_469 = vector.shape_cast %swap3A_468 : vector<1x1x16xf32> to vector<16xf32>
        %swap3A_470 = vector.shape_cast %get3A_436 : vector<16xf32> to vector<1x1x16xf32>
        tpu.vector_store %arg7[%swap3A_465, %swap3A_466, %swap3A_467], %swap3A_470 {add = true, strides = array<i32>} : memref<5x128x128xf32, #tpu.memory_space<vmem>>, vector<1x1x16xf32>,
        %swap3A_471 = arith.constant 1 : i32
        %swap3A_472 = arith.index_cast %swap3A_471 : i32 to index
        %swap3A_473 = arith.index_cast %while3A_432 : i32 to index
        %swap3A_474 = arith.constant 16 : index
        %swap3A_475 = tpu.vector_load %arg7[%swap3A_472, %swap3A_473, %swap3A_474] {strides = array<i32>} : memref<5x128x128xf32, #tpu.memory_space<vmem>>, vector<1x1x16xf32>,
        %swap3A_476 = vector.shape_cast %swap3A_475 : vector<1x1x16xf32> to vector<16xf32>
        %swap3A_477 = vector.shape_cast %get3A_440 : vector<16xf32> to vector<1x1x16xf32>
        tpu.vector_store %arg7[%swap3A_472, %swap3A_473, %swap3A_474], %swap3A_477 {add = true, strides = array<i32>} : memref<5x128x128xf32, #tpu.memory_space<vmem>>, vector<1x1x16xf32>,
        %swap3A_478 = arith.constant 1 : i32
        %swap3A_479 = arith.index_cast %swap3A_478 : i32 to index
        %swap3A_480 = arith.index_cast %while3A_432 : i32 to index
        %swap3A_481 = arith.constant 32 : index
        %swap3A_482 = tpu.vector_load %arg7[%swap3A_479, %swap3A_480, %swap3A_481] {strides = array<i32>} : memref<5x128x128xf32, #tpu.memory_space<vmem>>, vector<1x1x16xf32>,
        %swap3A_483 = vector.shape_cast %swap3A_482 : vector<1x1x16xf32> to vector<16xf32>
        %swap3A_484 = vector.shape_cast %get3A_444 : vector<16xf32> to vector<1x1x16xf32>
        tpu.vector_store %arg7[%swap3A_479, %swap3A_480, %swap3A_481], %swap3A_484 {add = true, strides = array<i32>} : memref<5x128x128xf32, #tpu.memory_space<vmem>>, vector<1x1x16xf32>,
        %swap3A_485 = arith.constant 1 : i32
        %swap3A_486 = arith.index_cast %swap3A_485 : i32 to index
        %swap3A_487 = arith.index_cast %while3A_432 : i32 to index
        %swap3A_488 = arith.constant 48 : index
        %swap3A_489 = tpu.vector_load %arg7[%swap3A_486, %swap3A_487, %swap3A_488] {strides = array<i32>} : memref<5x128x128xf32, #tpu.memory_space<vmem>>, vector<1x1x16xf32>,
        %swap3A_490 = vector.shape_cast %swap3A_489 : vector<1x1x16xf32> to vector<16xf32>
        %swap3A_491 = vector.shape_cast %get3A_448 : vector<16xf32> to vector<1x1x16xf32>
        tpu.vector_store %arg7[%swap3A_486, %swap3A_487, %swap3A_488], %swap3A_491 {add = true, strides = array<i32>} : memref<5x128x128xf32, #tpu.memory_space<vmem>>, vector<1x1x16xf32>,
        %swap3A_492 = arith.constant 1 : i32
        %swap3A_493 = arith.index_cast %swap3A_492 : i32 to index
        %swap3A_494 = arith.index_cast %while3A_432 : i32 to index
        %swap3A_495 = arith.constant 64 : index
        %swap3A_496 = tpu.vector_load %arg7[%swap3A_493, %swap3A_494, %swap3A_495] {strides = array<i32>} : memref<5x128x128xf32, #tpu.memory_space<vmem>>, vector<1x1x16xf32>,
        %swap3A_497 = vector.shape_cast %swap3A_496 : vector<1x1x16xf32> to vector<16xf32>
        %swap3A_498 = vector.shape_cast %get3A_452 : vector<16xf32> to vector<1x1x16xf32>
        tpu.vector_store %arg7[%swap3A_493, %swap3A_494, %swap3A_495], %swap3A_498 {add = true, strides = array<i32>} : memref<5x128x128xf32, #tpu.memory_space<vmem>>, vector<1x1x16xf32>,
        %swap3A_499 = arith.constant 1 : i32
        %swap3A_500 = arith.index_cast %swap3A_499 : i32 to index
        %swap3A_501 = arith.index_cast %while3A_432 : i32 to index
        %swap3A_502 = arith.constant 80 : index
        %swap3A_503 = tpu.vector_load %arg7[%swap3A_500, %swap3A_501, %swap3A_502] {strides = array<i32>} : memref<5x128x128xf32, #tpu.memory_space<vmem>>, vector<1x1x16xf32>,
        %swap3A_504 = vector.shape_cast %swap3A_503 : vector<1x1x16xf32> to vector<16xf32>
        %swap3A_505 = vector.shape_cast %get3A_456 : vector<16xf32> to vector<1x1x16xf32>
        tpu.vector_store %arg7[%swap3A_500, %swap3A_501, %swap3A_502], %swap3A_505 {add = true, strides = array<i32>} : memref<5x128x128xf32, #tpu.memory_space<vmem>>, vector<1x1x16xf32>,
        %swap3A_506 = arith.constant 1 : i32
        %swap3A_507 = arith.index_cast %swap3A_506 : i32 to index
        %swap3A_508 = arith.index_cast %while3A_432 : i32 to index
        %swap3A_509 = arith.constant 96 : index
        %swap3A_510 = tpu.vector_load %arg7[%swap3A_507, %swap3A_508, %swap3A_509] {strides = array<i32>} : memref<5x128x128xf32, #tpu.memory_space<vmem>>, vector<1x1x16xf32>,
        %swap3A_511 = vector.shape_cast %swap3A_510 : vector<1x1x16xf32> to vector<16xf32>
        %swap3A_512 = vector.shape_cast %get3A_460 : vector<16xf32> to vector<1x1x16xf32>
        tpu.vector_store %arg7[%swap3A_507, %swap3A_508, %swap3A_509], %swap3A_512 {add = true, strides = array<i32>} : memref<5x128x128xf32, #tpu.memory_space<vmem>>, vector<1x1x16xf32>,
        %swap3A_513 = arith.constant 1 : i32
        %swap3A_514 = arith.index_cast %swap3A_513 : i32 to index
        %swap3A_515 = arith.index_cast %while3A_432 : i32 to index
        %swap3A_516 = arith.constant 112 : index
        %swap3A_517 = tpu.vector_load %arg7[%swap3A_514, %swap3A_515, %swap3A_516] {strides = array<i32>} : memref<5x128x128xf32, #tpu.memory_space<vmem>>, vector<1x1x16xf32>,
        %swap3A_518 = vector.shape_cast %swap3A_517 : vector<1x1x16xf32> to vector<16xf32>
        %swap3A_519 = vector.shape_cast %get3A_464 : vector<16xf32> to vector<1x1x16xf32>
        tpu.vector_store %arg7[%swap3A_514, %swap3A_515, %swap3A_516], %swap3A_519 {add = true, strides = array<i32>} : memref<5x128x128xf32, #tpu.memory_space<vmem>>, vector<1x1x16xf32>,
      }
      %mul3A_213 = arith.constant 128 : i32
      %mul3A_214 = arith.muli %add3A_150, %mul3A_213 : i32
      %add3A_215 = arith.addi %mul3A_2, %mul3A_214 : i32
      %dma_start3A_216 = arith.constant 1 : i32
      %dma_start3A_217 = arith.constant 0 : i32
      %dma_start3A_218 = arith.constant 0 : i32
      %dma_start3A_219 = tpu.memref_slice %arg7[%dma_start3A_216, %dma_start3A_217, %dma_start3A_218] : memref<5x128x128xf32, #tpu.memory_space<vmem>> -> memref<1x128x128xf32, #tpu.memory_space<vmem>>
      %dma_start3A_220 = tpu.memref_squeeze %dma_start3A_219 : memref<1x128x128xf32, #tpu.memory_space<vmem>> -> memref<128x128xf32, #tpu.memory_space<vmem>>
      %dma_start3A_221 = arith.constant 0 : i32
      %dma_start3A_222 = tpu.memref_slice %arg5[%add3A_215, %dma_start3A_221] : memref<204800x128xf32, #tpu.memory_space<hbm>> -> memref<128x128xf32, #tpu.memory_space<hbm>>
      %dma_start3A_223 = arith.constant 0 : i32
      %dma_start3A_224 = tpu.memref_slice %arg5[%add3A_215, %dma_start3A_223] : memref<204800x128xf32, #tpu.memory_space<hbm>> -> memref<128x128xf32, #tpu.memory_space<hbm>>
      %dma_start3A_225 = arith.constant 0 : i32
      %dma_start3A_226 = arith.constant 0 : i32
      %dma_start3A_227 = tpu.memref_slice %arg7[%dma_start3A_216, %dma_start3A_225, %dma_start3A_226] : memref<5x128x128xf32, #tpu.memory_space<vmem>> -> memref<1x128x128xf32, #tpu.memory_space<vmem>>
      %dma_start3A_228 = tpu.memref_squeeze %dma_start3A_227 : memref<1x128x128xf32, #tpu.memory_space<vmem>> -> memref<128x128xf32, #tpu.memory_space<vmem>>
      tpu.enqueue_dma source(%dma_start3A_228 : memref<128x128xf32, #tpu.memory_space<vmem>>) target(%dma_start3A_224 : memref<128x128xf32, #tpu.memory_space<hbm>>) target_semaphore(%arg16 : memref<!tpu.dma_semaphore, #tpu.memory_space<semaphore_mem>>)
      %mul3A_229 = arith.constant 5 : i32
      %mul3A_230 = arith.muli %scan3A_70, %mul3A_229 : i32
      %add3A_231 = arith.constant 2 : i32
      %add3A_232 = arith.addi %mul3A_230, %add3A_231 : i32
      %mul3A_233 = arith.constant 128 : i32
      %mul3A_234 = arith.muli %add3A_232, %mul3A_233 : i32
      %multiple_of3A_235 = tpu.assume_multiple %mul3A_234, 128 : i32
      %dma_wait3A_236 = arith.constant 2 : i32
      %dma_wait3A_237 = arith.constant 0 : i32
      %dma_wait3A_238 = arith.constant 0 : i32
      %dma_wait3A_239 = tpu.memref_slice %arg7[%dma_wait3A_236, %dma_wait3A_237, %dma_wait3A_238] : memref<5x128x128xf32, #tpu.memory_space<vmem>> -> memref<1x128x128xf32, #tpu.memory_space<vmem>>
      %dma_wait3A_240 = tpu.memref_squeeze %dma_wait3A_239 : memref<1x128x128xf32, #tpu.memory_space<vmem>> -> memref<128x128xf32, #tpu.memory_space<vmem>>
      %dma_wait3A_241 = tpu.memref_slice %arg6[%multiple_of3A_235] : memref<6400xi32, #tpu.memory_space<vmem>> -> memref<128xi32, #tpu.memory_space<vmem>>
      %dma_wait3A_242 = arith.constant 0 : i32
      %dma_wait3A_243 = arith.constant 0 : i32
      %dma_wait3A_244 = tpu.memref_slice %arg9[%dma_wait3A_242, %dma_wait3A_243] : memref<512x128xf32, #tpu.memory_space<vmem_shared>> -> memref<512x128xf32, #tpu.memory_space<vmem_shared>>
      tpu.wait_indirect_dma semaphore(%arg12 : memref<!tpu.dma_semaphore, #tpu.memory_space<semaphore_mem>>) src(%dma_wait3A_244 : memref<512x128xf32, #tpu.memory_space<vmem_shared>>) dst(%dma_wait3A_240 : memref<128x128xf32, #tpu.memory_space<vmem>>)
      %lt3A = arith.constant 9 : i32
      %lt3A_245 = arith.cmpi slt, %scan3A_70, %lt3A : i32
      %convert_element_type3A_246 = arith.extui %lt3A_245 : i1 to i32
      %cond3A_247 = arith.constant 0 : i32
      %cond3A_248 = arith.cmpi ne, %convert_element_type3A_246, %cond3A_247 : i32
      scf.if %cond3A_248 {
        %sub3A_432 = arith.constant 2 : i32
        %sub3A_433 = arith.subi %add3A_232, %sub3A_432 : i32
        %mul3A_434 = arith.constant 128 : i32
        %mul3A_435 = arith.muli %sub3A_433, %mul3A_434 : i32
        %add3A_436 = arith.addi %mul3A_2, %mul3A_435 : i32
        %dma_wait3A_437 = arith.constant 0 : i32
        %dma_wait3A_438 = arith.constant 0 : i32
        %dma_wait3A_439 = arith.constant 0 : i32
        %dma_wait3A_440 = tpu.memref_slice %arg7[%dma_wait3A_437, %dma_wait3A_438, %dma_wait3A_439] : memref<5x128x128xf32, #tpu.memory_space<vmem>> -> memref<1x128x128xf32, #tpu.memory_space<vmem>>
        %dma_wait3A_441 = tpu.memref_squeeze %dma_wait3A_440 : memref<1x128x128xf32, #tpu.memory_space<vmem>> -> memref<128x128xf32, #tpu.memory_space<vmem>>
        %dma_wait3A_442 = arith.constant 0 : i32
        %dma_wait3A_443 = tpu.memref_slice %arg5[%add3A_436, %dma_wait3A_442] : memref<204800x128xf32, #tpu.memory_space<hbm>> -> memref<128x128xf32, #tpu.memory_space<hbm>>
        %dma_wait3A_444 = arith.constant 0 : i32
        %dma_wait3A_445 = tpu.memref_slice %arg5[%add3A_436, %dma_wait3A_444] : memref<204800x128xf32, #tpu.memory_space<hbm>> -> memref<128x128xf32, #tpu.memory_space<hbm>>
        %dma_wait3A_446 = arith.constant 0 : i32
        %dma_wait3A_447 = arith.constant 0 : i32
        %dma_wait3A_448 = tpu.memref_slice %arg7[%dma_wait3A_437, %dma_wait3A_446, %dma_wait3A_447] : memref<5x128x128xf32, #tpu.memory_space<vmem>> -> memref<1x128x128xf32, #tpu.memory_space<vmem>>
        %dma_wait3A_449 = tpu.memref_squeeze %dma_wait3A_448 : memref<1x128x128xf32, #tpu.memory_space<vmem>> -> memref<128x128xf32, #tpu.memory_space<vmem>>
        tpu.wait_dma2 semaphore(%arg15 : memref<!tpu.dma_semaphore, #tpu.memory_space<semaphore_mem>>) src(%dma_wait3A_449 : memref<128x128xf32, #tpu.memory_space<vmem>>) dst(%dma_wait3A_445 : memref<128x128xf32, #tpu.memory_space<hbm>>)
        %add3A_450 = arith.constant 3 : i32
        %add3A_451 = arith.addi %add3A_232, %add3A_450 : i32
        %mul3A_452 = arith.constant 128 : i32
        %mul3A_453 = arith.muli %add3A_451, %mul3A_452 : i32
        %multiple_of3A_454 = tpu.assume_multiple %mul3A_453, 128 : i32
        %dma_start3A_455 = arith.constant 0 : i32
        %dma_start3A_456 = arith.constant 0 : i32
        %dma_start3A_457 = arith.constant 0 : i32
        %dma_start3A_458 = tpu.memref_slice %arg7[%dma_start3A_455, %dma_start3A_456, %dma_start3A_457] : memref<5x128x128xf32, #tpu.memory_space<vmem>> -> memref<1x128x128xf32, #tpu.memory_space<vmem>>
        %dma_start3A_459 = tpu.memref_squeeze %dma_start3A_458 : memref<1x128x128xf32, #tpu.memory_space<vmem>> -> memref<128x128xf32, #tpu.memory_space<vmem>>
        %dma_start3A_460 = tpu.memref_slice %arg6[%multiple_of3A_454] : memref<6400xi32, #tpu.memory_space<vmem>> -> memref<128xi32, #tpu.memory_space<vmem>>
        %dma_start3A_461 = arith.constant 0 : i32
        %dma_start3A_462 = arith.constant 0 : i32
        %dma_start3A_463 = tpu.memref_slice %arg9[%dma_start3A_461, %dma_start3A_462] : memref<512x128xf32, #tpu.memory_space<vmem_shared>> -> memref<512x128xf32, #tpu.memory_space<vmem_shared>>
        tpu.enqueue_indirect_dma source(%dma_start3A_463 : memref<512x128xf32, #tpu.memory_space<vmem_shared>>) target(%dma_start3A_459 : memref<128x128xf32, #tpu.memory_space<vmem>>) offsets(%dma_start3A_460 : memref<128xi32, #tpu.memory_space<vmem>>) semaphore(%arg10 : memref<!tpu.dma_semaphore, #tpu.memory_space<semaphore_mem>>)
      } else {
      }
      %mul3A_249 = arith.constant 128 : i32
      %mul3A_250 = arith.muli %add3A_232, %mul3A_249 : i32
      %add3A_251 = arith.addi %mul3A_2, %mul3A_250 : i32
      %rem3A_252 = arith.constant 200 : i32
      %rem3A_253 = arith.remsi %add3A_251, %rem3A_252 : i32
      %sub3A_254 = arith.constant 200 : i32
      %sub3A_255 = arith.subi %sub3A_254, %rem3A_253 : i32
      %min3A_256 = arith.constant 128 : i32
      %min3A_257 = arith.minsi %sub3A_255, %min3A_256 : i32
      %while3A_258 = arith.constant 0 : i32
      %while3A_259 = arith.constant 0 : i32
      %while3A_260 = arith.subi %min3A_257, %while3A_259 : i32
      %while3A_261 = arith.addi %while3A_259, %while3A_260 : i32
      %while3A_262 = arith.constant 1 : i32
      %while3A_263 = arith.divsi %while3A_260, %while3A_262 : i32
      %while3A_264 = arith.muli %while3A_263, %while3A_262 : i32
      %while3A_265 = arith.addi %while3A_259, %while3A_264 : i32
      %while3A_266 = arith.constant 1 : i32
      scf.for %while3A_432 = %while3A_259 to %while3A_265 step %while3A_266  : i32 {
        %add3A_433 = arith.addi %rem3A_253, %while3A_432 : i32
        %get3A = arith.index_cast %add3A_433 : i32 to index
        %get3A_434 = arith.constant 0 : index
        %get3A_435 = tpu.vector_load %arg8[%get3A, %get3A_434] {strides = array<i32>} : memref<200x128xf32, #tpu.memory_space<vmem>>, vector<1x16xf32>,
        %get3A_436 = vector.shape_cast %get3A_435 : vector<1x16xf32> to vector<16xf32>
        %get3A_437 = arith.index_cast %add3A_433 : i32 to index
        %get3A_438 = arith.constant 16 : index
        %get3A_439 = tpu.vector_load %arg8[%get3A_437, %get3A_438] {strides = array<i32>} : memref<200x128xf32, #tpu.memory_space<vmem>>, vector<1x16xf32>,
        %get3A_440 = vector.shape_cast %get3A_439 : vector<1x16xf32> to vector<16xf32>
        %get3A_441 = arith.index_cast %add3A_433 : i32 to index
        %get3A_442 = arith.constant 32 : index
        %get3A_443 = tpu.vector_load %arg8[%get3A_441, %get3A_442] {strides = array<i32>} : memref<200x128xf32, #tpu.memory_space<vmem>>, vector<1x16xf32>,
        %get3A_444 = vector.shape_cast %get3A_443 : vector<1x16xf32> to vector<16xf32>
        %get3A_445 = arith.index_cast %add3A_433 : i32 to index
        %get3A_446 = arith.constant 48 : index
        %get3A_447 = tpu.vector_load %arg8[%get3A_445, %get3A_446] {strides = array<i32>} : memref<200x128xf32, #tpu.memory_space<vmem>>, vector<1x16xf32>,
        %get3A_448 = vector.shape_cast %get3A_447 : vector<1x16xf32> to vector<16xf32>
        %get3A_449 = arith.index_cast %add3A_433 : i32 to index
        %get3A_450 = arith.constant 64 : index
        %get3A_451 = tpu.vector_load %arg8[%get3A_449, %get3A_450] {strides = array<i32>} : memref<200x128xf32, #tpu.memory_space<vmem>>, vector<1x16xf32>,
        %get3A_452 = vector.shape_cast %get3A_451 : vector<1x16xf32> to vector<16xf32>
        %get3A_453 = arith.index_cast %add3A_433 : i32 to index
        %get3A_454 = arith.constant 80 : index
        %get3A_455 = tpu.vector_load %arg8[%get3A_453, %get3A_454] {strides = array<i32>} : memref<200x128xf32, #tpu.memory_space<vmem>>, vector<1x16xf32>,
        %get3A_456 = vector.shape_cast %get3A_455 : vector<1x16xf32> to vector<16xf32>
        %get3A_457 = arith.index_cast %add3A_433 : i32 to index
        %get3A_458 = arith.constant 96 : index
        %get3A_459 = tpu.vector_load %arg8[%get3A_457, %get3A_458] {strides = array<i32>} : memref<200x128xf32, #tpu.memory_space<vmem>>, vector<1x16xf32>,
        %get3A_460 = vector.shape_cast %get3A_459 : vector<1x16xf32> to vector<16xf32>
        %get3A_461 = arith.index_cast %add3A_433 : i32 to index
        %get3A_462 = arith.constant 112 : index
        %get3A_463 = tpu.vector_load %arg8[%get3A_461, %get3A_462] {strides = array<i32>} : memref<200x128xf32, #tpu.memory_space<vmem>>, vector<1x16xf32>,
        %get3A_464 = vector.shape_cast %get3A_463 : vector<1x16xf32> to vector<16xf32>
        %swap3A = arith.constant 2 : i32
        %swap3A_465 = arith.index_cast %swap3A : i32 to index
        %swap3A_466 = arith.index_cast %while3A_432 : i32 to index
        %swap3A_467 = arith.constant 0 : index
        %swap3A_468 = tpu.vector_load %arg7[%swap3A_465, %swap3A_466, %swap3A_467] {strides = array<i32>} : memref<5x128x128xf32, #tpu.memory_space<vmem>>, vector<1x1x16xf32>,
        %swap3A_469 = vector.shape_cast %swap3A_468 : vector<1x1x16xf32> to vector<16xf32>
        %swap3A_470 = vector.shape_cast %get3A_436 : vector<16xf32> to vector<1x1x16xf32>
        tpu.vector_store %arg7[%swap3A_465, %swap3A_466, %swap3A_467], %swap3A_470 {add = true, strides = array<i32>} : memref<5x128x128xf32, #tpu.memory_space<vmem>>, vector<1x1x16xf32>,
        %swap3A_471 = arith.constant 2 : i32
        %swap3A_472 = arith.index_cast %swap3A_471 : i32 to index
        %swap3A_473 = arith.index_cast %while3A_432 : i32 to index
        %swap3A_474 = arith.constant 16 : index
        %swap3A_475 = tpu.vector_load %arg7[%swap3A_472, %swap3A_473, %swap3A_474] {strides = array<i32>} : memref<5x128x128xf32, #tpu.memory_space<vmem>>, vector<1x1x16xf32>,
        %swap3A_476 = vector.shape_cast %swap3A_475 : vector<1x1x16xf32> to vector<16xf32>
        %swap3A_477 = vector.shape_cast %get3A_440 : vector<16xf32> to vector<1x1x16xf32>
        tpu.vector_store %arg7[%swap3A_472, %swap3A_473, %swap3A_474], %swap3A_477 {add = true, strides = array<i32>} : memref<5x128x128xf32, #tpu.memory_space<vmem>>, vector<1x1x16xf32>,
        %swap3A_478 = arith.constant 2 : i32
        %swap3A_479 = arith.index_cast %swap3A_478 : i32 to index
        %swap3A_480 = arith.index_cast %while3A_432 : i32 to index
        %swap3A_481 = arith.constant 32 : index
        %swap3A_482 = tpu.vector_load %arg7[%swap3A_479, %swap3A_480, %swap3A_481] {strides = array<i32>} : memref<5x128x128xf32, #tpu.memory_space<vmem>>, vector<1x1x16xf32>,
        %swap3A_483 = vector.shape_cast %swap3A_482 : vector<1x1x16xf32> to vector<16xf32>
        %swap3A_484 = vector.shape_cast %get3A_444 : vector<16xf32> to vector<1x1x16xf32>
        tpu.vector_store %arg7[%swap3A_479, %swap3A_480, %swap3A_481], %swap3A_484 {add = true, strides = array<i32>} : memref<5x128x128xf32, #tpu.memory_space<vmem>>, vector<1x1x16xf32>,
        %swap3A_485 = arith.constant 2 : i32
        %swap3A_486 = arith.index_cast %swap3A_485 : i32 to index
        %swap3A_487 = arith.index_cast %while3A_432 : i32 to index
        %swap3A_488 = arith.constant 48 : index
        %swap3A_489 = tpu.vector_load %arg7[%swap3A_486, %swap3A_487, %swap3A_488] {strides = array<i32>} : memref<5x128x128xf32, #tpu.memory_space<vmem>>, vector<1x1x16xf32>,
        %swap3A_490 = vector.shape_cast %swap3A_489 : vector<1x1x16xf32> to vector<16xf32>
        %swap3A_491 = vector.shape_cast %get3A_448 : vector<16xf32> to vector<1x1x16xf32>
        tpu.vector_store %arg7[%swap3A_486, %swap3A_487, %swap3A_488], %swap3A_491 {add = true, strides = array<i32>} : memref<5x128x128xf32, #tpu.memory_space<vmem>>, vector<1x1x16xf32>,
        %swap3A_492 = arith.constant 2 : i32
        %swap3A_493 = arith.index_cast %swap3A_492 : i32 to index
        %swap3A_494 = arith.index_cast %while3A_432 : i32 to index
        %swap3A_495 = arith.constant 64 : index
        %swap3A_496 = tpu.vector_load %arg7[%swap3A_493, %swap3A_494, %swap3A_495] {strides = array<i32>} : memref<5x128x128xf32, #tpu.memory_space<vmem>>, vector<1x1x16xf32>,
        %swap3A_497 = vector.shape_cast %swap3A_496 : vector<1x1x16xf32> to vector<16xf32>
        %swap3A_498 = vector.shape_cast %get3A_452 : vector<16xf32> to vector<1x1x16xf32>
        tpu.vector_store %arg7[%swap3A_493, %swap3A_494, %swap3A_495], %swap3A_498 {add = true, strides = array<i32>} : memref<5x128x128xf32, #tpu.memory_space<vmem>>, vector<1x1x16xf32>,
        %swap3A_499 = arith.constant 2 : i32
        %swap3A_500 = arith.index_cast %swap3A_499 : i32 to index
        %swap3A_501 = arith.index_cast %while3A_432 : i32 to index
        %swap3A_502 = arith.constant 80 : index
        %swap3A_503 = tpu.vector_load %arg7[%swap3A_500, %swap3A_501, %swap3A_502] {strides = array<i32>} : memref<5x128x128xf32, #tpu.memory_space<vmem>>, vector<1x1x16xf32>,
        %swap3A_504 = vector.shape_cast %swap3A_503 : vector<1x1x16xf32> to vector<16xf32>
        %swap3A_505 = vector.shape_cast %get3A_456 : vector<16xf32> to vector<1x1x16xf32>
        tpu.vector_store %arg7[%swap3A_500, %swap3A_501, %swap3A_502], %swap3A_505 {add = true, strides = array<i32>} : memref<5x128x128xf32, #tpu.memory_space<vmem>>, vector<1x1x16xf32>,
        %swap3A_506 = arith.constant 2 : i32
        %swap3A_507 = arith.index_cast %swap3A_506 : i32 to index
        %swap3A_508 = arith.index_cast %while3A_432 : i32 to index
        %swap3A_509 = arith.constant 96 : index
        %swap3A_510 = tpu.vector_load %arg7[%swap3A_507, %swap3A_508, %swap3A_509] {strides = array<i32>} : memref<5x128x128xf32, #tpu.memory_space<vmem>>, vector<1x1x16xf32>,
        %swap3A_511 = vector.shape_cast %swap3A_510 : vector<1x1x16xf32> to vector<16xf32>
        %swap3A_512 = vector.shape_cast %get3A_460 : vector<16xf32> to vector<1x1x16xf32>
        tpu.vector_store %arg7[%swap3A_507, %swap3A_508, %swap3A_509], %swap3A_512 {add = true, strides = array<i32>} : memref<5x128x128xf32, #tpu.memory_space<vmem>>, vector<1x1x16xf32>,
        %swap3A_513 = arith.constant 2 : i32
        %swap3A_514 = arith.index_cast %swap3A_513 : i32 to index
        %swap3A_515 = arith.index_cast %while3A_432 : i32 to index
        %swap3A_516 = arith.constant 112 : index
        %swap3A_517 = tpu.vector_load %arg7[%swap3A_514, %swap3A_515, %swap3A_516] {strides = array<i32>} : memref<5x128x128xf32, #tpu.memory_space<vmem>>, vector<1x1x16xf32>,
        %swap3A_518 = vector.shape_cast %swap3A_517 : vector<1x1x16xf32> to vector<16xf32>
        %swap3A_519 = vector.shape_cast %get3A_464 : vector<16xf32> to vector<1x1x16xf32>
        tpu.vector_store %arg7[%swap3A_514, %swap3A_515, %swap3A_516], %swap3A_519 {add = true, strides = array<i32>} : memref<5x128x128xf32, #tpu.memory_space<vmem>>, vector<1x1x16xf32>,
      }
      %while3A_267 = arith.constant 1 : i32
      scf.for %while3A_432 = %while3A_265 to %while3A_261 step %while3A_267  : i32 {
        %add3A_433 = arith.addi %rem3A_253, %while3A_432 : i32
        %get3A = arith.index_cast %add3A_433 : i32 to index
        %get3A_434 = arith.constant 0 : index
        %get3A_435 = tpu.vector_load %arg8[%get3A, %get3A_434] {strides = array<i32>} : memref<200x128xf32, #tpu.memory_space<vmem>>, vector<1x16xf32>,
        %get3A_436 = vector.shape_cast %get3A_435 : vector<1x16xf32> to vector<16xf32>
        %get3A_437 = arith.index_cast %add3A_433 : i32 to index
        %get3A_438 = arith.constant 16 : index
        %get3A_439 = tpu.vector_load %arg8[%get3A_437, %get3A_438] {strides = array<i32>} : memref<200x128xf32, #tpu.memory_space<vmem>>, vector<1x16xf32>,
        %get3A_440 = vector.shape_cast %get3A_439 : vector<1x16xf32> to vector<16xf32>
        %get3A_441 = arith.index_cast %add3A_433 : i32 to index
        %get3A_442 = arith.constant 32 : index
        %get3A_443 = tpu.vector_load %arg8[%get3A_441, %get3A_442] {strides = array<i32>} : memref<200x128xf32, #tpu.memory_space<vmem>>, vector<1x16xf32>,
        %get3A_444 = vector.shape_cast %get3A_443 : vector<1x16xf32> to vector<16xf32>
        %get3A_445 = arith.index_cast %add3A_433 : i32 to index
        %get3A_446 = arith.constant 48 : index
        %get3A_447 = tpu.vector_load %arg8[%get3A_445, %get3A_446] {strides = array<i32>} : memref<200x128xf32, #tpu.memory_space<vmem>>, vector<1x16xf32>,
        %get3A_448 = vector.shape_cast %get3A_447 : vector<1x16xf32> to vector<16xf32>
        %get3A_449 = arith.index_cast %add3A_433 : i32 to index
        %get3A_450 = arith.constant 64 : index
        %get3A_451 = tpu.vector_load %arg8[%get3A_449, %get3A_450] {strides = array<i32>} : memref<200x128xf32, #tpu.memory_space<vmem>>, vector<1x16xf32>,
        %get3A_452 = vector.shape_cast %get3A_451 : vector<1x16xf32> to vector<16xf32>
        %get3A_453 = arith.index_cast %add3A_433 : i32 to index
        %get3A_454 = arith.constant 80 : index
        %get3A_455 = tpu.vector_load %arg8[%get3A_453, %get3A_454] {strides = array<i32>} : memref<200x128xf32, #tpu.memory_space<vmem>>, vector<1x16xf32>,
        %get3A_456 = vector.shape_cast %get3A_455 : vector<1x16xf32> to vector<16xf32>
        %get3A_457 = arith.index_cast %add3A_433 : i32 to index
        %get3A_458 = arith.constant 96 : index
        %get3A_459 = tpu.vector_load %arg8[%get3A_457, %get3A_458] {strides = array<i32>} : memref<200x128xf32, #tpu.memory_space<vmem>>, vector<1x16xf32>,
        %get3A_460 = vector.shape_cast %get3A_459 : vector<1x16xf32> to vector<16xf32>
        %get3A_461 = arith.index_cast %add3A_433 : i32 to index
        %get3A_462 = arith.constant 112 : index
        %get3A_463 = tpu.vector_load %arg8[%get3A_461, %get3A_462] {strides = array<i32>} : memref<200x128xf32, #tpu.memory_space<vmem>>, vector<1x16xf32>,
        %get3A_464 = vector.shape_cast %get3A_463 : vector<1x16xf32> to vector<16xf32>
        %swap3A = arith.constant 2 : i32
        %swap3A_465 = arith.index_cast %swap3A : i32 to index
        %swap3A_466 = arith.index_cast %while3A_432 : i32 to index
        %swap3A_467 = arith.constant 0 : index
        %swap3A_468 = tpu.vector_load %arg7[%swap3A_465, %swap3A_466, %swap3A_467] {strides = array<i32>} : memref<5x128x128xf32, #tpu.memory_space<vmem>>, vector<1x1x16xf32>,
        %swap3A_469 = vector.shape_cast %swap3A_468 : vector<1x1x16xf32> to vector<16xf32>
        %swap3A_470 = vector.shape_cast %get3A_436 : vector<16xf32> to vector<1x1x16xf32>
        tpu.vector_store %arg7[%swap3A_465, %swap3A_466, %swap3A_467], %swap3A_470 {add = true, strides = array<i32>} : memref<5x128x128xf32, #tpu.memory_space<vmem>>, vector<1x1x16xf32>,
        %swap3A_471 = arith.constant 2 : i32
        %swap3A_472 = arith.index_cast %swap3A_471 : i32 to index
        %swap3A_473 = arith.index_cast %while3A_432 : i32 to index
        %swap3A_474 = arith.constant 16 : index
        %swap3A_475 = tpu.vector_load %arg7[%swap3A_472, %swap3A_473, %swap3A_474] {strides = array<i32>} : memref<5x128x128xf32, #tpu.memory_space<vmem>>, vector<1x1x16xf32>,
        %swap3A_476 = vector.shape_cast %swap3A_475 : vector<1x1x16xf32> to vector<16xf32>
        %swap3A_477 = vector.shape_cast %get3A_440 : vector<16xf32> to vector<1x1x16xf32>
        tpu.vector_store %arg7[%swap3A_472, %swap3A_473, %swap3A_474], %swap3A_477 {add = true, strides = array<i32>} : memref<5x128x128xf32, #tpu.memory_space<vmem>>, vector<1x1x16xf32>,
        %swap3A_478 = arith.constant 2 : i32
        %swap3A_479 = arith.index_cast %swap3A_478 : i32 to index
        %swap3A_480 = arith.index_cast %while3A_432 : i32 to index
        %swap3A_481 = arith.constant 32 : index
        %swap3A_482 = tpu.vector_load %arg7[%swap3A_479, %swap3A_480, %swap3A_481] {strides = array<i32>} : memref<5x128x128xf32, #tpu.memory_space<vmem>>, vector<1x1x16xf32>,
        %swap3A_483 = vector.shape_cast %swap3A_482 : vector<1x1x16xf32> to vector<16xf32>
        %swap3A_484 = vector.shape_cast %get3A_444 : vector<16xf32> to vector<1x1x16xf32>
        tpu.vector_store %arg7[%swap3A_479, %swap3A_480, %swap3A_481], %swap3A_484 {add = true, strides = array<i32>} : memref<5x128x128xf32, #tpu.memory_space<vmem>>, vector<1x1x16xf32>,
        %swap3A_485 = arith.constant 2 : i32
        %swap3A_486 = arith.index_cast %swap3A_485 : i32 to index
        %swap3A_487 = arith.index_cast %while3A_432 : i32 to index
        %swap3A_488 = arith.constant 48 : index
        %swap3A_489 = tpu.vector_load %arg7[%swap3A_486, %swap3A_487, %swap3A_488] {strides = array<i32>} : memref<5x128x128xf32, #tpu.memory_space<vmem>>, vector<1x1x16xf32>,
        %swap3A_490 = vector.shape_cast %swap3A_489 : vector<1x1x16xf32> to vector<16xf32>
        %swap3A_491 = vector.shape_cast %get3A_448 : vector<16xf32> to vector<1x1x16xf32>
        tpu.vector_store %arg7[%swap3A_486, %swap3A_487, %swap3A_488], %swap3A_491 {add = true, strides = array<i32>} : memref<5x128x128xf32, #tpu.memory_space<vmem>>, vector<1x1x16xf32>,
        %swap3A_492 = arith.constant 2 : i32
        %swap3A_493 = arith.index_cast %swap3A_492 : i32 to index
        %swap3A_494 = arith.index_cast %while3A_432 : i32 to index
        %swap3A_495 = arith.constant 64 : index
        %swap3A_496 = tpu.vector_load %arg7[%swap3A_493, %swap3A_494, %swap3A_495] {strides = array<i32>} : memref<5x128x128xf32, #tpu.memory_space<vmem>>, vector<1x1x16xf32>,
        %swap3A_497 = vector.shape_cast %swap3A_496 : vector<1x1x16xf32> to vector<16xf32>
        %swap3A_498 = vector.shape_cast %get3A_452 : vector<16xf32> to vector<1x1x16xf32>
        tpu.vector_store %arg7[%swap3A_493, %swap3A_494, %swap3A_495], %swap3A_498 {add = true, strides = array<i32>} : memref<5x128x128xf32, #tpu.memory_space<vmem>>, vector<1x1x16xf32>,
        %swap3A_499 = arith.constant 2 : i32
        %swap3A_500 = arith.index_cast %swap3A_499 : i32 to index
        %swap3A_501 = arith.index_cast %while3A_432 : i32 to index
        %swap3A_502 = arith.constant 80 : index
        %swap3A_503 = tpu.vector_load %arg7[%swap3A_500, %swap3A_501, %swap3A_502] {strides = array<i32>} : memref<5x128x128xf32, #tpu.memory_space<vmem>>, vector<1x1x16xf32>,
        %swap3A_504 = vector.shape_cast %swap3A_503 : vector<1x1x16xf32> to vector<16xf32>
        %swap3A_505 = vector.shape_cast %get3A_456 : vector<16xf32> to vector<1x1x16xf32>
        tpu.vector_store %arg7[%swap3A_500, %swap3A_501, %swap3A_502], %swap3A_505 {add = true, strides = array<i32>} : memref<5x128x128xf32, #tpu.memory_space<vmem>>, vector<1x1x16xf32>,
        %swap3A_506 = arith.constant 2 : i32
        %swap3A_507 = arith.index_cast %swap3A_506 : i32 to index
        %swap3A_508 = arith.index_cast %while3A_432 : i32 to index
        %swap3A_509 = arith.constant 96 : index
        %swap3A_510 = tpu.vector_load %arg7[%swap3A_507, %swap3A_508, %swap3A_509] {strides = array<i32>} : memref<5x128x128xf32, #tpu.memory_space<vmem>>, vector<1x1x16xf32>,
        %swap3A_511 = vector.shape_cast %swap3A_510 : vector<1x1x16xf32> to vector<16xf32>
        %swap3A_512 = vector.shape_cast %get3A_460 : vector<16xf32> to vector<1x1x16xf32>
        tpu.vector_store %arg7[%swap3A_507, %swap3A_508, %swap3A_509], %swap3A_512 {add = true, strides = array<i32>} : memref<5x128x128xf32, #tpu.memory_space<vmem>>, vector<1x1x16xf32>,
        %swap3A_513 = arith.constant 2 : i32
        %swap3A_514 = arith.index_cast %swap3A_513 : i32 to index
        %swap3A_515 = arith.index_cast %while3A_432 : i32 to index
        %swap3A_516 = arith.constant 112 : index
        %swap3A_517 = tpu.vector_load %arg7[%swap3A_514, %swap3A_515, %swap3A_516] {strides = array<i32>} : memref<5x128x128xf32, #tpu.memory_space<vmem>>, vector<1x1x16xf32>,
        %swap3A_518 = vector.shape_cast %swap3A_517 : vector<1x1x16xf32> to vector<16xf32>
        %swap3A_519 = vector.shape_cast %get3A_464 : vector<16xf32> to vector<1x1x16xf32>
        tpu.vector_store %arg7[%swap3A_514, %swap3A_515, %swap3A_516], %swap3A_519 {add = true, strides = array<i32>} : memref<5x128x128xf32, #tpu.memory_space<vmem>>, vector<1x1x16xf32>,
      }
      %neg3A_268 = arith.constant 0 : i32
      %neg3A_269 = arith.subi %neg3A_268, %min3A_257 : i32
      %while3A_270 = arith.constant 0 : i32
      %while3A_271 = arith.constant 128 : i32
      %while3A_272 = arith.subi %while3A_271, %min3A_257 : i32
      %while3A_273 = arith.addi %min3A_257, %while3A_272 : i32
      %while3A_274 = arith.constant 1 : i32
      %while3A_275 = arith.divsi %while3A_272, %while3A_274 : i32
      %while3A_276 = arith.muli %while3A_275, %while3A_274 : i32
      %while3A_277 = arith.addi %min3A_257, %while3A_276 : i32
      %while3A_278 = arith.constant 1 : i32
      scf.for %while3A_432 = %min3A_257 to %while3A_277 step %while3A_278  : i32 {
        %add3A_433 = arith.addi %neg3A_269, %while3A_432 : i32
        %get3A = arith.index_cast %add3A_433 : i32 to index
        %get3A_434 = arith.constant 0 : index
        %get3A_435 = tpu.vector_load %arg8[%get3A, %get3A_434] {strides = array<i32>} : memref<200x128xf32, #tpu.memory_space<vmem>>, vector<1x16xf32>,
        %get3A_436 = vector.shape_cast %get3A_435 : vector<1x16xf32> to vector<16xf32>
        %get3A_437 = arith.index_cast %add3A_433 : i32 to index
        %get3A_438 = arith.constant 16 : index
        %get3A_439 = tpu.vector_load %arg8[%get3A_437, %get3A_438] {strides = array<i32>} : memref<200x128xf32, #tpu.memory_space<vmem>>, vector<1x16xf32>,
        %get3A_440 = vector.shape_cast %get3A_439 : vector<1x16xf32> to vector<16xf32>
        %get3A_441 = arith.index_cast %add3A_433 : i32 to index
        %get3A_442 = arith.constant 32 : index
        %get3A_443 = tpu.vector_load %arg8[%get3A_441, %get3A_442] {strides = array<i32>} : memref<200x128xf32, #tpu.memory_space<vmem>>, vector<1x16xf32>,
        %get3A_444 = vector.shape_cast %get3A_443 : vector<1x16xf32> to vector<16xf32>
        %get3A_445 = arith.index_cast %add3A_433 : i32 to index
        %get3A_446 = arith.constant 48 : index
        %get3A_447 = tpu.vector_load %arg8[%get3A_445, %get3A_446] {strides = array<i32>} : memref<200x128xf32, #tpu.memory_space<vmem>>, vector<1x16xf32>,
        %get3A_448 = vector.shape_cast %get3A_447 : vector<1x16xf32> to vector<16xf32>
        %get3A_449 = arith.index_cast %add3A_433 : i32 to index
        %get3A_450 = arith.constant 64 : index
        %get3A_451 = tpu.vector_load %arg8[%get3A_449, %get3A_450] {strides = array<i32>} : memref<200x128xf32, #tpu.memory_space<vmem>>, vector<1x16xf32>,
        %get3A_452 = vector.shape_cast %get3A_451 : vector<1x16xf32> to vector<16xf32>
        %get3A_453 = arith.index_cast %add3A_433 : i32 to index
        %get3A_454 = arith.constant 80 : index
        %get3A_455 = tpu.vector_load %arg8[%get3A_453, %get3A_454] {strides = array<i32>} : memref<200x128xf32, #tpu.memory_space<vmem>>, vector<1x16xf32>,
        %get3A_456 = vector.shape_cast %get3A_455 : vector<1x16xf32> to vector<16xf32>
        %get3A_457 = arith.index_cast %add3A_433 : i32 to index
        %get3A_458 = arith.constant 96 : index
        %get3A_459 = tpu.vector_load %arg8[%get3A_457, %get3A_458] {strides = array<i32>} : memref<200x128xf32, #tpu.memory_space<vmem>>, vector<1x16xf32>,
        %get3A_460 = vector.shape_cast %get3A_459 : vector<1x16xf32> to vector<16xf32>
        %get3A_461 = arith.index_cast %add3A_433 : i32 to index
        %get3A_462 = arith.constant 112 : index
        %get3A_463 = tpu.vector_load %arg8[%get3A_461, %get3A_462] {strides = array<i32>} : memref<200x128xf32, #tpu.memory_space<vmem>>, vector<1x16xf32>,
        %get3A_464 = vector.shape_cast %get3A_463 : vector<1x16xf32> to vector<16xf32>
        %swap3A = arith.constant 2 : i32
        %swap3A_465 = arith.index_cast %swap3A : i32 to index
        %swap3A_466 = arith.index_cast %while3A_432 : i32 to index
        %swap3A_467 = arith.constant 0 : index
        %swap3A_468 = tpu.vector_load %arg7[%swap3A_465, %swap3A_466, %swap3A_467] {strides = array<i32>} : memref<5x128x128xf32, #tpu.memory_space<vmem>>, vector<1x1x16xf32>,
        %swap3A_469 = vector.shape_cast %swap3A_468 : vector<1x1x16xf32> to vector<16xf32>
        %swap3A_470 = vector.shape_cast %get3A_436 : vector<16xf32> to vector<1x1x16xf32>
        tpu.vector_store %arg7[%swap3A_465, %swap3A_466, %swap3A_467], %swap3A_470 {add = true, strides = array<i32>} : memref<5x128x128xf32, #tpu.memory_space<vmem>>, vector<1x1x16xf32>,
        %swap3A_471 = arith.constant 2 : i32
        %swap3A_472 = arith.index_cast %swap3A_471 : i32 to index
        %swap3A_473 = arith.index_cast %while3A_432 : i32 to index
        %swap3A_474 = arith.constant 16 : index
        %swap3A_475 = tpu.vector_load %arg7[%swap3A_472, %swap3A_473, %swap3A_474] {strides = array<i32>} : memref<5x128x128xf32, #tpu.memory_space<vmem>>, vector<1x1x16xf32>,
        %swap3A_476 = vector.shape_cast %swap3A_475 : vector<1x1x16xf32> to vector<16xf32>
        %swap3A_477 = vector.shape_cast %get3A_440 : vector<16xf32> to vector<1x1x16xf32>
        tpu.vector_store %arg7[%swap3A_472, %swap3A_473, %swap3A_474], %swap3A_477 {add = true, strides = array<i32>} : memref<5x128x128xf32, #tpu.memory_space<vmem>>, vector<1x1x16xf32>,
        %swap3A_478 = arith.constant 2 : i32
        %swap3A_479 = arith.index_cast %swap3A_478 : i32 to index
        %swap3A_480 = arith.index_cast %while3A_432 : i32 to index
        %swap3A_481 = arith.constant 32 : index
        %swap3A_482 = tpu.vector_load %arg7[%swap3A_479, %swap3A_480, %swap3A_481] {strides = array<i32>} : memref<5x128x128xf32, #tpu.memory_space<vmem>>, vector<1x1x16xf32>,
        %swap3A_483 = vector.shape_cast %swap3A_482 : vector<1x1x16xf32> to vector<16xf32>
        %swap3A_484 = vector.shape_cast %get3A_444 : vector<16xf32> to vector<1x1x16xf32>
        tpu.vector_store %arg7[%swap3A_479, %swap3A_480, %swap3A_481], %swap3A_484 {add = true, strides = array<i32>} : memref<5x128x128xf32, #tpu.memory_space<vmem>>, vector<1x1x16xf32>,
        %swap3A_485 = arith.constant 2 : i32
        %swap3A_486 = arith.index_cast %swap3A_485 : i32 to index
        %swap3A_487 = arith.index_cast %while3A_432 : i32 to index
        %swap3A_488 = arith.constant 48 : index
        %swap3A_489 = tpu.vector_load %arg7[%swap3A_486, %swap3A_487, %swap3A_488] {strides = array<i32>} : memref<5x128x128xf32, #tpu.memory_space<vmem>>, vector<1x1x16xf32>,
        %swap3A_490 = vector.shape_cast %swap3A_489 : vector<1x1x16xf32> to vector<16xf32>
        %swap3A_491 = vector.shape_cast %get3A_448 : vector<16xf32> to vector<1x1x16xf32>
        tpu.vector_store %arg7[%swap3A_486, %swap3A_487, %swap3A_488], %swap3A_491 {add = true, strides = array<i32>} : memref<5x128x128xf32, #tpu.memory_space<vmem>>, vector<1x1x16xf32>,
        %swap3A_492 = arith.constant 2 : i32
        %swap3A_493 = arith.index_cast %swap3A_492 : i32 to index
        %swap3A_494 = arith.index_cast %while3A_432 : i32 to index
        %swap3A_495 = arith.constant 64 : index
        %swap3A_496 = tpu.vector_load %arg7[%swap3A_493, %swap3A_494, %swap3A_495] {strides = array<i32>} : memref<5x128x128xf32, #tpu.memory_space<vmem>>, vector<1x1x16xf32>,
        %swap3A_497 = vector.shape_cast %swap3A_496 : vector<1x1x16xf32> to vector<16xf32>
        %swap3A_498 = vector.shape_cast %get3A_452 : vector<16xf32> to vector<1x1x16xf32>
        tpu.vector_store %arg7[%swap3A_493, %swap3A_494, %swap3A_495], %swap3A_498 {add = true, strides = array<i32>} : memref<5x128x128xf32, #tpu.memory_space<vmem>>, vector<1x1x16xf32>,
        %swap3A_499 = arith.constant 2 : i32
        %swap3A_500 = arith.index_cast %swap3A_499 : i32 to index
        %swap3A_501 = arith.index_cast %while3A_432 : i32 to index
        %swap3A_502 = arith.constant 80 : index
        %swap3A_503 = tpu.vector_load %arg7[%swap3A_500, %swap3A_501, %swap3A_502] {strides = array<i32>} : memref<5x128x128xf32, #tpu.memory_space<vmem>>, vector<1x1x16xf32>,
        %swap3A_504 = vector.shape_cast %swap3A_503 : vector<1x1x16xf32> to vector<16xf32>
        %swap3A_505 = vector.shape_cast %get3A_456 : vector<16xf32> to vector<1x1x16xf32>
        tpu.vector_store %arg7[%swap3A_500, %swap3A_501, %swap3A_502], %swap3A_505 {add = true, strides = array<i32>} : memref<5x128x128xf32, #tpu.memory_space<vmem>>, vector<1x1x16xf32>,
        %swap3A_506 = arith.constant 2 : i32
        %swap3A_507 = arith.index_cast %swap3A_506 : i32 to index
        %swap3A_508 = arith.index_cast %while3A_432 : i32 to index
        %swap3A_509 = arith.constant 96 : index
        %swap3A_510 = tpu.vector_load %arg7[%swap3A_507, %swap3A_508, %swap3A_509] {strides = array<i32>} : memref<5x128x128xf32, #tpu.memory_space<vmem>>, vector<1x1x16xf32>,
        %swap3A_511 = vector.shape_cast %swap3A_510 : vector<1x1x16xf32> to vector<16xf32>
        %swap3A_512 = vector.shape_cast %get3A_460 : vector<16xf32> to vector<1x1x16xf32>
        tpu.vector_store %arg7[%swap3A_507, %swap3A_508, %swap3A_509], %swap3A_512 {add = true, strides = array<i32>} : memref<5x128x128xf32, #tpu.memory_space<vmem>>, vector<1x1x16xf32>,
        %swap3A_513 = arith.constant 2 : i32
        %swap3A_514 = arith.index_cast %swap3A_513 : i32 to index
        %swap3A_515 = arith.index_cast %while3A_432 : i32 to index
        %swap3A_516 = arith.constant 112 : index
        %swap3A_517 = tpu.vector_load %arg7[%swap3A_514, %swap3A_515, %swap3A_516] {strides = array<i32>} : memref<5x128x128xf32, #tpu.memory_space<vmem>>, vector<1x1x16xf32>,
        %swap3A_518 = vector.shape_cast %swap3A_517 : vector<1x1x16xf32> to vector<16xf32>
        %swap3A_519 = vector.shape_cast %get3A_464 : vector<16xf32> to vector<1x1x16xf32>
        tpu.vector_store %arg7[%swap3A_514, %swap3A_515, %swap3A_516], %swap3A_519 {add = true, strides = array<i32>} : memref<5x128x128xf32, #tpu.memory_space<vmem>>, vector<1x1x16xf32>,
      }
      %while3A_279 = arith.constant 1 : i32
      scf.for %while3A_432 = %while3A_277 to %while3A_273 step %while3A_279  : i32 {
        %add3A_433 = arith.addi %neg3A_269, %while3A_432 : i32
        %get3A = arith.index_cast %add3A_433 : i32 to index
        %get3A_434 = arith.constant 0 : index
        %get3A_435 = tpu.vector_load %arg8[%get3A, %get3A_434] {strides = array<i32>} : memref<200x128xf32, #tpu.memory_space<vmem>>, vector<1x16xf32>,
        %get3A_436 = vector.shape_cast %get3A_435 : vector<1x16xf32> to vector<16xf32>
        %get3A_437 = arith.index_cast %add3A_433 : i32 to index
        %get3A_438 = arith.constant 16 : index
        %get3A_439 = tpu.vector_load %arg8[%get3A_437, %get3A_438] {strides = array<i32>} : memref<200x128xf32, #tpu.memory_space<vmem>>, vector<1x16xf32>,
        %get3A_440 = vector.shape_cast %get3A_439 : vector<1x16xf32> to vector<16xf32>
        %get3A_441 = arith.index_cast %add3A_433 : i32 to index
        %get3A_442 = arith.constant 32 : index
        %get3A_443 = tpu.vector_load %arg8[%get3A_441, %get3A_442] {strides = array<i32>} : memref<200x128xf32, #tpu.memory_space<vmem>>, vector<1x16xf32>,
        %get3A_444 = vector.shape_cast %get3A_443 : vector<1x16xf32> to vector<16xf32>
        %get3A_445 = arith.index_cast %add3A_433 : i32 to index
        %get3A_446 = arith.constant 48 : index
        %get3A_447 = tpu.vector_load %arg8[%get3A_445, %get3A_446] {strides = array<i32>} : memref<200x128xf32, #tpu.memory_space<vmem>>, vector<1x16xf32>,
        %get3A_448 = vector.shape_cast %get3A_447 : vector<1x16xf32> to vector<16xf32>
        %get3A_449 = arith.index_cast %add3A_433 : i32 to index
        %get3A_450 = arith.constant 64 : index
        %get3A_451 = tpu.vector_load %arg8[%get3A_449, %get3A_450] {strides = array<i32>} : memref<200x128xf32, #tpu.memory_space<vmem>>, vector<1x16xf32>,
        %get3A_452 = vector.shape_cast %get3A_451 : vector<1x16xf32> to vector<16xf32>
        %get3A_453 = arith.index_cast %add3A_433 : i32 to index
        %get3A_454 = arith.constant 80 : index
        %get3A_455 = tpu.vector_load %arg8[%get3A_453, %get3A_454] {strides = array<i32>} : memref<200x128xf32, #tpu.memory_space<vmem>>, vector<1x16xf32>,
        %get3A_456 = vector.shape_cast %get3A_455 : vector<1x16xf32> to vector<16xf32>
        %get3A_457 = arith.index_cast %add3A_433 : i32 to index
        %get3A_458 = arith.constant 96 : index
        %get3A_459 = tpu.vector_load %arg8[%get3A_457, %get3A_458] {strides = array<i32>} : memref<200x128xf32, #tpu.memory_space<vmem>>, vector<1x16xf32>,
        %get3A_460 = vector.shape_cast %get3A_459 : vector<1x16xf32> to vector<16xf32>
        %get3A_461 = arith.index_cast %add3A_433 : i32 to index
        %get3A_462 = arith.constant 112 : index
        %get3A_463 = tpu.vector_load %arg8[%get3A_461, %get3A_462] {strides = array<i32>} : memref<200x128xf32, #tpu.memory_space<vmem>>, vector<1x16xf32>,
        %get3A_464 = vector.shape_cast %get3A_463 : vector<1x16xf32> to vector<16xf32>
        %swap3A = arith.constant 2 : i32
        %swap3A_465 = arith.index_cast %swap3A : i32 to index
        %swap3A_466 = arith.index_cast %while3A_432 : i32 to index
        %swap3A_467 = arith.constant 0 : index
        %swap3A_468 = tpu.vector_load %arg7[%swap3A_465, %swap3A_466, %swap3A_467] {strides = array<i32>} : memref<5x128x128xf32, #tpu.memory_space<vmem>>, vector<1x1x16xf32>,
        %swap3A_469 = vector.shape_cast %swap3A_468 : vector<1x1x16xf32> to vector<16xf32>
        %swap3A_470 = vector.shape_cast %get3A_436 : vector<16xf32> to vector<1x1x16xf32>
        tpu.vector_store %arg7[%swap3A_465, %swap3A_466, %swap3A_467], %swap3A_470 {add = true, strides = array<i32>} : memref<5x128x128xf32, #tpu.memory_space<vmem>>, vector<1x1x16xf32>,
        %swap3A_471 = arith.constant 2 : i32
        %swap3A_472 = arith.index_cast %swap3A_471 : i32 to index
        %swap3A_473 = arith.index_cast %while3A_432 : i32 to index
        %swap3A_474 = arith.constant 16 : index
        %swap3A_475 = tpu.vector_load %arg7[%swap3A_472, %swap3A_473, %swap3A_474] {strides = array<i32>} : memref<5x128x128xf32, #tpu.memory_space<vmem>>, vector<1x1x16xf32>,
        %swap3A_476 = vector.shape_cast %swap3A_475 : vector<1x1x16xf32> to vector<16xf32>
        %swap3A_477 = vector.shape_cast %get3A_440 : vector<16xf32> to vector<1x1x16xf32>
        tpu.vector_store %arg7[%swap3A_472, %swap3A_473, %swap3A_474], %swap3A_477 {add = true, strides = array<i32>} : memref<5x128x128xf32, #tpu.memory_space<vmem>>, vector<1x1x16xf32>,
        %swap3A_478 = arith.constant 2 : i32
        %swap3A_479 = arith.index_cast %swap3A_478 : i32 to index
        %swap3A_480 = arith.index_cast %while3A_432 : i32 to index
        %swap3A_481 = arith.constant 32 : index
        %swap3A_482 = tpu.vector_load %arg7[%swap3A_479, %swap3A_480, %swap3A_481] {strides = array<i32>} : memref<5x128x128xf32, #tpu.memory_space<vmem>>, vector<1x1x16xf32>,
        %swap3A_483 = vector.shape_cast %swap3A_482 : vector<1x1x16xf32> to vector<16xf32>
        %swap3A_484 = vector.shape_cast %get3A_444 : vector<16xf32> to vector<1x1x16xf32>
        tpu.vector_store %arg7[%swap3A_479, %swap3A_480, %swap3A_481], %swap3A_484 {add = true, strides = array<i32>} : memref<5x128x128xf32, #tpu.memory_space<vmem>>, vector<1x1x16xf32>,
        %swap3A_485 = arith.constant 2 : i32
        %swap3A_486 = arith.index_cast %swap3A_485 : i32 to index
        %swap3A_487 = arith.index_cast %while3A_432 : i32 to index
        %swap3A_488 = arith.constant 48 : index
        %swap3A_489 = tpu.vector_load %arg7[%swap3A_486, %swap3A_487, %swap3A_488] {strides = array<i32>} : memref<5x128x128xf32, #tpu.memory_space<vmem>>, vector<1x1x16xf32>,
        %swap3A_490 = vector.shape_cast %swap3A_489 : vector<1x1x16xf32> to vector<16xf32>
        %swap3A_491 = vector.shape_cast %get3A_448 : vector<16xf32> to vector<1x1x16xf32>
        tpu.vector_store %arg7[%swap3A_486, %swap3A_487, %swap3A_488], %swap3A_491 {add = true, strides = array<i32>} : memref<5x128x128xf32, #tpu.memory_space<vmem>>, vector<1x1x16xf32>,
        %swap3A_492 = arith.constant 2 : i32
        %swap3A_493 = arith.index_cast %swap3A_492 : i32 to index
        %swap3A_494 = arith.index_cast %while3A_432 : i32 to index
        %swap3A_495 = arith.constant 64 : index
        %swap3A_496 = tpu.vector_load %arg7[%swap3A_493, %swap3A_494, %swap3A_495] {strides = array<i32>} : memref<5x128x128xf32, #tpu.memory_space<vmem>>, vector<1x1x16xf32>,
        %swap3A_497 = vector.shape_cast %swap3A_496 : vector<1x1x16xf32> to vector<16xf32>
        %swap3A_498 = vector.shape_cast %get3A_452 : vector<16xf32> to vector<1x1x16xf32>
        tpu.vector_store %arg7[%swap3A_493, %swap3A_494, %swap3A_495], %swap3A_498 {add = true, strides = array<i32>} : memref<5x128x128xf32, #tpu.memory_space<vmem>>, vector<1x1x16xf32>,
        %swap3A_499 = arith.constant 2 : i32
        %swap3A_500 = arith.index_cast %swap3A_499 : i32 to index
        %swap3A_501 = arith.index_cast %while3A_432 : i32 to index
        %swap3A_502 = arith.constant 80 : index
        %swap3A_503 = tpu.vector_load %arg7[%swap3A_500, %swap3A_501, %swap3A_502] {strides = array<i32>} : memref<5x128x128xf32, #tpu.memory_space<vmem>>, vector<1x1x16xf32>,
        %swap3A_504 = vector.shape_cast %swap3A_503 : vector<1x1x16xf32> to vector<16xf32>
        %swap3A_505 = vector.shape_cast %get3A_456 : vector<16xf32> to vector<1x1x16xf32>
        tpu.vector_store %arg7[%swap3A_500, %swap3A_501, %swap3A_502], %swap3A_505 {add = true, strides = array<i32>} : memref<5x128x128xf32, #tpu.memory_space<vmem>>, vector<1x1x16xf32>,
        %swap3A_506 = arith.constant 2 : i32
        %swap3A_507 = arith.index_cast %swap3A_506 : i32 to index
        %swap3A_508 = arith.index_cast %while3A_432 : i32 to index
        %swap3A_509 = arith.constant 96 : index
        %swap3A_510 = tpu.vector_load %arg7[%swap3A_507, %swap3A_508, %swap3A_509] {strides = array<i32>} : memref<5x128x128xf32, #tpu.memory_space<vmem>>, vector<1x1x16xf32>,
        %swap3A_511 = vector.shape_cast %swap3A_510 : vector<1x1x16xf32> to vector<16xf32>
        %swap3A_512 = vector.shape_cast %get3A_460 : vector<16xf32> to vector<1x1x16xf32>
        tpu.vector_store %arg7[%swap3A_507, %swap3A_508, %swap3A_509], %swap3A_512 {add = true, strides = array<i32>} : memref<5x128x128xf32, #tpu.memory_space<vmem>>, vector<1x1x16xf32>,
        %swap3A_513 = arith.constant 2 : i32
        %swap3A_514 = arith.index_cast %swap3A_513 : i32 to index
        %swap3A_515 = arith.index_cast %while3A_432 : i32 to index
        %swap3A_516 = arith.constant 112 : index
        %swap3A_517 = tpu.vector_load %arg7[%swap3A_514, %swap3A_515, %swap3A_516] {strides = array<i32>} : memref<5x128x128xf32, #tpu.memory_space<vmem>>, vector<1x1x16xf32>,
        %swap3A_518 = vector.shape_cast %swap3A_517 : vector<1x1x16xf32> to vector<16xf32>
        %swap3A_519 = vector.shape_cast %get3A_464 : vector<16xf32> to vector<1x1x16xf32>
        tpu.vector_store %arg7[%swap3A_514, %swap3A_515, %swap3A_516], %swap3A_519 {add = true, strides = array<i32>} : memref<5x128x128xf32, #tpu.memory_space<vmem>>, vector<1x1x16xf32>,
      }
      %mul3A_280 = arith.constant 128 : i32
      %mul3A_281 = arith.muli %add3A_232, %mul3A_280 : i32
      %add3A_282 = arith.addi %mul3A_2, %mul3A_281 : i32
      %dma_start3A_283 = arith.constant 2 : i32
      %dma_start3A_284 = arith.constant 0 : i32
      %dma_start3A_285 = arith.constant 0 : i32
      %dma_start3A_286 = tpu.memref_slice %arg7[%dma_start3A_283, %dma_start3A_284, %dma_start3A_285] : memref<5x128x128xf32, #tpu.memory_space<vmem>> -> memref<1x128x128xf32, #tpu.memory_space<vmem>>
      %dma_start3A_287 = tpu.memref_squeeze %dma_start3A_286 : memref<1x128x128xf32, #tpu.memory_space<vmem>> -> memref<128x128xf32, #tpu.memory_space<vmem>>
      %dma_start3A_288 = arith.constant 0 : i32
      %dma_start3A_289 = tpu.memref_slice %arg5[%add3A_282, %dma_start3A_288] : memref<204800x128xf32, #tpu.memory_space<hbm>> -> memref<128x128xf32, #tpu.memory_space<hbm>>
      %dma_start3A_290 = arith.constant 0 : i32
      %dma_start3A_291 = tpu.memref_slice %arg5[%add3A_282, %dma_start3A_290] : memref<204800x128xf32, #tpu.memory_space<hbm>> -> memref<128x128xf32, #tpu.memory_space<hbm>>
      %dma_start3A_292 = arith.constant 0 : i32
      %dma_start3A_293 = arith.constant 0 : i32
      %dma_start3A_294 = tpu.memref_slice %arg7[%dma_start3A_283, %dma_start3A_292, %dma_start3A_293] : memref<5x128x128xf32, #tpu.memory_space<vmem>> -> memref<1x128x128xf32, #tpu.memory_space<vmem>>
      %dma_start3A_295 = tpu.memref_squeeze %dma_start3A_294 : memref<1x128x128xf32, #tpu.memory_space<vmem>> -> memref<128x128xf32, #tpu.memory_space<vmem>>
      tpu.enqueue_dma source(%dma_start3A_295 : memref<128x128xf32, #tpu.memory_space<vmem>>) target(%dma_start3A_291 : memref<128x128xf32, #tpu.memory_space<hbm>>) target_semaphore(%arg17 : memref<!tpu.dma_semaphore, #tpu.memory_space<semaphore_mem>>)
      %mul3A_296 = arith.constant 5 : i32
      %mul3A_297 = arith.muli %scan3A_70, %mul3A_296 : i32
      %add3A_298 = arith.constant 3 : i32
      %add3A_299 = arith.addi %mul3A_297, %add3A_298 : i32
      %mul3A_300 = arith.constant 128 : i32
      %mul3A_301 = arith.muli %add3A_299, %mul3A_300 : i32
      %multiple_of3A_302 = tpu.assume_multiple %mul3A_301, 128 : i32
      %dma_wait3A_303 = arith.constant 3 : i32
      %dma_wait3A_304 = arith.constant 0 : i32
      %dma_wait3A_305 = arith.constant 0 : i32
      %dma_wait3A_306 = tpu.memref_slice %arg7[%dma_wait3A_303, %dma_wait3A_304, %dma_wait3A_305] : memref<5x128x128xf32, #tpu.memory_space<vmem>> -> memref<1x128x128xf32, #tpu.memory_space<vmem>>
      %dma_wait3A_307 = tpu.memref_squeeze %dma_wait3A_306 : memref<1x128x128xf32, #tpu.memory_space<vmem>> -> memref<128x128xf32, #tpu.memory_space<vmem>>
      %dma_wait3A_308 = tpu.memref_slice %arg6[%multiple_of3A_302] : memref<6400xi32, #tpu.memory_space<vmem>> -> memref<128xi32, #tpu.memory_space<vmem>>
      %dma_wait3A_309 = arith.constant 0 : i32
      %dma_wait3A_310 = arith.constant 0 : i32
      %dma_wait3A_311 = tpu.memref_slice %arg9[%dma_wait3A_309, %dma_wait3A_310] : memref<512x128xf32, #tpu.memory_space<vmem_shared>> -> memref<512x128xf32, #tpu.memory_space<vmem_shared>>
      tpu.wait_indirect_dma semaphore(%arg13 : memref<!tpu.dma_semaphore, #tpu.memory_space<semaphore_mem>>) src(%dma_wait3A_311 : memref<512x128xf32, #tpu.memory_space<vmem_shared>>) dst(%dma_wait3A_307 : memref<128x128xf32, #tpu.memory_space<vmem>>)
      %lt3A_312 = arith.constant 9 : i32
      %lt3A_313 = arith.cmpi slt, %scan3A_70, %lt3A_312 : i32
      %convert_element_type3A_314 = arith.extui %lt3A_313 : i1 to i32
      %cond3A_315 = arith.constant 0 : i32
      %cond3A_316 = arith.cmpi ne, %convert_element_type3A_314, %cond3A_315 : i32
      scf.if %cond3A_316 {
        %sub3A_432 = arith.constant 2 : i32
        %sub3A_433 = arith.subi %add3A_299, %sub3A_432 : i32
        %mul3A_434 = arith.constant 128 : i32
        %mul3A_435 = arith.muli %sub3A_433, %mul3A_434 : i32
        %add3A_436 = arith.addi %mul3A_2, %mul3A_435 : i32
        %dma_wait3A_437 = arith.constant 1 : i32
        %dma_wait3A_438 = arith.constant 0 : i32
        %dma_wait3A_439 = arith.constant 0 : i32
        %dma_wait3A_440 = tpu.memref_slice %arg7[%dma_wait3A_437, %dma_wait3A_438, %dma_wait3A_439] : memref<5x128x128xf32, #tpu.memory_space<vmem>> -> memref<1x128x128xf32, #tpu.memory_space<vmem>>
        %dma_wait3A_441 = tpu.memref_squeeze %dma_wait3A_440 : memref<1x128x128xf32, #tpu.memory_space<vmem>> -> memref<128x128xf32, #tpu.memory_space<vmem>>
        %dma_wait3A_442 = arith.constant 0 : i32
        %dma_wait3A_443 = tpu.memref_slice %arg5[%add3A_436, %dma_wait3A_442] : memref<204800x128xf32, #tpu.memory_space<hbm>> -> memref<128x128xf32, #tpu.memory_space<hbm>>
        %dma_wait3A_444 = arith.constant 0 : i32
        %dma_wait3A_445 = tpu.memref_slice %arg5[%add3A_436, %dma_wait3A_444] : memref<204800x128xf32, #tpu.memory_space<hbm>> -> memref<128x128xf32, #tpu.memory_space<hbm>>
        %dma_wait3A_446 = arith.constant 0 : i32
        %dma_wait3A_447 = arith.constant 0 : i32
        %dma_wait3A_448 = tpu.memref_slice %arg7[%dma_wait3A_437, %dma_wait3A_446, %dma_wait3A_447] : memref<5x128x128xf32, #tpu.memory_space<vmem>> -> memref<1x128x128xf32, #tpu.memory_space<vmem>>
        %dma_wait3A_449 = tpu.memref_squeeze %dma_wait3A_448 : memref<1x128x128xf32, #tpu.memory_space<vmem>> -> memref<128x128xf32, #tpu.memory_space<vmem>>
        tpu.wait_dma2 semaphore(%arg16 : memref<!tpu.dma_semaphore, #tpu.memory_space<semaphore_mem>>) src(%dma_wait3A_449 : memref<128x128xf32, #tpu.memory_space<vmem>>) dst(%dma_wait3A_445 : memref<128x128xf32, #tpu.memory_space<hbm>>)
        %add3A_450 = arith.constant 3 : i32
        %add3A_451 = arith.addi %add3A_299, %add3A_450 : i32
        %mul3A_452 = arith.constant 128 : i32
        %mul3A_453 = arith.muli %add3A_451, %mul3A_452 : i32
        %multiple_of3A_454 = tpu.assume_multiple %mul3A_453, 128 : i32
        %dma_start3A_455 = arith.constant 1 : i32
        %dma_start3A_456 = arith.constant 0 : i32
        %dma_start3A_457 = arith.constant 0 : i32
        %dma_start3A_458 = tpu.memref_slice %arg7[%dma_start3A_455, %dma_start3A_456, %dma_start3A_457] : memref<5x128x128xf32, #tpu.memory_space<vmem>> -> memref<1x128x128xf32, #tpu.memory_space<vmem>>
        %dma_start3A_459 = tpu.memref_squeeze %dma_start3A_458 : memref<1x128x128xf32, #tpu.memory_space<vmem>> -> memref<128x128xf32, #tpu.memory_space<vmem>>
        %dma_start3A_460 = tpu.memref_slice %arg6[%multiple_of3A_454] : memref<6400xi32, #tpu.memory_space<vmem>> -> memref<128xi32, #tpu.memory_space<vmem>>
        %dma_start3A_461 = arith.constant 0 : i32
        %dma_start3A_462 = arith.constant 0 : i32
        %dma_start3A_463 = tpu.memref_slice %arg9[%dma_start3A_461, %dma_start3A_462] : memref<512x128xf32, #tpu.memory_space<vmem_shared>> -> memref<512x128xf32, #tpu.memory_space<vmem_shared>>
        tpu.enqueue_indirect_dma source(%dma_start3A_463 : memref<512x128xf32, #tpu.memory_space<vmem_shared>>) target(%dma_start3A_459 : memref<128x128xf32, #tpu.memory_space<vmem>>) offsets(%dma_start3A_460 : memref<128xi32, #tpu.memory_space<vmem>>) semaphore(%arg11 : memref<!tpu.dma_semaphore, #tpu.memory_space<semaphore_mem>>)
      } else {
      }
      %mul3A_317 = arith.constant 128 : i32
      %mul3A_318 = arith.muli %add3A_299, %mul3A_317 : i32
      %add3A_319 = arith.addi %mul3A_2, %mul3A_318 : i32
      %rem3A_320 = arith.constant 200 : i32
      %rem3A_321 = arith.remsi %add3A_319, %rem3A_320 : i32
      %sub3A_322 = arith.constant 200 : i32
      %sub3A_323 = arith.subi %sub3A_322, %rem3A_321 : i32
      %min3A_324 = arith.constant 128 : i32
      %min3A_325 = arith.minsi %sub3A_323, %min3A_324 : i32
      %while3A_326 = arith.constant 0 : i32
      %while3A_327 = arith.constant 0 : i32
      %while3A_328 = arith.subi %min3A_325, %while3A_327 : i32
      %while3A_329 = arith.addi %while3A_327, %while3A_328 : i32
      %while3A_330 = arith.constant 1 : i32
      %while3A_331 = arith.divsi %while3A_328, %while3A_330 : i32
      %while3A_332 = arith.muli %while3A_331, %while3A_330 : i32
      %while3A_333 = arith.addi %while3A_327, %while3A_332 : i32
      %while3A_334 = arith.constant 1 : i32
      scf.for %while3A_432 = %while3A_327 to %while3A_333 step %while3A_334  : i32 {
        %add3A_433 = arith.addi %rem3A_321, %while3A_432 : i32
        %get3A = arith.index_cast %add3A_433 : i32 to index
        %get3A_434 = arith.constant 0 : index
        %get3A_435 = tpu.vector_load %arg8[%get3A, %get3A_434] {strides = array<i32>} : memref<200x128xf32, #tpu.memory_space<vmem>>, vector<1x16xf32>,
        %get3A_436 = vector.shape_cast %get3A_435 : vector<1x16xf32> to vector<16xf32>
        %get3A_437 = arith.index_cast %add3A_433 : i32 to index
        %get3A_438 = arith.constant 16 : index
        %get3A_439 = tpu.vector_load %arg8[%get3A_437, %get3A_438] {strides = array<i32>} : memref<200x128xf32, #tpu.memory_space<vmem>>, vector<1x16xf32>,
        %get3A_440 = vector.shape_cast %get3A_439 : vector<1x16xf32> to vector<16xf32>
        %get3A_441 = arith.index_cast %add3A_433 : i32 to index
        %get3A_442 = arith.constant 32 : index
        %get3A_443 = tpu.vector_load %arg8[%get3A_441, %get3A_442] {strides = array<i32>} : memref<200x128xf32, #tpu.memory_space<vmem>>, vector<1x16xf32>,
        %get3A_444 = vector.shape_cast %get3A_443 : vector<1x16xf32> to vector<16xf32>
        %get3A_445 = arith.index_cast %add3A_433 : i32 to index
        %get3A_446 = arith.constant 48 : index
        %get3A_447 = tpu.vector_load %arg8[%get3A_445, %get3A_446] {strides = array<i32>} : memref<200x128xf32, #tpu.memory_space<vmem>>, vector<1x16xf32>,
        %get3A_448 = vector.shape_cast %get3A_447 : vector<1x16xf32> to vector<16xf32>
        %get3A_449 = arith.index_cast %add3A_433 : i32 to index
        %get3A_450 = arith.constant 64 : index
        %get3A_451 = tpu.vector_load %arg8[%get3A_449, %get3A_450] {strides = array<i32>} : memref<200x128xf32, #tpu.memory_space<vmem>>, vector<1x16xf32>,
        %get3A_452 = vector.shape_cast %get3A_451 : vector<1x16xf32> to vector<16xf32>
        %get3A_453 = arith.index_cast %add3A_433 : i32 to index
        %get3A_454 = arith.constant 80 : index
        %get3A_455 = tpu.vector_load %arg8[%get3A_453, %get3A_454] {strides = array<i32>} : memref<200x128xf32, #tpu.memory_space<vmem>>, vector<1x16xf32>,
        %get3A_456 = vector.shape_cast %get3A_455 : vector<1x16xf32> to vector<16xf32>
        %get3A_457 = arith.index_cast %add3A_433 : i32 to index
        %get3A_458 = arith.constant 96 : index
        %get3A_459 = tpu.vector_load %arg8[%get3A_457, %get3A_458] {strides = array<i32>} : memref<200x128xf32, #tpu.memory_space<vmem>>, vector<1x16xf32>,
        %get3A_460 = vector.shape_cast %get3A_459 : vector<1x16xf32> to vector<16xf32>
        %get3A_461 = arith.index_cast %add3A_433 : i32 to index
        %get3A_462 = arith.constant 112 : index
        %get3A_463 = tpu.vector_load %arg8[%get3A_461, %get3A_462] {strides = array<i32>} : memref<200x128xf32, #tpu.memory_space<vmem>>, vector<1x16xf32>,
        %get3A_464 = vector.shape_cast %get3A_463 : vector<1x16xf32> to vector<16xf32>
        %swap3A = arith.constant 3 : i32
        %swap3A_465 = arith.index_cast %swap3A : i32 to index
        %swap3A_466 = arith.index_cast %while3A_432 : i32 to index
        %swap3A_467 = arith.constant 0 : index
        %swap3A_468 = tpu.vector_load %arg7[%swap3A_465, %swap3A_466, %swap3A_467] {strides = array<i32>} : memref<5x128x128xf32, #tpu.memory_space<vmem>>, vector<1x1x16xf32>,
        %swap3A_469 = vector.shape_cast %swap3A_468 : vector<1x1x16xf32> to vector<16xf32>
        %swap3A_470 = vector.shape_cast %get3A_436 : vector<16xf32> to vector<1x1x16xf32>
        tpu.vector_store %arg7[%swap3A_465, %swap3A_466, %swap3A_467], %swap3A_470 {add = true, strides = array<i32>} : memref<5x128x128xf32, #tpu.memory_space<vmem>>, vector<1x1x16xf32>,
        %swap3A_471 = arith.constant 3 : i32
        %swap3A_472 = arith.index_cast %swap3A_471 : i32 to index
        %swap3A_473 = arith.index_cast %while3A_432 : i32 to index
        %swap3A_474 = arith.constant 16 : index
        %swap3A_475 = tpu.vector_load %arg7[%swap3A_472, %swap3A_473, %swap3A_474] {strides = array<i32>} : memref<5x128x128xf32, #tpu.memory_space<vmem>>, vector<1x1x16xf32>,
        %swap3A_476 = vector.shape_cast %swap3A_475 : vector<1x1x16xf32> to vector<16xf32>
        %swap3A_477 = vector.shape_cast %get3A_440 : vector<16xf32> to vector<1x1x16xf32>
        tpu.vector_store %arg7[%swap3A_472, %swap3A_473, %swap3A_474], %swap3A_477 {add = true, strides = array<i32>} : memref<5x128x128xf32, #tpu.memory_space<vmem>>, vector<1x1x16xf32>,
        %swap3A_478 = arith.constant 3 : i32
        %swap3A_479 = arith.index_cast %swap3A_478 : i32 to index
        %swap3A_480 = arith.index_cast %while3A_432 : i32 to index
        %swap3A_481 = arith.constant 32 : index
        %swap3A_482 = tpu.vector_load %arg7[%swap3A_479, %swap3A_480, %swap3A_481] {strides = array<i32>} : memref<5x128x128xf32, #tpu.memory_space<vmem>>, vector<1x1x16xf32>,
        %swap3A_483 = vector.shape_cast %swap3A_482 : vector<1x1x16xf32> to vector<16xf32>
        %swap3A_484 = vector.shape_cast %get3A_444 : vector<16xf32> to vector<1x1x16xf32>
        tpu.vector_store %arg7[%swap3A_479, %swap3A_480, %swap3A_481], %swap3A_484 {add = true, strides = array<i32>} : memref<5x128x128xf32, #tpu.memory_space<vmem>>, vector<1x1x16xf32>,
        %swap3A_485 = arith.constant 3 : i32
        %swap3A_486 = arith.index_cast %swap3A_485 : i32 to index
        %swap3A_487 = arith.index_cast %while3A_432 : i32 to index
        %swap3A_488 = arith.constant 48 : index
        %swap3A_489 = tpu.vector_load %arg7[%swap3A_486, %swap3A_487, %swap3A_488] {strides = array<i32>} : memref<5x128x128xf32, #tpu.memory_space<vmem>>, vector<1x1x16xf32>,
        %swap3A_490 = vector.shape_cast %swap3A_489 : vector<1x1x16xf32> to vector<16xf32>
        %swap3A_491 = vector.shape_cast %get3A_448 : vector<16xf32> to vector<1x1x16xf32>
        tpu.vector_store %arg7[%swap3A_486, %swap3A_487, %swap3A_488], %swap3A_491 {add = true, strides = array<i32>} : memref<5x128x128xf32, #tpu.memory_space<vmem>>, vector<1x1x16xf32>,
        %swap3A_492 = arith.constant 3 : i32
        %swap3A_493 = arith.index_cast %swap3A_492 : i32 to index
        %swap3A_494 = arith.index_cast %while3A_432 : i32 to index
        %swap3A_495 = arith.constant 64 : index
        %swap3A_496 = tpu.vector_load %arg7[%swap3A_493, %swap3A_494, %swap3A_495] {strides = array<i32>} : memref<5x128x128xf32, #tpu.memory_space<vmem>>, vector<1x1x16xf32>,
        %swap3A_497 = vector.shape_cast %swap3A_496 : vector<1x1x16xf32> to vector<16xf32>
        %swap3A_498 = vector.shape_cast %get3A_452 : vector<16xf32> to vector<1x1x16xf32>
        tpu.vector_store %arg7[%swap3A_493, %swap3A_494, %swap3A_495], %swap3A_498 {add = true, strides = array<i32>} : memref<5x128x128xf32, #tpu.memory_space<vmem>>, vector<1x1x16xf32>,
        %swap3A_499 = arith.constant 3 : i32
        %swap3A_500 = arith.index_cast %swap3A_499 : i32 to index
        %swap3A_501 = arith.index_cast %while3A_432 : i32 to index
        %swap3A_502 = arith.constant 80 : index
        %swap3A_503 = tpu.vector_load %arg7[%swap3A_500, %swap3A_501, %swap3A_502] {strides = array<i32>} : memref<5x128x128xf32, #tpu.memory_space<vmem>>, vector<1x1x16xf32>,
        %swap3A_504 = vector.shape_cast %swap3A_503 : vector<1x1x16xf32> to vector<16xf32>
        %swap3A_505 = vector.shape_cast %get3A_456 : vector<16xf32> to vector<1x1x16xf32>
        tpu.vector_store %arg7[%swap3A_500, %swap3A_501, %swap3A_502], %swap3A_505 {add = true, strides = array<i32>} : memref<5x128x128xf32, #tpu.memory_space<vmem>>, vector<1x1x16xf32>,
        %swap3A_506 = arith.constant 3 : i32
        %swap3A_507 = arith.index_cast %swap3A_506 : i32 to index
        %swap3A_508 = arith.index_cast %while3A_432 : i32 to index
        %swap3A_509 = arith.constant 96 : index
        %swap3A_510 = tpu.vector_load %arg7[%swap3A_507, %swap3A_508, %swap3A_509] {strides = array<i32>} : memref<5x128x128xf32, #tpu.memory_space<vmem>>, vector<1x1x16xf32>,
        %swap3A_511 = vector.shape_cast %swap3A_510 : vector<1x1x16xf32> to vector<16xf32>
        %swap3A_512 = vector.shape_cast %get3A_460 : vector<16xf32> to vector<1x1x16xf32>
        tpu.vector_store %arg7[%swap3A_507, %swap3A_508, %swap3A_509], %swap3A_512 {add = true, strides = array<i32>} : memref<5x128x128xf32, #tpu.memory_space<vmem>>, vector<1x1x16xf32>,
        %swap3A_513 = arith.constant 3 : i32
        %swap3A_514 = arith.index_cast %swap3A_513 : i32 to index
        %swap3A_515 = arith.index_cast %while3A_432 : i32 to index
        %swap3A_516 = arith.constant 112 : index
        %swap3A_517 = tpu.vector_load %arg7[%swap3A_514, %swap3A_515, %swap3A_516] {strides = array<i32>} : memref<5x128x128xf32, #tpu.memory_space<vmem>>, vector<1x1x16xf32>,
        %swap3A_518 = vector.shape_cast %swap3A_517 : vector<1x1x16xf32> to vector<16xf32>
        %swap3A_519 = vector.shape_cast %get3A_464 : vector<16xf32> to vector<1x1x16xf32>
        tpu.vector_store %arg7[%swap3A_514, %swap3A_515, %swap3A_516], %swap3A_519 {add = true, strides = array<i32>} : memref<5x128x128xf32, #tpu.memory_space<vmem>>, vector<1x1x16xf32>,
      }
      %while3A_335 = arith.constant 1 : i32
      scf.for %while3A_432 = %while3A_333 to %while3A_329 step %while3A_335  : i32 {
        %add3A_433 = arith.addi %rem3A_321, %while3A_432 : i32
        %get3A = arith.index_cast %add3A_433 : i32 to index
        %get3A_434 = arith.constant 0 : index
        %get3A_435 = tpu.vector_load %arg8[%get3A, %get3A_434] {strides = array<i32>} : memref<200x128xf32, #tpu.memory_space<vmem>>, vector<1x16xf32>,
        %get3A_436 = vector.shape_cast %get3A_435 : vector<1x16xf32> to vector<16xf32>
        %get3A_437 = arith.index_cast %add3A_433 : i32 to index
        %get3A_438 = arith.constant 16 : index
        %get3A_439 = tpu.vector_load %arg8[%get3A_437, %get3A_438] {strides = array<i32>} : memref<200x128xf32, #tpu.memory_space<vmem>>, vector<1x16xf32>,
        %get3A_440 = vector.shape_cast %get3A_439 : vector<1x16xf32> to vector<16xf32>
        %get3A_441 = arith.index_cast %add3A_433 : i32 to index
        %get3A_442 = arith.constant 32 : index
        %get3A_443 = tpu.vector_load %arg8[%get3A_441, %get3A_442] {strides = array<i32>} : memref<200x128xf32, #tpu.memory_space<vmem>>, vector<1x16xf32>,
        %get3A_444 = vector.shape_cast %get3A_443 : vector<1x16xf32> to vector<16xf32>
        %get3A_445 = arith.index_cast %add3A_433 : i32 to index
        %get3A_446 = arith.constant 48 : index
        %get3A_447 = tpu.vector_load %arg8[%get3A_445, %get3A_446] {strides = array<i32>} : memref<200x128xf32, #tpu.memory_space<vmem>>, vector<1x16xf32>,
        %get3A_448 = vector.shape_cast %get3A_447 : vector<1x16xf32> to vector<16xf32>
        %get3A_449 = arith.index_cast %add3A_433 : i32 to index
        %get3A_450 = arith.constant 64 : index
        %get3A_451 = tpu.vector_load %arg8[%get3A_449, %get3A_450] {strides = array<i32>} : memref<200x128xf32, #tpu.memory_space<vmem>>, vector<1x16xf32>,
        %get3A_452 = vector.shape_cast %get3A_451 : vector<1x16xf32> to vector<16xf32>
        %get3A_453 = arith.index_cast %add3A_433 : i32 to index
        %get3A_454 = arith.constant 80 : index
        %get3A_455 = tpu.vector_load %arg8[%get3A_453, %get3A_454] {strides = array<i32>} : memref<200x128xf32, #tpu.memory_space<vmem>>, vector<1x16xf32>,
        %get3A_456 = vector.shape_cast %get3A_455 : vector<1x16xf32> to vector<16xf32>
        %get3A_457 = arith.index_cast %add3A_433 : i32 to index
        %get3A_458 = arith.constant 96 : index
        %get3A_459 = tpu.vector_load %arg8[%get3A_457, %get3A_458] {strides = array<i32>} : memref<200x128xf32, #tpu.memory_space<vmem>>, vector<1x16xf32>,
        %get3A_460 = vector.shape_cast %get3A_459 : vector<1x16xf32> to vector<16xf32>
        %get3A_461 = arith.index_cast %add3A_433 : i32 to index
        %get3A_462 = arith.constant 112 : index
        %get3A_463 = tpu.vector_load %arg8[%get3A_461, %get3A_462] {strides = array<i32>} : memref<200x128xf32, #tpu.memory_space<vmem>>, vector<1x16xf32>,
        %get3A_464 = vector.shape_cast %get3A_463 : vector<1x16xf32> to vector<16xf32>
        %swap3A = arith.constant 3 : i32
        %swap3A_465 = arith.index_cast %swap3A : i32 to index
        %swap3A_466 = arith.index_cast %while3A_432 : i32 to index
        %swap3A_467 = arith.constant 0 : index
        %swap3A_468 = tpu.vector_load %arg7[%swap3A_465, %swap3A_466, %swap3A_467] {strides = array<i32>} : memref<5x128x128xf32, #tpu.memory_space<vmem>>, vector<1x1x16xf32>,
        %swap3A_469 = vector.shape_cast %swap3A_468 : vector<1x1x16xf32> to vector<16xf32>
        %swap3A_470 = vector.shape_cast %get3A_436 : vector<16xf32> to vector<1x1x16xf32>
        tpu.vector_store %arg7[%swap3A_465, %swap3A_466, %swap3A_467], %swap3A_470 {add = true, strides = array<i32>} : memref<5x128x128xf32, #tpu.memory_space<vmem>>, vector<1x1x16xf32>,
        %swap3A_471 = arith.constant 3 : i32
        %swap3A_472 = arith.index_cast %swap3A_471 : i32 to index
        %swap3A_473 = arith.index_cast %while3A_432 : i32 to index
        %swap3A_474 = arith.constant 16 : index
        %swap3A_475 = tpu.vector_load %arg7[%swap3A_472, %swap3A_473, %swap3A_474] {strides = array<i32>} : memref<5x128x128xf32, #tpu.memory_space<vmem>>, vector<1x1x16xf32>,
        %swap3A_476 = vector.shape_cast %swap3A_475 : vector<1x1x16xf32> to vector<16xf32>
        %swap3A_477 = vector.shape_cast %get3A_440 : vector<16xf32> to vector<1x1x16xf32>
        tpu.vector_store %arg7[%swap3A_472, %swap3A_473, %swap3A_474], %swap3A_477 {add = true, strides = array<i32>} : memref<5x128x128xf32, #tpu.memory_space<vmem>>, vector<1x1x16xf32>,
        %swap3A_478 = arith.constant 3 : i32
        %swap3A_479 = arith.index_cast %swap3A_478 : i32 to index
        %swap3A_480 = arith.index_cast %while3A_432 : i32 to index
        %swap3A_481 = arith.constant 32 : index
        %swap3A_482 = tpu.vector_load %arg7[%swap3A_479, %swap3A_480, %swap3A_481] {strides = array<i32>} : memref<5x128x128xf32, #tpu.memory_space<vmem>>, vector<1x1x16xf32>,
        %swap3A_483 = vector.shape_cast %swap3A_482 : vector<1x1x16xf32> to vector<16xf32>
        %swap3A_484 = vector.shape_cast %get3A_444 : vector<16xf32> to vector<1x1x16xf32>
        tpu.vector_store %arg7[%swap3A_479, %swap3A_480, %swap3A_481], %swap3A_484 {add = true, strides = array<i32>} : memref<5x128x128xf32, #tpu.memory_space<vmem>>, vector<1x1x16xf32>,
        %swap3A_485 = arith.constant 3 : i32
        %swap3A_486 = arith.index_cast %swap3A_485 : i32 to index
        %swap3A_487 = arith.index_cast %while3A_432 : i32 to index
        %swap3A_488 = arith.constant 48 : index
        %swap3A_489 = tpu.vector_load %arg7[%swap3A_486, %swap3A_487, %swap3A_488] {strides = array<i32>} : memref<5x128x128xf32, #tpu.memory_space<vmem>>, vector<1x1x16xf32>,
        %swap3A_490 = vector.shape_cast %swap3A_489 : vector<1x1x16xf32> to vector<16xf32>
        %swap3A_491 = vector.shape_cast %get3A_448 : vector<16xf32> to vector<1x1x16xf32>
        tpu.vector_store %arg7[%swap3A_486, %swap3A_487, %swap3A_488], %swap3A_491 {add = true, strides = array<i32>} : memref<5x128x128xf32, #tpu.memory_space<vmem>>, vector<1x1x16xf32>,
        %swap3A_492 = arith.constant 3 : i32
        %swap3A_493 = arith.index_cast %swap3A_492 : i32 to index
        %swap3A_494 = arith.index_cast %while3A_432 : i32 to index
        %swap3A_495 = arith.constant 64 : index
        %swap3A_496 = tpu.vector_load %arg7[%swap3A_493, %swap3A_494, %swap3A_495] {strides = array<i32>} : memref<5x128x128xf32, #tpu.memory_space<vmem>>, vector<1x1x16xf32>,
        %swap3A_497 = vector.shape_cast %swap3A_496 : vector<1x1x16xf32> to vector<16xf32>
        %swap3A_498 = vector.shape_cast %get3A_452 : vector<16xf32> to vector<1x1x16xf32>
        tpu.vector_store %arg7[%swap3A_493, %swap3A_494, %swap3A_495], %swap3A_498 {add = true, strides = array<i32>} : memref<5x128x128xf32, #tpu.memory_space<vmem>>, vector<1x1x16xf32>,
        %swap3A_499 = arith.constant 3 : i32
        %swap3A_500 = arith.index_cast %swap3A_499 : i32 to index
        %swap3A_501 = arith.index_cast %while3A_432 : i32 to index
        %swap3A_502 = arith.constant 80 : index
        %swap3A_503 = tpu.vector_load %arg7[%swap3A_500, %swap3A_501, %swap3A_502] {strides = array<i32>} : memref<5x128x128xf32, #tpu.memory_space<vmem>>, vector<1x1x16xf32>,
        %swap3A_504 = vector.shape_cast %swap3A_503 : vector<1x1x16xf32> to vector<16xf32>
        %swap3A_505 = vector.shape_cast %get3A_456 : vector<16xf32> to vector<1x1x16xf32>
        tpu.vector_store %arg7[%swap3A_500, %swap3A_501, %swap3A_502], %swap3A_505 {add = true, strides = array<i32>} : memref<5x128x128xf32, #tpu.memory_space<vmem>>, vector<1x1x16xf32>,
        %swap3A_506 = arith.constant 3 : i32
        %swap3A_507 = arith.index_cast %swap3A_506 : i32 to index
        %swap3A_508 = arith.index_cast %while3A_432 : i32 to index
        %swap3A_509 = arith.constant 96 : index
        %swap3A_510 = tpu.vector_load %arg7[%swap3A_507, %swap3A_508, %swap3A_509] {strides = array<i32>} : memref<5x128x128xf32, #tpu.memory_space<vmem>>, vector<1x1x16xf32>,
        %swap3A_511 = vector.shape_cast %swap3A_510 : vector<1x1x16xf32> to vector<16xf32>
        %swap3A_512 = vector.shape_cast %get3A_460 : vector<16xf32> to vector<1x1x16xf32>
        tpu.vector_store %arg7[%swap3A_507, %swap3A_508, %swap3A_509], %swap3A_512 {add = true, strides = array<i32>} : memref<5x128x128xf32, #tpu.memory_space<vmem>>, vector<1x1x16xf32>,
        %swap3A_513 = arith.constant 3 : i32
        %swap3A_514 = arith.index_cast %swap3A_513 : i32 to index
        %swap3A_515 = arith.index_cast %while3A_432 : i32 to index
        %swap3A_516 = arith.constant 112 : index
        %swap3A_517 = tpu.vector_load %arg7[%swap3A_514, %swap3A_515, %swap3A_516] {strides = array<i32>} : memref<5x128x128xf32, #tpu.memory_space<vmem>>, vector<1x1x16xf32>,
        %swap3A_518 = vector.shape_cast %swap3A_517 : vector<1x1x16xf32> to vector<16xf32>
        %swap3A_519 = vector.shape_cast %get3A_464 : vector<16xf32> to vector<1x1x16xf32>
        tpu.vector_store %arg7[%swap3A_514, %swap3A_515, %swap3A_516], %swap3A_519 {add = true, strides = array<i32>} : memref<5x128x128xf32, #tpu.memory_space<vmem>>, vector<1x1x16xf32>,
      }
      %neg3A_336 = arith.constant 0 : i32
      %neg3A_337 = arith.subi %neg3A_336, %min3A_325 : i32
      %while3A_338 = arith.constant 0 : i32
      %while3A_339 = arith.constant 128 : i32
      %while3A_340 = arith.subi %while3A_339, %min3A_325 : i32
      %while3A_341 = arith.addi %min3A_325, %while3A_340 : i32
      %while3A_342 = arith.constant 1 : i32
      %while3A_343 = arith.divsi %while3A_340, %while3A_342 : i32
      %while3A_344 = arith.muli %while3A_343, %while3A_342 : i32
      %while3A_345 = arith.addi %min3A_325, %while3A_344 : i32
      %while3A_346 = arith.constant 1 : i32
      scf.for %while3A_432 = %min3A_325 to %while3A_345 step %while3A_346  : i32 {
        %add3A_433 = arith.addi %neg3A_337, %while3A_432 : i32
        %get3A = arith.index_cast %add3A_433 : i32 to index
        %get3A_434 = arith.constant 0 : index
        %get3A_435 = tpu.vector_load %arg8[%get3A, %get3A_434] {strides = array<i32>} : memref<200x128xf32, #tpu.memory_space<vmem>>, vector<1x16xf32>,
        %get3A_436 = vector.shape_cast %get3A_435 : vector<1x16xf32> to vector<16xf32>
        %get3A_437 = arith.index_cast %add3A_433 : i32 to index
        %get3A_438 = arith.constant 16 : index
        %get3A_439 = tpu.vector_load %arg8[%get3A_437, %get3A_438] {strides = array<i32>} : memref<200x128xf32, #tpu.memory_space<vmem>>, vector<1x16xf32>,
        %get3A_440 = vector.shape_cast %get3A_439 : vector<1x16xf32> to vector<16xf32>
        %get3A_441 = arith.index_cast %add3A_433 : i32 to index
        %get3A_442 = arith.constant 32 : index
        %get3A_443 = tpu.vector_load %arg8[%get3A_441, %get3A_442] {strides = array<i32>} : memref<200x128xf32, #tpu.memory_space<vmem>>, vector<1x16xf32>,
        %get3A_444 = vector.shape_cast %get3A_443 : vector<1x16xf32> to vector<16xf32>
        %get3A_445 = arith.index_cast %add3A_433 : i32 to index
        %get3A_446 = arith.constant 48 : index
        %get3A_447 = tpu.vector_load %arg8[%get3A_445, %get3A_446] {strides = array<i32>} : memref<200x128xf32, #tpu.memory_space<vmem>>, vector<1x16xf32>,
        %get3A_448 = vector.shape_cast %get3A_447 : vector<1x16xf32> to vector<16xf32>
        %get3A_449 = arith.index_cast %add3A_433 : i32 to index
        %get3A_450 = arith.constant 64 : index
        %get3A_451 = tpu.vector_load %arg8[%get3A_449, %get3A_450] {strides = array<i32>} : memref<200x128xf32, #tpu.memory_space<vmem>>, vector<1x16xf32>,
        %get3A_452 = vector.shape_cast %get3A_451 : vector<1x16xf32> to vector<16xf32>
        %get3A_453 = arith.index_cast %add3A_433 : i32 to index
        %get3A_454 = arith.constant 80 : index
        %get3A_455 = tpu.vector_load %arg8[%get3A_453, %get3A_454] {strides = array<i32>} : memref<200x128xf32, #tpu.memory_space<vmem>>, vector<1x16xf32>,
        %get3A_456 = vector.shape_cast %get3A_455 : vector<1x16xf32> to vector<16xf32>
        %get3A_457 = arith.index_cast %add3A_433 : i32 to index
        %get3A_458 = arith.constant 96 : index
        %get3A_459 = tpu.vector_load %arg8[%get3A_457, %get3A_458] {strides = array<i32>} : memref<200x128xf32, #tpu.memory_space<vmem>>, vector<1x16xf32>,
        %get3A_460 = vector.shape_cast %get3A_459 : vector<1x16xf32> to vector<16xf32>
        %get3A_461 = arith.index_cast %add3A_433 : i32 to index
        %get3A_462 = arith.constant 112 : index
        %get3A_463 = tpu.vector_load %arg8[%get3A_461, %get3A_462] {strides = array<i32>} : memref<200x128xf32, #tpu.memory_space<vmem>>, vector<1x16xf32>,
        %get3A_464 = vector.shape_cast %get3A_463 : vector<1x16xf32> to vector<16xf32>
        %swap3A = arith.constant 3 : i32
        %swap3A_465 = arith.index_cast %swap3A : i32 to index
        %swap3A_466 = arith.index_cast %while3A_432 : i32 to index
        %swap3A_467 = arith.constant 0 : index
        %swap3A_468 = tpu.vector_load %arg7[%swap3A_465, %swap3A_466, %swap3A_467] {strides = array<i32>} : memref<5x128x128xf32, #tpu.memory_space<vmem>>, vector<1x1x16xf32>,
        %swap3A_469 = vector.shape_cast %swap3A_468 : vector<1x1x16xf32> to vector<16xf32>
        %swap3A_470 = vector.shape_cast %get3A_436 : vector<16xf32> to vector<1x1x16xf32>
        tpu.vector_store %arg7[%swap3A_465, %swap3A_466, %swap3A_467], %swap3A_470 {add = true, strides = array<i32>} : memref<5x128x128xf32, #tpu.memory_space<vmem>>, vector<1x1x16xf32>,
        %swap3A_471 = arith.constant 3 : i32
        %swap3A_472 = arith.index_cast %swap3A_471 : i32 to index
        %swap3A_473 = arith.index_cast %while3A_432 : i32 to index
        %swap3A_474 = arith.constant 16 : index
        %swap3A_475 = tpu.vector_load %arg7[%swap3A_472, %swap3A_473, %swap3A_474] {strides = array<i32>} : memref<5x128x128xf32, #tpu.memory_space<vmem>>, vector<1x1x16xf32>,
        %swap3A_476 = vector.shape_cast %swap3A_475 : vector<1x1x16xf32> to vector<16xf32>
        %swap3A_477 = vector.shape_cast %get3A_440 : vector<16xf32> to vector<1x1x16xf32>
        tpu.vector_store %arg7[%swap3A_472, %swap3A_473, %swap3A_474], %swap3A_477 {add = true, strides = array<i32>} : memref<5x128x128xf32, #tpu.memory_space<vmem>>, vector<1x1x16xf32>,
        %swap3A_478 = arith.constant 3 : i32
        %swap3A_479 = arith.index_cast %swap3A_478 : i32 to index
        %swap3A_480 = arith.index_cast %while3A_432 : i32 to index
        %swap3A_481 = arith.constant 32 : index
        %swap3A_482 = tpu.vector_load %arg7[%swap3A_479, %swap3A_480, %swap3A_481] {strides = array<i32>} : memref<5x128x128xf32, #tpu.memory_space<vmem>>, vector<1x1x16xf32>,
        %swap3A_483 = vector.shape_cast %swap3A_482 : vector<1x1x16xf32> to vector<16xf32>
        %swap3A_484 = vector.shape_cast %get3A_444 : vector<16xf32> to vector<1x1x16xf32>
        tpu.vector_store %arg7[%swap3A_479, %swap3A_480, %swap3A_481], %swap3A_484 {add = true, strides = array<i32>} : memref<5x128x128xf32, #tpu.memory_space<vmem>>, vector<1x1x16xf32>,
        %swap3A_485 = arith.constant 3 : i32
        %swap3A_486 = arith.index_cast %swap3A_485 : i32 to index
        %swap3A_487 = arith.index_cast %while3A_432 : i32 to index
        %swap3A_488 = arith.constant 48 : index
        %swap3A_489 = tpu.vector_load %arg7[%swap3A_486, %swap3A_487, %swap3A_488] {strides = array<i32>} : memref<5x128x128xf32, #tpu.memory_space<vmem>>, vector<1x1x16xf32>,
        %swap3A_490 = vector.shape_cast %swap3A_489 : vector<1x1x16xf32> to vector<16xf32>
        %swap3A_491 = vector.shape_cast %get3A_448 : vector<16xf32> to vector<1x1x16xf32>
        tpu.vector_store %arg7[%swap3A_486, %swap3A_487, %swap3A_488], %swap3A_491 {add = true, strides = array<i32>} : memref<5x128x128xf32, #tpu.memory_space<vmem>>, vector<1x1x16xf32>,
        %swap3A_492 = arith.constant 3 : i32
        %swap3A_493 = arith.index_cast %swap3A_492 : i32 to index
        %swap3A_494 = arith.index_cast %while3A_432 : i32 to index
        %swap3A_495 = arith.constant 64 : index
        %swap3A_496 = tpu.vector_load %arg7[%swap3A_493, %swap3A_494, %swap3A_495] {strides = array<i32>} : memref<5x128x128xf32, #tpu.memory_space<vmem>>, vector<1x1x16xf32>,
        %swap3A_497 = vector.shape_cast %swap3A_496 : vector<1x1x16xf32> to vector<16xf32>
        %swap3A_498 = vector.shape_cast %get3A_452 : vector<16xf32> to vector<1x1x16xf32>
        tpu.vector_store %arg7[%swap3A_493, %swap3A_494, %swap3A_495], %swap3A_498 {add = true, strides = array<i32>} : memref<5x128x128xf32, #tpu.memory_space<vmem>>, vector<1x1x16xf32>,
        %swap3A_499 = arith.constant 3 : i32
        %swap3A_500 = arith.index_cast %swap3A_499 : i32 to index
        %swap3A_501 = arith.index_cast %while3A_432 : i32 to index
        %swap3A_502 = arith.constant 80 : index
        %swap3A_503 = tpu.vector_load %arg7[%swap3A_500, %swap3A_501, %swap3A_502] {strides = array<i32>} : memref<5x128x128xf32, #tpu.memory_space<vmem>>, vector<1x1x16xf32>,
        %swap3A_504 = vector.shape_cast %swap3A_503 : vector<1x1x16xf32> to vector<16xf32>
        %swap3A_505 = vector.shape_cast %get3A_456 : vector<16xf32> to vector<1x1x16xf32>
        tpu.vector_store %arg7[%swap3A_500, %swap3A_501, %swap3A_502], %swap3A_505 {add = true, strides = array<i32>} : memref<5x128x128xf32, #tpu.memory_space<vmem>>, vector<1x1x16xf32>,
        %swap3A_506 = arith.constant 3 : i32
        %swap3A_507 = arith.index_cast %swap3A_506 : i32 to index
        %swap3A_508 = arith.index_cast %while3A_432 : i32 to index
        %swap3A_509 = arith.constant 96 : index
        %swap3A_510 = tpu.vector_load %arg7[%swap3A_507, %swap3A_508, %swap3A_509] {strides = array<i32>} : memref<5x128x128xf32, #tpu.memory_space<vmem>>, vector<1x1x16xf32>,
        %swap3A_511 = vector.shape_cast %swap3A_510 : vector<1x1x16xf32> to vector<16xf32>
        %swap3A_512 = vector.shape_cast %get3A_460 : vector<16xf32> to vector<1x1x16xf32>
        tpu.vector_store %arg7[%swap3A_507, %swap3A_508, %swap3A_509], %swap3A_512 {add = true, strides = array<i32>} : memref<5x128x128xf32, #tpu.memory_space<vmem>>, vector<1x1x16xf32>,
        %swap3A_513 = arith.constant 3 : i32
        %swap3A_514 = arith.index_cast %swap3A_513 : i32 to index
        %swap3A_515 = arith.index_cast %while3A_432 : i32 to index
        %swap3A_516 = arith.constant 112 : index
        %swap3A_517 = tpu.vector_load %arg7[%swap3A_514, %swap3A_515, %swap3A_516] {strides = array<i32>} : memref<5x128x128xf32, #tpu.memory_space<vmem>>, vector<1x1x16xf32>,
        %swap3A_518 = vector.shape_cast %swap3A_517 : vector<1x1x16xf32> to vector<16xf32>
        %swap3A_519 = vector.shape_cast %get3A_464 : vector<16xf32> to vector<1x1x16xf32>
        tpu.vector_store %arg7[%swap3A_514, %swap3A_515, %swap3A_516], %swap3A_519 {add = true, strides = array<i32>} : memref<5x128x128xf32, #tpu.memory_space<vmem>>, vector<1x1x16xf32>,
      }
      %while3A_347 = arith.constant 1 : i32
      scf.for %while3A_432 = %while3A_345 to %while3A_341 step %while3A_347  : i32 {
        %add3A_433 = arith.addi %neg3A_337, %while3A_432 : i32
        %get3A = arith.index_cast %add3A_433 : i32 to index
        %get3A_434 = arith.constant 0 : index
        %get3A_435 = tpu.vector_load %arg8[%get3A, %get3A_434] {strides = array<i32>} : memref<200x128xf32, #tpu.memory_space<vmem>>, vector<1x16xf32>,
        %get3A_436 = vector.shape_cast %get3A_435 : vector<1x16xf32> to vector<16xf32>
        %get3A_437 = arith.index_cast %add3A_433 : i32 to index
        %get3A_438 = arith.constant 16 : index
        %get3A_439 = tpu.vector_load %arg8[%get3A_437, %get3A_438] {strides = array<i32>} : memref<200x128xf32, #tpu.memory_space<vmem>>, vector<1x16xf32>,
        %get3A_440 = vector.shape_cast %get3A_439 : vector<1x16xf32> to vector<16xf32>
        %get3A_441 = arith.index_cast %add3A_433 : i32 to index
        %get3A_442 = arith.constant 32 : index
        %get3A_443 = tpu.vector_load %arg8[%get3A_441, %get3A_442] {strides = array<i32>} : memref<200x128xf32, #tpu.memory_space<vmem>>, vector<1x16xf32>,
        %get3A_444 = vector.shape_cast %get3A_443 : vector<1x16xf32> to vector<16xf32>
        %get3A_445 = arith.index_cast %add3A_433 : i32 to index
        %get3A_446 = arith.constant 48 : index
        %get3A_447 = tpu.vector_load %arg8[%get3A_445, %get3A_446] {strides = array<i32>} : memref<200x128xf32, #tpu.memory_space<vmem>>, vector<1x16xf32>,
        %get3A_448 = vector.shape_cast %get3A_447 : vector<1x16xf32> to vector<16xf32>
        %get3A_449 = arith.index_cast %add3A_433 : i32 to index
        %get3A_450 = arith.constant 64 : index
        %get3A_451 = tpu.vector_load %arg8[%get3A_449, %get3A_450] {strides = array<i32>} : memref<200x128xf32, #tpu.memory_space<vmem>>, vector<1x16xf32>,
        %get3A_452 = vector.shape_cast %get3A_451 : vector<1x16xf32> to vector<16xf32>
        %get3A_453 = arith.index_cast %add3A_433 : i32 to index
        %get3A_454 = arith.constant 80 : index
        %get3A_455 = tpu.vector_load %arg8[%get3A_453, %get3A_454] {strides = array<i32>} : memref<200x128xf32, #tpu.memory_space<vmem>>, vector<1x16xf32>,
        %get3A_456 = vector.shape_cast %get3A_455 : vector<1x16xf32> to vector<16xf32>
        %get3A_457 = arith.index_cast %add3A_433 : i32 to index
        %get3A_458 = arith.constant 96 : index
        %get3A_459 = tpu.vector_load %arg8[%get3A_457, %get3A_458] {strides = array<i32>} : memref<200x128xf32, #tpu.memory_space<vmem>>, vector<1x16xf32>,
        %get3A_460 = vector.shape_cast %get3A_459 : vector<1x16xf32> to vector<16xf32>
        %get3A_461 = arith.index_cast %add3A_433 : i32 to index
        %get3A_462 = arith.constant 112 : index
        %get3A_463 = tpu.vector_load %arg8[%get3A_461, %get3A_462] {strides = array<i32>} : memref<200x128xf32, #tpu.memory_space<vmem>>, vector<1x16xf32>,
        %get3A_464 = vector.shape_cast %get3A_463 : vector<1x16xf32> to vector<16xf32>
        %swap3A = arith.constant 3 : i32
        %swap3A_465 = arith.index_cast %swap3A : i32 to index
        %swap3A_466 = arith.index_cast %while3A_432 : i32 to index
        %swap3A_467 = arith.constant 0 : index
        %swap3A_468 = tpu.vector_load %arg7[%swap3A_465, %swap3A_466, %swap3A_467] {strides = array<i32>} : memref<5x128x128xf32, #tpu.memory_space<vmem>>, vector<1x1x16xf32>,
        %swap3A_469 = vector.shape_cast %swap3A_468 : vector<1x1x16xf32> to vector<16xf32>
        %swap3A_470 = vector.shape_cast %get3A_436 : vector<16xf32> to vector<1x1x16xf32>
        tpu.vector_store %arg7[%swap3A_465, %swap3A_466, %swap3A_467], %swap3A_470 {add = true, strides = array<i32>} : memref<5x128x128xf32, #tpu.memory_space<vmem>>, vector<1x1x16xf32>,
        %swap3A_471 = arith.constant 3 : i32
        %swap3A_472 = arith.index_cast %swap3A_471 : i32 to index
        %swap3A_473 = arith.index_cast %while3A_432 : i32 to index
        %swap3A_474 = arith.constant 16 : index
        %swap3A_475 = tpu.vector_load %arg7[%swap3A_472, %swap3A_473, %swap3A_474] {strides = array<i32>} : memref<5x128x128xf32, #tpu.memory_space<vmem>>, vector<1x1x16xf32>,
        %swap3A_476 = vector.shape_cast %swap3A_475 : vector<1x1x16xf32> to vector<16xf32>
        %swap3A_477 = vector.shape_cast %get3A_440 : vector<16xf32> to vector<1x1x16xf32>
        tpu.vector_store %arg7[%swap3A_472, %swap3A_473, %swap3A_474], %swap3A_477 {add = true, strides = array<i32>} : memref<5x128x128xf32, #tpu.memory_space<vmem>>, vector<1x1x16xf32>,
        %swap3A_478 = arith.constant 3 : i32
        %swap3A_479 = arith.index_cast %swap3A_478 : i32 to index
        %swap3A_480 = arith.index_cast %while3A_432 : i32 to index
        %swap3A_481 = arith.constant 32 : index
        %swap3A_482 = tpu.vector_load %arg7[%swap3A_479, %swap3A_480, %swap3A_481] {strides = array<i32>} : memref<5x128x128xf32, #tpu.memory_space<vmem>>, vector<1x1x16xf32>,
        %swap3A_483 = vector.shape_cast %swap3A_482 : vector<1x1x16xf32> to vector<16xf32>
        %swap3A_484 = vector.shape_cast %get3A_444 : vector<16xf32> to vector<1x1x16xf32>
        tpu.vector_store %arg7[%swap3A_479, %swap3A_480, %swap3A_481], %swap3A_484 {add = true, strides = array<i32>} : memref<5x128x128xf32, #tpu.memory_space<vmem>>, vector<1x1x16xf32>,
        %swap3A_485 = arith.constant 3 : i32
        %swap3A_486 = arith.index_cast %swap3A_485 : i32 to index
        %swap3A_487 = arith.index_cast %while3A_432 : i32 to index
        %swap3A_488 = arith.constant 48 : index
        %swap3A_489 = tpu.vector_load %arg7[%swap3A_486, %swap3A_487, %swap3A_488] {strides = array<i32>} : memref<5x128x128xf32, #tpu.memory_space<vmem>>, vector<1x1x16xf32>,
        %swap3A_490 = vector.shape_cast %swap3A_489 : vector<1x1x16xf32> to vector<16xf32>
        %swap3A_491 = vector.shape_cast %get3A_448 : vector<16xf32> to vector<1x1x16xf32>
        tpu.vector_store %arg7[%swap3A_486, %swap3A_487, %swap3A_488], %swap3A_491 {add = true, strides = array<i32>} : memref<5x128x128xf32, #tpu.memory_space<vmem>>, vector<1x1x16xf32>,
        %swap3A_492 = arith.constant 3 : i32
        %swap3A_493 = arith.index_cast %swap3A_492 : i32 to index
        %swap3A_494 = arith.index_cast %while3A_432 : i32 to index
        %swap3A_495 = arith.constant 64 : index
        %swap3A_496 = tpu.vector_load %arg7[%swap3A_493, %swap3A_494, %swap3A_495] {strides = array<i32>} : memref<5x128x128xf32, #tpu.memory_space<vmem>>, vector<1x1x16xf32>,
        %swap3A_497 = vector.shape_cast %swap3A_496 : vector<1x1x16xf32> to vector<16xf32>
        %swap3A_498 = vector.shape_cast %get3A_452 : vector<16xf32> to vector<1x1x16xf32>
        tpu.vector_store %arg7[%swap3A_493, %swap3A_494, %swap3A_495], %swap3A_498 {add = true, strides = array<i32>} : memref<5x128x128xf32, #tpu.memory_space<vmem>>, vector<1x1x16xf32>,
        %swap3A_499 = arith.constant 3 : i32
        %swap3A_500 = arith.index_cast %swap3A_499 : i32 to index
        %swap3A_501 = arith.index_cast %while3A_432 : i32 to index
        %swap3A_502 = arith.constant 80 : index
        %swap3A_503 = tpu.vector_load %arg7[%swap3A_500, %swap3A_501, %swap3A_502] {strides = array<i32>} : memref<5x128x128xf32, #tpu.memory_space<vmem>>, vector<1x1x16xf32>,
        %swap3A_504 = vector.shape_cast %swap3A_503 : vector<1x1x16xf32> to vector<16xf32>
        %swap3A_505 = vector.shape_cast %get3A_456 : vector<16xf32> to vector<1x1x16xf32>
        tpu.vector_store %arg7[%swap3A_500, %swap3A_501, %swap3A_502], %swap3A_505 {add = true, strides = array<i32>} : memref<5x128x128xf32, #tpu.memory_space<vmem>>, vector<1x1x16xf32>,
        %swap3A_506 = arith.constant 3 : i32
        %swap3A_507 = arith.index_cast %swap3A_506 : i32 to index
        %swap3A_508 = arith.index_cast %while3A_432 : i32 to index
        %swap3A_509 = arith.constant 96 : index
        %swap3A_510 = tpu.vector_load %arg7[%swap3A_507, %swap3A_508, %swap3A_509] {strides = array<i32>} : memref<5x128x128xf32, #tpu.memory_space<vmem>>, vector<1x1x16xf32>,
        %swap3A_511 = vector.shape_cast %swap3A_510 : vector<1x1x16xf32> to vector<16xf32>
        %swap3A_512 = vector.shape_cast %get3A_460 : vector<16xf32> to vector<1x1x16xf32>
        tpu.vector_store %arg7[%swap3A_507, %swap3A_508, %swap3A_509], %swap3A_512 {add = true, strides = array<i32>} : memref<5x128x128xf32, #tpu.memory_space<vmem>>, vector<1x1x16xf32>,
        %swap3A_513 = arith.constant 3 : i32
        %swap3A_514 = arith.index_cast %swap3A_513 : i32 to index
        %swap3A_515 = arith.index_cast %while3A_432 : i32 to index
        %swap3A_516 = arith.constant 112 : index
        %swap3A_517 = tpu.vector_load %arg7[%swap3A_514, %swap3A_515, %swap3A_516] {strides = array<i32>} : memref<5x128x128xf32, #tpu.memory_space<vmem>>, vector<1x1x16xf32>,
        %swap3A_518 = vector.shape_cast %swap3A_517 : vector<1x1x16xf32> to vector<16xf32>
        %swap3A_519 = vector.shape_cast %get3A_464 : vector<16xf32> to vector<1x1x16xf32>
        tpu.vector_store %arg7[%swap3A_514, %swap3A_515, %swap3A_516], %swap3A_519 {add = true, strides = array<i32>} : memref<5x128x128xf32, #tpu.memory_space<vmem>>, vector<1x1x16xf32>,
      }
      %mul3A_348 = arith.constant 128 : i32
      %mul3A_349 = arith.muli %add3A_299, %mul3A_348 : i32
      %add3A_350 = arith.addi %mul3A_2, %mul3A_349 : i32
      %dma_start3A_351 = arith.constant 3 : i32
      %dma_start3A_352 = arith.constant 0 : i32
      %dma_start3A_353 = arith.constant 0 : i32
      %dma_start3A_354 = tpu.memref_slice %arg7[%dma_start3A_351, %dma_start3A_352, %dma_start3A_353] : memref<5x128x128xf32, #tpu.memory_space<vmem>> -> memref<1x128x128xf32, #tpu.memory_space<vmem>>
      %dma_start3A_355 = tpu.memref_squeeze %dma_start3A_354 : memref<1x128x128xf32, #tpu.memory_space<vmem>> -> memref<128x128xf32, #tpu.memory_space<vmem>>
      %dma_start3A_356 = arith.constant 0 : i32
      %dma_start3A_357 = tpu.memref_slice %arg5[%add3A_350, %dma_start3A_356] : memref<204800x128xf32, #tpu.memory_space<hbm>> -> memref<128x128xf32, #tpu.memory_space<hbm>>
      %dma_start3A_358 = arith.constant 0 : i32
      %dma_start3A_359 = tpu.memref_slice %arg5[%add3A_350, %dma_start3A_358] : memref<204800x128xf32, #tpu.memory_space<hbm>> -> memref<128x128xf32, #tpu.memory_space<hbm>>
      %dma_start3A_360 = arith.constant 0 : i32
      %dma_start3A_361 = arith.constant 0 : i32
      %dma_start3A_362 = tpu.memref_slice %arg7[%dma_start3A_351, %dma_start3A_360, %dma_start3A_361] : memref<5x128x128xf32, #tpu.memory_space<vmem>> -> memref<1x128x128xf32, #tpu.memory_space<vmem>>
      %dma_start3A_363 = tpu.memref_squeeze %dma_start3A_362 : memref<1x128x128xf32, #tpu.memory_space<vmem>> -> memref<128x128xf32, #tpu.memory_space<vmem>>
      tpu.enqueue_dma source(%dma_start3A_363 : memref<128x128xf32, #tpu.memory_space<vmem>>) target(%dma_start3A_359 : memref<128x128xf32, #tpu.memory_space<hbm>>) target_semaphore(%arg18 : memref<!tpu.dma_semaphore, #tpu.memory_space<semaphore_mem>>)
      %mul3A_364 = arith.constant 5 : i32
      %mul3A_365 = arith.muli %scan3A_70, %mul3A_364 : i32
      %add3A_366 = arith.constant 4 : i32
      %add3A_367 = arith.addi %mul3A_365, %add3A_366 : i32
      %mul3A_368 = arith.constant 128 : i32
      %mul3A_369 = arith.muli %add3A_367, %mul3A_368 : i32
      %multiple_of3A_370 = tpu.assume_multiple %mul3A_369, 128 : i32
      %dma_wait3A_371 = arith.constant 4 : i32
      %dma_wait3A_372 = arith.constant 0 : i32
      %dma_wait3A_373 = arith.constant 0 : i32
      %dma_wait3A_374 = tpu.memref_slice %arg7[%dma_wait3A_371, %dma_wait3A_372, %dma_wait3A_373] : memref<5x128x128xf32, #tpu.memory_space<vmem>> -> memref<1x128x128xf32, #tpu.memory_space<vmem>>
      %dma_wait3A_375 = tpu.memref_squeeze %dma_wait3A_374 : memref<1x128x128xf32, #tpu.memory_space<vmem>> -> memref<128x128xf32, #tpu.memory_space<vmem>>
      %dma_wait3A_376 = tpu.memref_slice %arg6[%multiple_of3A_370] : memref<6400xi32, #tpu.memory_space<vmem>> -> memref<128xi32, #tpu.memory_space<vmem>>
      %dma_wait3A_377 = arith.constant 0 : i32
      %dma_wait3A_378 = arith.constant 0 : i32
      %dma_wait3A_379 = tpu.memref_slice %arg9[%dma_wait3A_377, %dma_wait3A_378] : memref<512x128xf32, #tpu.memory_space<vmem_shared>> -> memref<512x128xf32, #tpu.memory_space<vmem_shared>>
      tpu.wait_indirect_dma semaphore(%arg14 : memref<!tpu.dma_semaphore, #tpu.memory_space<semaphore_mem>>) src(%dma_wait3A_379 : memref<512x128xf32, #tpu.memory_space<vmem_shared>>) dst(%dma_wait3A_375 : memref<128x128xf32, #tpu.memory_space<vmem>>)
      %lt3A_380 = arith.constant 9 : i32
      %lt3A_381 = arith.cmpi slt, %scan3A_70, %lt3A_380 : i32
      %convert_element_type3A_382 = arith.extui %lt3A_381 : i1 to i32
      %cond3A_383 = arith.constant 0 : i32
      %cond3A_384 = arith.cmpi ne, %convert_element_type3A_382, %cond3A_383 : i32
      scf.if %cond3A_384 {
        %sub3A_432 = arith.constant 2 : i32
        %sub3A_433 = arith.subi %add3A_367, %sub3A_432 : i32
        %mul3A_434 = arith.constant 128 : i32
        %mul3A_435 = arith.muli %sub3A_433, %mul3A_434 : i32
        %add3A_436 = arith.addi %mul3A_2, %mul3A_435 : i32
        %dma_wait3A_437 = arith.constant 2 : i32
        %dma_wait3A_438 = arith.constant 0 : i32
        %dma_wait3A_439 = arith.constant 0 : i32
        %dma_wait3A_440 = tpu.memref_slice %arg7[%dma_wait3A_437, %dma_wait3A_438, %dma_wait3A_439] : memref<5x128x128xf32, #tpu.memory_space<vmem>> -> memref<1x128x128xf32, #tpu.memory_space<vmem>>
        %dma_wait3A_441 = tpu.memref_squeeze %dma_wait3A_440 : memref<1x128x128xf32, #tpu.memory_space<vmem>> -> memref<128x128xf32, #tpu.memory_space<vmem>>
        %dma_wait3A_442 = arith.constant 0 : i32
        %dma_wait3A_443 = tpu.memref_slice %arg5[%add3A_436, %dma_wait3A_442] : memref<204800x128xf32, #tpu.memory_space<hbm>> -> memref<128x128xf32, #tpu.memory_space<hbm>>
        %dma_wait3A_444 = arith.constant 0 : i32
        %dma_wait3A_445 = tpu.memref_slice %arg5[%add3A_436, %dma_wait3A_444] : memref<204800x128xf32, #tpu.memory_space<hbm>> -> memref<128x128xf32, #tpu.memory_space<hbm>>
        %dma_wait3A_446 = arith.constant 0 : i32
        %dma_wait3A_447 = arith.constant 0 : i32
        %dma_wait3A_448 = tpu.memref_slice %arg7[%dma_wait3A_437, %dma_wait3A_446, %dma_wait3A_447] : memref<5x128x128xf32, #tpu.memory_space<vmem>> -> memref<1x128x128xf32, #tpu.memory_space<vmem>>
        %dma_wait3A_449 = tpu.memref_squeeze %dma_wait3A_448 : memref<1x128x128xf32, #tpu.memory_space<vmem>> -> memref<128x128xf32, #tpu.memory_space<vmem>>
        tpu.wait_dma2 semaphore(%arg17 : memref<!tpu.dma_semaphore, #tpu.memory_space<semaphore_mem>>) src(%dma_wait3A_449 : memref<128x128xf32, #tpu.memory_space<vmem>>) dst(%dma_wait3A_445 : memref<128x128xf32, #tpu.memory_space<hbm>>)
        %add3A_450 = arith.constant 3 : i32
        %add3A_451 = arith.addi %add3A_367, %add3A_450 : i32
        %mul3A_452 = arith.constant 128 : i32
        %mul3A_453 = arith.muli %add3A_451, %mul3A_452 : i32
        %multiple_of3A_454 = tpu.assume_multiple %mul3A_453, 128 : i32
        %dma_start3A_455 = arith.constant 2 : i32
        %dma_start3A_456 = arith.constant 0 : i32
        %dma_start3A_457 = arith.constant 0 : i32
        %dma_start3A_458 = tpu.memref_slice %arg7[%dma_start3A_455, %dma_start3A_456, %dma_start3A_457] : memref<5x128x128xf32, #tpu.memory_space<vmem>> -> memref<1x128x128xf32, #tpu.memory_space<vmem>>
        %dma_start3A_459 = tpu.memref_squeeze %dma_start3A_458 : memref<1x128x128xf32, #tpu.memory_space<vmem>> -> memref<128x128xf32, #tpu.memory_space<vmem>>
        %dma_start3A_460 = tpu.memref_slice %arg6[%multiple_of3A_454] : memref<6400xi32, #tpu.memory_space<vmem>> -> memref<128xi32, #tpu.memory_space<vmem>>
        %dma_start3A_461 = arith.constant 0 : i32
        %dma_start3A_462 = arith.constant 0 : i32
        %dma_start3A_463 = tpu.memref_slice %arg9[%dma_start3A_461, %dma_start3A_462] : memref<512x128xf32, #tpu.memory_space<vmem_shared>> -> memref<512x128xf32, #tpu.memory_space<vmem_shared>>
        tpu.enqueue_indirect_dma source(%dma_start3A_463 : memref<512x128xf32, #tpu.memory_space<vmem_shared>>) target(%dma_start3A_459 : memref<128x128xf32, #tpu.memory_space<vmem>>) offsets(%dma_start3A_460 : memref<128xi32, #tpu.memory_space<vmem>>) semaphore(%arg12 : memref<!tpu.dma_semaphore, #tpu.memory_space<semaphore_mem>>)
      } else {
      }
      %mul3A_385 = arith.constant 128 : i32
      %mul3A_386 = arith.muli %add3A_367, %mul3A_385 : i32
      %add3A_387 = arith.addi %mul3A_2, %mul3A_386 : i32
      %rem3A_388 = arith.constant 200 : i32
      %rem3A_389 = arith.remsi %add3A_387, %rem3A_388 : i32
      %sub3A_390 = arith.constant 200 : i32
      %sub3A_391 = arith.subi %sub3A_390, %rem3A_389 : i32
      %min3A_392 = arith.constant 128 : i32
      %min3A_393 = arith.minsi %sub3A_391, %min3A_392 : i32
      %while3A_394 = arith.constant 0 : i32
      %while3A_395 = arith.constant 0 : i32
      %while3A_396 = arith.subi %min3A_393, %while3A_395 : i32
      %while3A_397 = arith.addi %while3A_395, %while3A_396 : i32
      %while3A_398 = arith.constant 1 : i32
      %while3A_399 = arith.divsi %while3A_396, %while3A_398 : i32
      %while3A_400 = arith.muli %while3A_399, %while3A_398 : i32
      %while3A_401 = arith.addi %while3A_395, %while3A_400 : i32
      %while3A_402 = arith.constant 1 : i32
      scf.for %while3A_432 = %while3A_395 to %while3A_401 step %while3A_402  : i32 {
        %add3A_433 = arith.addi %rem3A_389, %while3A_432 : i32
        %get3A = arith.index_cast %add3A_433 : i32 to index
        %get3A_434 = arith.constant 0 : index
        %get3A_435 = tpu.vector_load %arg8[%get3A, %get3A_434] {strides = array<i32>} : memref<200x128xf32, #tpu.memory_space<vmem>>, vector<1x16xf32>,
        %get3A_436 = vector.shape_cast %get3A_435 : vector<1x16xf32> to vector<16xf32>
        %get3A_437 = arith.index_cast %add3A_433 : i32 to index
        %get3A_438 = arith.constant 16 : index
        %get3A_439 = tpu.vector_load %arg8[%get3A_437, %get3A_438] {strides = array<i32>} : memref<200x128xf32, #tpu.memory_space<vmem>>, vector<1x16xf32>,
        %get3A_440 = vector.shape_cast %get3A_439 : vector<1x16xf32> to vector<16xf32>
        %get3A_441 = arith.index_cast %add3A_433 : i32 to index
        %get3A_442 = arith.constant 32 : index
        %get3A_443 = tpu.vector_load %arg8[%get3A_441, %get3A_442] {strides = array<i32>} : memref<200x128xf32, #tpu.memory_space<vmem>>, vector<1x16xf32>,
        %get3A_444 = vector.shape_cast %get3A_443 : vector<1x16xf32> to vector<16xf32>
        %get3A_445 = arith.index_cast %add3A_433 : i32 to index
        %get3A_446 = arith.constant 48 : index
        %get3A_447 = tpu.vector_load %arg8[%get3A_445, %get3A_446] {strides = array<i32>} : memref<200x128xf32, #tpu.memory_space<vmem>>, vector<1x16xf32>,
        %get3A_448 = vector.shape_cast %get3A_447 : vector<1x16xf32> to vector<16xf32>
        %get3A_449 = arith.index_cast %add3A_433 : i32 to index
        %get3A_450 = arith.constant 64 : index
        %get3A_451 = tpu.vector_load %arg8[%get3A_449, %get3A_450] {strides = array<i32>} : memref<200x128xf32, #tpu.memory_space<vmem>>, vector<1x16xf32>,
        %get3A_452 = vector.shape_cast %get3A_451 : vector<1x16xf32> to vector<16xf32>
        %get3A_453 = arith.index_cast %add3A_433 : i32 to index
        %get3A_454 = arith.constant 80 : index
        %get3A_455 = tpu.vector_load %arg8[%get3A_453, %get3A_454] {strides = array<i32>} : memref<200x128xf32, #tpu.memory_space<vmem>>, vector<1x16xf32>,
        %get3A_456 = vector.shape_cast %get3A_455 : vector<1x16xf32> to vector<16xf32>
        %get3A_457 = arith.index_cast %add3A_433 : i32 to index
        %get3A_458 = arith.constant 96 : index
        %get3A_459 = tpu.vector_load %arg8[%get3A_457, %get3A_458] {strides = array<i32>} : memref<200x128xf32, #tpu.memory_space<vmem>>, vector<1x16xf32>,
        %get3A_460 = vector.shape_cast %get3A_459 : vector<1x16xf32> to vector<16xf32>
        %get3A_461 = arith.index_cast %add3A_433 : i32 to index
        %get3A_462 = arith.constant 112 : index
        %get3A_463 = tpu.vector_load %arg8[%get3A_461, %get3A_462] {strides = array<i32>} : memref<200x128xf32, #tpu.memory_space<vmem>>, vector<1x16xf32>,
        %get3A_464 = vector.shape_cast %get3A_463 : vector<1x16xf32> to vector<16xf32>
        %swap3A = arith.constant 4 : i32
        %swap3A_465 = arith.index_cast %swap3A : i32 to index
        %swap3A_466 = arith.index_cast %while3A_432 : i32 to index
        %swap3A_467 = arith.constant 0 : index
        %swap3A_468 = tpu.vector_load %arg7[%swap3A_465, %swap3A_466, %swap3A_467] {strides = array<i32>} : memref<5x128x128xf32, #tpu.memory_space<vmem>>, vector<1x1x16xf32>,
        %swap3A_469 = vector.shape_cast %swap3A_468 : vector<1x1x16xf32> to vector<16xf32>
        %swap3A_470 = vector.shape_cast %get3A_436 : vector<16xf32> to vector<1x1x16xf32>
        tpu.vector_store %arg7[%swap3A_465, %swap3A_466, %swap3A_467], %swap3A_470 {add = true, strides = array<i32>} : memref<5x128x128xf32, #tpu.memory_space<vmem>>, vector<1x1x16xf32>,
        %swap3A_471 = arith.constant 4 : i32
        %swap3A_472 = arith.index_cast %swap3A_471 : i32 to index
        %swap3A_473 = arith.index_cast %while3A_432 : i32 to index
        %swap3A_474 = arith.constant 16 : index
        %swap3A_475 = tpu.vector_load %arg7[%swap3A_472, %swap3A_473, %swap3A_474] {strides = array<i32>} : memref<5x128x128xf32, #tpu.memory_space<vmem>>, vector<1x1x16xf32>,
        %swap3A_476 = vector.shape_cast %swap3A_475 : vector<1x1x16xf32> to vector<16xf32>
        %swap3A_477 = vector.shape_cast %get3A_440 : vector<16xf32> to vector<1x1x16xf32>
        tpu.vector_store %arg7[%swap3A_472, %swap3A_473, %swap3A_474], %swap3A_477 {add = true, strides = array<i32>} : memref<5x128x128xf32, #tpu.memory_space<vmem>>, vector<1x1x16xf32>,
        %swap3A_478 = arith.constant 4 : i32
        %swap3A_479 = arith.index_cast %swap3A_478 : i32 to index
        %swap3A_480 = arith.index_cast %while3A_432 : i32 to index
        %swap3A_481 = arith.constant 32 : index
        %swap3A_482 = tpu.vector_load %arg7[%swap3A_479, %swap3A_480, %swap3A_481] {strides = array<i32>} : memref<5x128x128xf32, #tpu.memory_space<vmem>>, vector<1x1x16xf32>,
        %swap3A_483 = vector.shape_cast %swap3A_482 : vector<1x1x16xf32> to vector<16xf32>
        %swap3A_484 = vector.shape_cast %get3A_444 : vector<16xf32> to vector<1x1x16xf32>
        tpu.vector_store %arg7[%swap3A_479, %swap3A_480, %swap3A_481], %swap3A_484 {add = true, strides = array<i32>} : memref<5x128x128xf32, #tpu.memory_space<vmem>>, vector<1x1x16xf32>,
        %swap3A_485 = arith.constant 4 : i32
        %swap3A_486 = arith.index_cast %swap3A_485 : i32 to index
        %swap3A_487 = arith.index_cast %while3A_432 : i32 to index
        %swap3A_488 = arith.constant 48 : index
        %swap3A_489 = tpu.vector_load %arg7[%swap3A_486, %swap3A_487, %swap3A_488] {strides = array<i32>} : memref<5x128x128xf32, #tpu.memory_space<vmem>>, vector<1x1x16xf32>,
        %swap3A_490 = vector.shape_cast %swap3A_489 : vector<1x1x16xf32> to vector<16xf32>
        %swap3A_491 = vector.shape_cast %get3A_448 : vector<16xf32> to vector<1x1x16xf32>
        tpu.vector_store %arg7[%swap3A_486, %swap3A_487, %swap3A_488], %swap3A_491 {add = true, strides = array<i32>} : memref<5x128x128xf32, #tpu.memory_space<vmem>>, vector<1x1x16xf32>,
        %swap3A_492 = arith.constant 4 : i32
        %swap3A_493 = arith.index_cast %swap3A_492 : i32 to index
        %swap3A_494 = arith.index_cast %while3A_432 : i32 to index
        %swap3A_495 = arith.constant 64 : index
        %swap3A_496 = tpu.vector_load %arg7[%swap3A_493, %swap3A_494, %swap3A_495] {strides = array<i32>} : memref<5x128x128xf32, #tpu.memory_space<vmem>>, vector<1x1x16xf32>,
        %swap3A_497 = vector.shape_cast %swap3A_496 : vector<1x1x16xf32> to vector<16xf32>
        %swap3A_498 = vector.shape_cast %get3A_452 : vector<16xf32> to vector<1x1x16xf32>
        tpu.vector_store %arg7[%swap3A_493, %swap3A_494, %swap3A_495], %swap3A_498 {add = true, strides = array<i32>} : memref<5x128x128xf32, #tpu.memory_space<vmem>>, vector<1x1x16xf32>,
        %swap3A_499 = arith.constant 4 : i32
        %swap3A_500 = arith.index_cast %swap3A_499 : i32 to index
        %swap3A_501 = arith.index_cast %while3A_432 : i32 to index
        %swap3A_502 = arith.constant 80 : index
        %swap3A_503 = tpu.vector_load %arg7[%swap3A_500, %swap3A_501, %swap3A_502] {strides = array<i32>} : memref<5x128x128xf32, #tpu.memory_space<vmem>>, vector<1x1x16xf32>,
        %swap3A_504 = vector.shape_cast %swap3A_503 : vector<1x1x16xf32> to vector<16xf32>
        %swap3A_505 = vector.shape_cast %get3A_456 : vector<16xf32> to vector<1x1x16xf32>
        tpu.vector_store %arg7[%swap3A_500, %swap3A_501, %swap3A_502], %swap3A_505 {add = true, strides = array<i32>} : memref<5x128x128xf32, #tpu.memory_space<vmem>>, vector<1x1x16xf32>,
        %swap3A_506 = arith.constant 4 : i32
        %swap3A_507 = arith.index_cast %swap3A_506 : i32 to index
        %swap3A_508 = arith.index_cast %while3A_432 : i32 to index
        %swap3A_509 = arith.constant 96 : index
        %swap3A_510 = tpu.vector_load %arg7[%swap3A_507, %swap3A_508, %swap3A_509] {strides = array<i32>} : memref<5x128x128xf32, #tpu.memory_space<vmem>>, vector<1x1x16xf32>,
        %swap3A_511 = vector.shape_cast %swap3A_510 : vector<1x1x16xf32> to vector<16xf32>
        %swap3A_512 = vector.shape_cast %get3A_460 : vector<16xf32> to vector<1x1x16xf32>
        tpu.vector_store %arg7[%swap3A_507, %swap3A_508, %swap3A_509], %swap3A_512 {add = true, strides = array<i32>} : memref<5x128x128xf32, #tpu.memory_space<vmem>>, vector<1x1x16xf32>,
        %swap3A_513 = arith.constant 4 : i32
        %swap3A_514 = arith.index_cast %swap3A_513 : i32 to index
        %swap3A_515 = arith.index_cast %while3A_432 : i32 to index
        %swap3A_516 = arith.constant 112 : index
        %swap3A_517 = tpu.vector_load %arg7[%swap3A_514, %swap3A_515, %swap3A_516] {strides = array<i32>} : memref<5x128x128xf32, #tpu.memory_space<vmem>>, vector<1x1x16xf32>,
        %swap3A_518 = vector.shape_cast %swap3A_517 : vector<1x1x16xf32> to vector<16xf32>
        %swap3A_519 = vector.shape_cast %get3A_464 : vector<16xf32> to vector<1x1x16xf32>
        tpu.vector_store %arg7[%swap3A_514, %swap3A_515, %swap3A_516], %swap3A_519 {add = true, strides = array<i32>} : memref<5x128x128xf32, #tpu.memory_space<vmem>>, vector<1x1x16xf32>,
      }
      %while3A_403 = arith.constant 1 : i32
      scf.for %while3A_432 = %while3A_401 to %while3A_397 step %while3A_403  : i32 {
        %add3A_433 = arith.addi %rem3A_389, %while3A_432 : i32
        %get3A = arith.index_cast %add3A_433 : i32 to index
        %get3A_434 = arith.constant 0 : index
        %get3A_435 = tpu.vector_load %arg8[%get3A, %get3A_434] {strides = array<i32>} : memref<200x128xf32, #tpu.memory_space<vmem>>, vector<1x16xf32>,
        %get3A_436 = vector.shape_cast %get3A_435 : vector<1x16xf32> to vector<16xf32>
        %get3A_437 = arith.index_cast %add3A_433 : i32 to index
        %get3A_438 = arith.constant 16 : index
        %get3A_439 = tpu.vector_load %arg8[%get3A_437, %get3A_438] {strides = array<i32>} : memref<200x128xf32, #tpu.memory_space<vmem>>, vector<1x16xf32>,
        %get3A_440 = vector.shape_cast %get3A_439 : vector<1x16xf32> to vector<16xf32>
        %get3A_441 = arith.index_cast %add3A_433 : i32 to index
        %get3A_442 = arith.constant 32 : index
        %get3A_443 = tpu.vector_load %arg8[%get3A_441, %get3A_442] {strides = array<i32>} : memref<200x128xf32, #tpu.memory_space<vmem>>, vector<1x16xf32>,
        %get3A_444 = vector.shape_cast %get3A_443 : vector<1x16xf32> to vector<16xf32>
        %get3A_445 = arith.index_cast %add3A_433 : i32 to index
        %get3A_446 = arith.constant 48 : index
        %get3A_447 = tpu.vector_load %arg8[%get3A_445, %get3A_446] {strides = array<i32>} : memref<200x128xf32, #tpu.memory_space<vmem>>, vector<1x16xf32>,
        %get3A_448 = vector.shape_cast %get3A_447 : vector<1x16xf32> to vector<16xf32>
        %get3A_449 = arith.index_cast %add3A_433 : i32 to index
        %get3A_450 = arith.constant 64 : index
        %get3A_451 = tpu.vector_load %arg8[%get3A_449, %get3A_450] {strides = array<i32>} : memref<200x128xf32, #tpu.memory_space<vmem>>, vector<1x16xf32>,
        %get3A_452 = vector.shape_cast %get3A_451 : vector<1x16xf32> to vector<16xf32>
        %get3A_453 = arith.index_cast %add3A_433 : i32 to index
        %get3A_454 = arith.constant 80 : index
        %get3A_455 = tpu.vector_load %arg8[%get3A_453, %get3A_454] {strides = array<i32>} : memref<200x128xf32, #tpu.memory_space<vmem>>, vector<1x16xf32>,
        %get3A_456 = vector.shape_cast %get3A_455 : vector<1x16xf32> to vector<16xf32>
        %get3A_457 = arith.index_cast %add3A_433 : i32 to index
        %get3A_458 = arith.constant 96 : index
        %get3A_459 = tpu.vector_load %arg8[%get3A_457, %get3A_458] {strides = array<i32>} : memref<200x128xf32, #tpu.memory_space<vmem>>, vector<1x16xf32>,
        %get3A_460 = vector.shape_cast %get3A_459 : vector<1x16xf32> to vector<16xf32>
        %get3A_461 = arith.index_cast %add3A_433 : i32 to index
        %get3A_462 = arith.constant 112 : index
        %get3A_463 = tpu.vector_load %arg8[%get3A_461, %get3A_462] {strides = array<i32>} : memref<200x128xf32, #tpu.memory_space<vmem>>, vector<1x16xf32>,
        %get3A_464 = vector.shape_cast %get3A_463 : vector<1x16xf32> to vector<16xf32>
        %swap3A = arith.constant 4 : i32
        %swap3A_465 = arith.index_cast %swap3A : i32 to index
        %swap3A_466 = arith.index_cast %while3A_432 : i32 to index
        %swap3A_467 = arith.constant 0 : index
        %swap3A_468 = tpu.vector_load %arg7[%swap3A_465, %swap3A_466, %swap3A_467] {strides = array<i32>} : memref<5x128x128xf32, #tpu.memory_space<vmem>>, vector<1x1x16xf32>,
        %swap3A_469 = vector.shape_cast %swap3A_468 : vector<1x1x16xf32> to vector<16xf32>
        %swap3A_470 = vector.shape_cast %get3A_436 : vector<16xf32> to vector<1x1x16xf32>
        tpu.vector_store %arg7[%swap3A_465, %swap3A_466, %swap3A_467], %swap3A_470 {add = true, strides = array<i32>} : memref<5x128x128xf32, #tpu.memory_space<vmem>>, vector<1x1x16xf32>,
        %swap3A_471 = arith.constant 4 : i32
        %swap3A_472 = arith.index_cast %swap3A_471 : i32 to index
        %swap3A_473 = arith.index_cast %while3A_432 : i32 to index
        %swap3A_474 = arith.constant 16 : index
        %swap3A_475 = tpu.vector_load %arg7[%swap3A_472, %swap3A_473, %swap3A_474] {strides = array<i32>} : memref<5x128x128xf32, #tpu.memory_space<vmem>>, vector<1x1x16xf32>,
        %swap3A_476 = vector.shape_cast %swap3A_475 : vector<1x1x16xf32> to vector<16xf32>
        %swap3A_477 = vector.shape_cast %get3A_440 : vector<16xf32> to vector<1x1x16xf32>
        tpu.vector_store %arg7[%swap3A_472, %swap3A_473, %swap3A_474], %swap3A_477 {add = true, strides = array<i32>} : memref<5x128x128xf32, #tpu.memory_space<vmem>>, vector<1x1x16xf32>,
        %swap3A_478 = arith.constant 4 : i32
        %swap3A_479 = arith.index_cast %swap3A_478 : i32 to index
        %swap3A_480 = arith.index_cast %while3A_432 : i32 to index
        %swap3A_481 = arith.constant 32 : index
        %swap3A_482 = tpu.vector_load %arg7[%swap3A_479, %swap3A_480, %swap3A_481] {strides = array<i32>} : memref<5x128x128xf32, #tpu.memory_space<vmem>>, vector<1x1x16xf32>,
        %swap3A_483 = vector.shape_cast %swap3A_482 : vector<1x1x16xf32> to vector<16xf32>
        %swap3A_484 = vector.shape_cast %get3A_444 : vector<16xf32> to vector<1x1x16xf32>
        tpu.vector_store %arg7[%swap3A_479, %swap3A_480, %swap3A_481], %swap3A_484 {add = true, strides = array<i32>} : memref<5x128x128xf32, #tpu.memory_space<vmem>>, vector<1x1x16xf32>,
        %swap3A_485 = arith.constant 4 : i32
        %swap3A_486 = arith.index_cast %swap3A_485 : i32 to index
        %swap3A_487 = arith.index_cast %while3A_432 : i32 to index
        %swap3A_488 = arith.constant 48 : index
        %swap3A_489 = tpu.vector_load %arg7[%swap3A_486, %swap3A_487, %swap3A_488] {strides = array<i32>} : memref<5x128x128xf32, #tpu.memory_space<vmem>>, vector<1x1x16xf32>,
        %swap3A_490 = vector.shape_cast %swap3A_489 : vector<1x1x16xf32> to vector<16xf32>
        %swap3A_491 = vector.shape_cast %get3A_448 : vector<16xf32> to vector<1x1x16xf32>
        tpu.vector_store %arg7[%swap3A_486, %swap3A_487, %swap3A_488], %swap3A_491 {add = true, strides = array<i32>} : memref<5x128x128xf32, #tpu.memory_space<vmem>>, vector<1x1x16xf32>,
        %swap3A_492 = arith.constant 4 : i32
        %swap3A_493 = arith.index_cast %swap3A_492 : i32 to index
        %swap3A_494 = arith.index_cast %while3A_432 : i32 to index
        %swap3A_495 = arith.constant 64 : index
        %swap3A_496 = tpu.vector_load %arg7[%swap3A_493, %swap3A_494, %swap3A_495] {strides = array<i32>} : memref<5x128x128xf32, #tpu.memory_space<vmem>>, vector<1x1x16xf32>,
        %swap3A_497 = vector.shape_cast %swap3A_496 : vector<1x1x16xf32> to vector<16xf32>
        %swap3A_498 = vector.shape_cast %get3A_452 : vector<16xf32> to vector<1x1x16xf32>
        tpu.vector_store %arg7[%swap3A_493, %swap3A_494, %swap3A_495], %swap3A_498 {add = true, strides = array<i32>} : memref<5x128x128xf32, #tpu.memory_space<vmem>>, vector<1x1x16xf32>,
        %swap3A_499 = arith.constant 4 : i32
        %swap3A_500 = arith.index_cast %swap3A_499 : i32 to index
        %swap3A_501 = arith.index_cast %while3A_432 : i32 to index
        %swap3A_502 = arith.constant 80 : index
        %swap3A_503 = tpu.vector_load %arg7[%swap3A_500, %swap3A_501, %swap3A_502] {strides = array<i32>} : memref<5x128x128xf32, #tpu.memory_space<vmem>>, vector<1x1x16xf32>,
        %swap3A_504 = vector.shape_cast %swap3A_503 : vector<1x1x16xf32> to vector<16xf32>
        %swap3A_505 = vector.shape_cast %get3A_456 : vector<16xf32> to vector<1x1x16xf32>
        tpu.vector_store %arg7[%swap3A_500, %swap3A_501, %swap3A_502], %swap3A_505 {add = true, strides = array<i32>} : memref<5x128x128xf32, #tpu.memory_space<vmem>>, vector<1x1x16xf32>,
        %swap3A_506 = arith.constant 4 : i32
        %swap3A_507 = arith.index_cast %swap3A_506 : i32 to index
        %swap3A_508 = arith.index_cast %while3A_432 : i32 to index
        %swap3A_509 = arith.constant 96 : index
        %swap3A_510 = tpu.vector_load %arg7[%swap3A_507, %swap3A_508, %swap3A_509] {strides = array<i32>} : memref<5x128x128xf32, #tpu.memory_space<vmem>>, vector<1x1x16xf32>,
        %swap3A_511 = vector.shape_cast %swap3A_510 : vector<1x1x16xf32> to vector<16xf32>
        %swap3A_512 = vector.shape_cast %get3A_460 : vector<16xf32> to vector<1x1x16xf32>
        tpu.vector_store %arg7[%swap3A_507, %swap3A_508, %swap3A_509], %swap3A_512 {add = true, strides = array<i32>} : memref<5x128x128xf32, #tpu.memory_space<vmem>>, vector<1x1x16xf32>,
        %swap3A_513 = arith.constant 4 : i32
        %swap3A_514 = arith.index_cast %swap3A_513 : i32 to index
        %swap3A_515 = arith.index_cast %while3A_432 : i32 to index
        %swap3A_516 = arith.constant 112 : index
        %swap3A_517 = tpu.vector_load %arg7[%swap3A_514, %swap3A_515, %swap3A_516] {strides = array<i32>} : memref<5x128x128xf32, #tpu.memory_space<vmem>>, vector<1x1x16xf32>,
        %swap3A_518 = vector.shape_cast %swap3A_517 : vector<1x1x16xf32> to vector<16xf32>
        %swap3A_519 = vector.shape_cast %get3A_464 : vector<16xf32> to vector<1x1x16xf32>
        tpu.vector_store %arg7[%swap3A_514, %swap3A_515, %swap3A_516], %swap3A_519 {add = true, strides = array<i32>} : memref<5x128x128xf32, #tpu.memory_space<vmem>>, vector<1x1x16xf32>,
      }
      %neg3A_404 = arith.constant 0 : i32
      %neg3A_405 = arith.subi %neg3A_404, %min3A_393 : i32
      %while3A_406 = arith.constant 0 : i32
      %while3A_407 = arith.constant 128 : i32
      %while3A_408 = arith.subi %while3A_407, %min3A_393 : i32
      %while3A_409 = arith.addi %min3A_393, %while3A_408 : i32
      %while3A_410 = arith.constant 1 : i32
      %while3A_411 = arith.divsi %while3A_408, %while3A_410 : i32
      %while3A_412 = arith.muli %while3A_411, %while3A_410 : i32
      %while3A_413 = arith.addi %min3A_393, %while3A_412 : i32
      %while3A_414 = arith.constant 1 : i32
      scf.for %while3A_432 = %min3A_393 to %while3A_413 step %while3A_414  : i32 {
        %add3A_433 = arith.addi %neg3A_405, %while3A_432 : i32
        %get3A = arith.index_cast %add3A_433 : i32 to index
        %get3A_434 = arith.constant 0 : index
        %get3A_435 = tpu.vector_load %arg8[%get3A, %get3A_434] {strides = array<i32>} : memref<200x128xf32, #tpu.memory_space<vmem>>, vector<1x16xf32>,
        %get3A_436 = vector.shape_cast %get3A_435 : vector<1x16xf32> to vector<16xf32>
        %get3A_437 = arith.index_cast %add3A_433 : i32 to index
        %get3A_438 = arith.constant 16 : index
        %get3A_439 = tpu.vector_load %arg8[%get3A_437, %get3A_438] {strides = array<i32>} : memref<200x128xf32, #tpu.memory_space<vmem>>, vector<1x16xf32>,
        %get3A_440 = vector.shape_cast %get3A_439 : vector<1x16xf32> to vector<16xf32>
        %get3A_441 = arith.index_cast %add3A_433 : i32 to index
        %get3A_442 = arith.constant 32 : index
        %get3A_443 = tpu.vector_load %arg8[%get3A_441, %get3A_442] {strides = array<i32>} : memref<200x128xf32, #tpu.memory_space<vmem>>, vector<1x16xf32>,
        %get3A_444 = vector.shape_cast %get3A_443 : vector<1x16xf32> to vector<16xf32>
        %get3A_445 = arith.index_cast %add3A_433 : i32 to index
        %get3A_446 = arith.constant 48 : index
        %get3A_447 = tpu.vector_load %arg8[%get3A_445, %get3A_446] {strides = array<i32>} : memref<200x128xf32, #tpu.memory_space<vmem>>, vector<1x16xf32>,
        %get3A_448 = vector.shape_cast %get3A_447 : vector<1x16xf32> to vector<16xf32>
        %get3A_449 = arith.index_cast %add3A_433 : i32 to index
        %get3A_450 = arith.constant 64 : index
        %get3A_451 = tpu.vector_load %arg8[%get3A_449, %get3A_450] {strides = array<i32>} : memref<200x128xf32, #tpu.memory_space<vmem>>, vector<1x16xf32>,
        %get3A_452 = vector.shape_cast %get3A_451 : vector<1x16xf32> to vector<16xf32>
        %get3A_453 = arith.index_cast %add3A_433 : i32 to index
        %get3A_454 = arith.constant 80 : index
        %get3A_455 = tpu.vector_load %arg8[%get3A_453, %get3A_454] {strides = array<i32>} : memref<200x128xf32, #tpu.memory_space<vmem>>, vector<1x16xf32>,
        %get3A_456 = vector.shape_cast %get3A_455 : vector<1x16xf32> to vector<16xf32>
        %get3A_457 = arith.index_cast %add3A_433 : i32 to index
        %get3A_458 = arith.constant 96 : index
        %get3A_459 = tpu.vector_load %arg8[%get3A_457, %get3A_458] {strides = array<i32>} : memref<200x128xf32, #tpu.memory_space<vmem>>, vector<1x16xf32>,
        %get3A_460 = vector.shape_cast %get3A_459 : vector<1x16xf32> to vector<16xf32>
        %get3A_461 = arith.index_cast %add3A_433 : i32 to index
        %get3A_462 = arith.constant 112 : index
        %get3A_463 = tpu.vector_load %arg8[%get3A_461, %get3A_462] {strides = array<i32>} : memref<200x128xf32, #tpu.memory_space<vmem>>, vector<1x16xf32>,
        %get3A_464 = vector.shape_cast %get3A_463 : vector<1x16xf32> to vector<16xf32>
        %swap3A = arith.constant 4 : i32
        %swap3A_465 = arith.index_cast %swap3A : i32 to index
        %swap3A_466 = arith.index_cast %while3A_432 : i32 to index
        %swap3A_467 = arith.constant 0 : index
        %swap3A_468 = tpu.vector_load %arg7[%swap3A_465, %swap3A_466, %swap3A_467] {strides = array<i32>} : memref<5x128x128xf32, #tpu.memory_space<vmem>>, vector<1x1x16xf32>,
        %swap3A_469 = vector.shape_cast %swap3A_468 : vector<1x1x16xf32> to vector<16xf32>
        %swap3A_470 = vector.shape_cast %get3A_436 : vector<16xf32> to vector<1x1x16xf32>
        tpu.vector_store %arg7[%swap3A_465, %swap3A_466, %swap3A_467], %swap3A_470 {add = true, strides = array<i32>} : memref<5x128x128xf32, #tpu.memory_space<vmem>>, vector<1x1x16xf32>,
        %swap3A_471 = arith.constant 4 : i32
        %swap3A_472 = arith.index_cast %swap3A_471 : i32 to index
        %swap3A_473 = arith.index_cast %while3A_432 : i32 to index
        %swap3A_474 = arith.constant 16 : index
        %swap3A_475 = tpu.vector_load %arg7[%swap3A_472, %swap3A_473, %swap3A_474] {strides = array<i32>} : memref<5x128x128xf32, #tpu.memory_space<vmem>>, vector<1x1x16xf32>,
        %swap3A_476 = vector.shape_cast %swap3A_475 : vector<1x1x16xf32> to vector<16xf32>
        %swap3A_477 = vector.shape_cast %get3A_440 : vector<16xf32> to vector<1x1x16xf32>
        tpu.vector_store %arg7[%swap3A_472, %swap3A_473, %swap3A_474], %swap3A_477 {add = true, strides = array<i32>} : memref<5x128x128xf32, #tpu.memory_space<vmem>>, vector<1x1x16xf32>,
        %swap3A_478 = arith.constant 4 : i32
        %swap3A_479 = arith.index_cast %swap3A_478 : i32 to index
        %swap3A_480 = arith.index_cast %while3A_432 : i32 to index
        %swap3A_481 = arith.constant 32 : index
        %swap3A_482 = tpu.vector_load %arg7[%swap3A_479, %swap3A_480, %swap3A_481] {strides = array<i32>} : memref<5x128x128xf32, #tpu.memory_space<vmem>>, vector<1x1x16xf32>,
        %swap3A_483 = vector.shape_cast %swap3A_482 : vector<1x1x16xf32> to vector<16xf32>
        %swap3A_484 = vector.shape_cast %get3A_444 : vector<16xf32> to vector<1x1x16xf32>
        tpu.vector_store %arg7[%swap3A_479, %swap3A_480, %swap3A_481], %swap3A_484 {add = true, strides = array<i32>} : memref<5x128x128xf32, #tpu.memory_space<vmem>>, vector<1x1x16xf32>,
        %swap3A_485 = arith.constant 4 : i32
        %swap3A_486 = arith.index_cast %swap3A_485 : i32 to index
        %swap3A_487 = arith.index_cast %while3A_432 : i32 to index
        %swap3A_488 = arith.constant 48 : index
        %swap3A_489 = tpu.vector_load %arg7[%swap3A_486, %swap3A_487, %swap3A_488] {strides = array<i32>} : memref<5x128x128xf32, #tpu.memory_space<vmem>>, vector<1x1x16xf32>,
        %swap3A_490 = vector.shape_cast %swap3A_489 : vector<1x1x16xf32> to vector<16xf32>
        %swap3A_491 = vector.shape_cast %get3A_448 : vector<16xf32> to vector<1x1x16xf32>
        tpu.vector_store %arg7[%swap3A_486, %swap3A_487, %swap3A_488], %swap3A_491 {add = true, strides = array<i32>} : memref<5x128x128xf32, #tpu.memory_space<vmem>>, vector<1x1x16xf32>,
        %swap3A_492 = arith.constant 4 : i32
        %swap3A_493 = arith.index_cast %swap3A_492 : i32 to index
        %swap3A_494 = arith.index_cast %while3A_432 : i32 to index
        %swap3A_495 = arith.constant 64 : index
        %swap3A_496 = tpu.vector_load %arg7[%swap3A_493, %swap3A_494, %swap3A_495] {strides = array<i32>} : memref<5x128x128xf32, #tpu.memory_space<vmem>>, vector<1x1x16xf32>,
        %swap3A_497 = vector.shape_cast %swap3A_496 : vector<1x1x16xf32> to vector<16xf32>
        %swap3A_498 = vector.shape_cast %get3A_452 : vector<16xf32> to vector<1x1x16xf32>
        tpu.vector_store %arg7[%swap3A_493, %swap3A_494, %swap3A_495], %swap3A_498 {add = true, strides = array<i32>} : memref<5x128x128xf32, #tpu.memory_space<vmem>>, vector<1x1x16xf32>,
        %swap3A_499 = arith.constant 4 : i32
        %swap3A_500 = arith.index_cast %swap3A_499 : i32 to index
        %swap3A_501 = arith.index_cast %while3A_432 : i32 to index
        %swap3A_502 = arith.constant 80 : index
        %swap3A_503 = tpu.vector_load %arg7[%swap3A_500, %swap3A_501, %swap3A_502] {strides = array<i32>} : memref<5x128x128xf32, #tpu.memory_space<vmem>>, vector<1x1x16xf32>,
        %swap3A_504 = vector.shape_cast %swap3A_503 : vector<1x1x16xf32> to vector<16xf32>
        %swap3A_505 = vector.shape_cast %get3A_456 : vector<16xf32> to vector<1x1x16xf32>
        tpu.vector_store %arg7[%swap3A_500, %swap3A_501, %swap3A_502], %swap3A_505 {add = true, strides = array<i32>} : memref<5x128x128xf32, #tpu.memory_space<vmem>>, vector<1x1x16xf32>,
        %swap3A_506 = arith.constant 4 : i32
        %swap3A_507 = arith.index_cast %swap3A_506 : i32 to index
        %swap3A_508 = arith.index_cast %while3A_432 : i32 to index
        %swap3A_509 = arith.constant 96 : index
        %swap3A_510 = tpu.vector_load %arg7[%swap3A_507, %swap3A_508, %swap3A_509] {strides = array<i32>} : memref<5x128x128xf32, #tpu.memory_space<vmem>>, vector<1x1x16xf32>,
        %swap3A_511 = vector.shape_cast %swap3A_510 : vector<1x1x16xf32> to vector<16xf32>
        %swap3A_512 = vector.shape_cast %get3A_460 : vector<16xf32> to vector<1x1x16xf32>
        tpu.vector_store %arg7[%swap3A_507, %swap3A_508, %swap3A_509], %swap3A_512 {add = true, strides = array<i32>} : memref<5x128x128xf32, #tpu.memory_space<vmem>>, vector<1x1x16xf32>,
        %swap3A_513 = arith.constant 4 : i32
        %swap3A_514 = arith.index_cast %swap3A_513 : i32 to index
        %swap3A_515 = arith.index_cast %while3A_432 : i32 to index
        %swap3A_516 = arith.constant 112 : index
        %swap3A_517 = tpu.vector_load %arg7[%swap3A_514, %swap3A_515, %swap3A_516] {strides = array<i32>} : memref<5x128x128xf32, #tpu.memory_space<vmem>>, vector<1x1x16xf32>,
        %swap3A_518 = vector.shape_cast %swap3A_517 : vector<1x1x16xf32> to vector<16xf32>
        %swap3A_519 = vector.shape_cast %get3A_464 : vector<16xf32> to vector<1x1x16xf32>
        tpu.vector_store %arg7[%swap3A_514, %swap3A_515, %swap3A_516], %swap3A_519 {add = true, strides = array<i32>} : memref<5x128x128xf32, #tpu.memory_space<vmem>>, vector<1x1x16xf32>,
      }
      %while3A_415 = arith.constant 1 : i32
      scf.for %while3A_432 = %while3A_413 to %while3A_409 step %while3A_415  : i32 {
        %add3A_433 = arith.addi %neg3A_405, %while3A_432 : i32
        %get3A = arith.index_cast %add3A_433 : i32 to index
        %get3A_434 = arith.constant 0 : index
        %get3A_435 = tpu.vector_load %arg8[%get3A, %get3A_434] {strides = array<i32>} : memref<200x128xf32, #tpu.memory_space<vmem>>, vector<1x16xf32>,
        %get3A_436 = vector.shape_cast %get3A_435 : vector<1x16xf32> to vector<16xf32>
        %get3A_437 = arith.index_cast %add3A_433 : i32 to index
        %get3A_438 = arith.constant 16 : index
        %get3A_439 = tpu.vector_load %arg8[%get3A_437, %get3A_438] {strides = array<i32>} : memref<200x128xf32, #tpu.memory_space<vmem>>, vector<1x16xf32>,
        %get3A_440 = vector.shape_cast %get3A_439 : vector<1x16xf32> to vector<16xf32>
        %get3A_441 = arith.index_cast %add3A_433 : i32 to index
        %get3A_442 = arith.constant 32 : index
        %get3A_443 = tpu.vector_load %arg8[%get3A_441, %get3A_442] {strides = array<i32>} : memref<200x128xf32, #tpu.memory_space<vmem>>, vector<1x16xf32>,
        %get3A_444 = vector.shape_cast %get3A_443 : vector<1x16xf32> to vector<16xf32>
        %get3A_445 = arith.index_cast %add3A_433 : i32 to index
        %get3A_446 = arith.constant 48 : index
        %get3A_447 = tpu.vector_load %arg8[%get3A_445, %get3A_446] {strides = array<i32>} : memref<200x128xf32, #tpu.memory_space<vmem>>, vector<1x16xf32>,
        %get3A_448 = vector.shape_cast %get3A_447 : vector<1x16xf32> to vector<16xf32>
        %get3A_449 = arith.index_cast %add3A_433 : i32 to index
        %get3A_450 = arith.constant 64 : index
        %get3A_451 = tpu.vector_load %arg8[%get3A_449, %get3A_450] {strides = array<i32>} : memref<200x128xf32, #tpu.memory_space<vmem>>, vector<1x16xf32>,
        %get3A_452 = vector.shape_cast %get3A_451 : vector<1x16xf32> to vector<16xf32>
        %get3A_453 = arith.index_cast %add3A_433 : i32 to index
        %get3A_454 = arith.constant 80 : index
        %get3A_455 = tpu.vector_load %arg8[%get3A_453, %get3A_454] {strides = array<i32>} : memref<200x128xf32, #tpu.memory_space<vmem>>, vector<1x16xf32>,
        %get3A_456 = vector.shape_cast %get3A_455 : vector<1x16xf32> to vector<16xf32>
        %get3A_457 = arith.index_cast %add3A_433 : i32 to index
        %get3A_458 = arith.constant 96 : index
        %get3A_459 = tpu.vector_load %arg8[%get3A_457, %get3A_458] {strides = array<i32>} : memref<200x128xf32, #tpu.memory_space<vmem>>, vector<1x16xf32>,
        %get3A_460 = vector.shape_cast %get3A_459 : vector<1x16xf32> to vector<16xf32>
        %get3A_461 = arith.index_cast %add3A_433 : i32 to index
        %get3A_462 = arith.constant 112 : index
        %get3A_463 = tpu.vector_load %arg8[%get3A_461, %get3A_462] {strides = array<i32>} : memref<200x128xf32, #tpu.memory_space<vmem>>, vector<1x16xf32>,
        %get3A_464 = vector.shape_cast %get3A_463 : vector<1x16xf32> to vector<16xf32>
        %swap3A = arith.constant 4 : i32
        %swap3A_465 = arith.index_cast %swap3A : i32 to index
        %swap3A_466 = arith.index_cast %while3A_432 : i32 to index
        %swap3A_467 = arith.constant 0 : index
        %swap3A_468 = tpu.vector_load %arg7[%swap3A_465, %swap3A_466, %swap3A_467] {strides = array<i32>} : memref<5x128x128xf32, #tpu.memory_space<vmem>>, vector<1x1x16xf32>,
        %swap3A_469 = vector.shape_cast %swap3A_468 : vector<1x1x16xf32> to vector<16xf32>
        %swap3A_470 = vector.shape_cast %get3A_436 : vector<16xf32> to vector<1x1x16xf32>
        tpu.vector_store %arg7[%swap3A_465, %swap3A_466, %swap3A_467], %swap3A_470 {add = true, strides = array<i32>} : memref<5x128x128xf32, #tpu.memory_space<vmem>>, vector<1x1x16xf32>,
        %swap3A_471 = arith.constant 4 : i32
        %swap3A_472 = arith.index_cast %swap3A_471 : i32 to index
        %swap3A_473 = arith.index_cast %while3A_432 : i32 to index
        %swap3A_474 = arith.constant 16 : index
        %swap3A_475 = tpu.vector_load %arg7[%swap3A_472, %swap3A_473, %swap3A_474] {strides = array<i32>} : memref<5x128x128xf32, #tpu.memory_space<vmem>>, vector<1x1x16xf32>,
        %swap3A_476 = vector.shape_cast %swap3A_475 : vector<1x1x16xf32> to vector<16xf32>
        %swap3A_477 = vector.shape_cast %get3A_440 : vector<16xf32> to vector<1x1x16xf32>
        tpu.vector_store %arg7[%swap3A_472, %swap3A_473, %swap3A_474], %swap3A_477 {add = true, strides = array<i32>} : memref<5x128x128xf32, #tpu.memory_space<vmem>>, vector<1x1x16xf32>,
        %swap3A_478 = arith.constant 4 : i32
        %swap3A_479 = arith.index_cast %swap3A_478 : i32 to index
        %swap3A_480 = arith.index_cast %while3A_432 : i32 to index
        %swap3A_481 = arith.constant 32 : index
        %swap3A_482 = tpu.vector_load %arg7[%swap3A_479, %swap3A_480, %swap3A_481] {strides = array<i32>} : memref<5x128x128xf32, #tpu.memory_space<vmem>>, vector<1x1x16xf32>,
        %swap3A_483 = vector.shape_cast %swap3A_482 : vector<1x1x16xf32> to vector<16xf32>
        %swap3A_484 = vector.shape_cast %get3A_444 : vector<16xf32> to vector<1x1x16xf32>
        tpu.vector_store %arg7[%swap3A_479, %swap3A_480, %swap3A_481], %swap3A_484 {add = true, strides = array<i32>} : memref<5x128x128xf32, #tpu.memory_space<vmem>>, vector<1x1x16xf32>,
        %swap3A_485 = arith.constant 4 : i32
        %swap3A_486 = arith.index_cast %swap3A_485 : i32 to index
        %swap3A_487 = arith.index_cast %while3A_432 : i32 to index
        %swap3A_488 = arith.constant 48 : index
        %swap3A_489 = tpu.vector_load %arg7[%swap3A_486, %swap3A_487, %swap3A_488] {strides = array<i32>} : memref<5x128x128xf32, #tpu.memory_space<vmem>>, vector<1x1x16xf32>,
        %swap3A_490 = vector.shape_cast %swap3A_489 : vector<1x1x16xf32> to vector<16xf32>
        %swap3A_491 = vector.shape_cast %get3A_448 : vector<16xf32> to vector<1x1x16xf32>
        tpu.vector_store %arg7[%swap3A_486, %swap3A_487, %swap3A_488], %swap3A_491 {add = true, strides = array<i32>} : memref<5x128x128xf32, #tpu.memory_space<vmem>>, vector<1x1x16xf32>,
        %swap3A_492 = arith.constant 4 : i32
        %swap3A_493 = arith.index_cast %swap3A_492 : i32 to index
        %swap3A_494 = arith.index_cast %while3A_432 : i32 to index
        %swap3A_495 = arith.constant 64 : index
        %swap3A_496 = tpu.vector_load %arg7[%swap3A_493, %swap3A_494, %swap3A_495] {strides = array<i32>} : memref<5x128x128xf32, #tpu.memory_space<vmem>>, vector<1x1x16xf32>,
        %swap3A_497 = vector.shape_cast %swap3A_496 : vector<1x1x16xf32> to vector<16xf32>
        %swap3A_498 = vector.shape_cast %get3A_452 : vector<16xf32> to vector<1x1x16xf32>
        tpu.vector_store %arg7[%swap3A_493, %swap3A_494, %swap3A_495], %swap3A_498 {add = true, strides = array<i32>} : memref<5x128x128xf32, #tpu.memory_space<vmem>>, vector<1x1x16xf32>,
        %swap3A_499 = arith.constant 4 : i32
        %swap3A_500 = arith.index_cast %swap3A_499 : i32 to index
        %swap3A_501 = arith.index_cast %while3A_432 : i32 to index
        %swap3A_502 = arith.constant 80 : index
        %swap3A_503 = tpu.vector_load %arg7[%swap3A_500, %swap3A_501, %swap3A_502] {strides = array<i32>} : memref<5x128x128xf32, #tpu.memory_space<vmem>>, vector<1x1x16xf32>,
        %swap3A_504 = vector.shape_cast %swap3A_503 : vector<1x1x16xf32> to vector<16xf32>
        %swap3A_505 = vector.shape_cast %get3A_456 : vector<16xf32> to vector<1x1x16xf32>
        tpu.vector_store %arg7[%swap3A_500, %swap3A_501, %swap3A_502], %swap3A_505 {add = true, strides = array<i32>} : memref<5x128x128xf32, #tpu.memory_space<vmem>>, vector<1x1x16xf32>,
        %swap3A_506 = arith.constant 4 : i32
        %swap3A_507 = arith.index_cast %swap3A_506 : i32 to index
        %swap3A_508 = arith.index_cast %while3A_432 : i32 to index
        %swap3A_509 = arith.constant 96 : index
        %swap3A_510 = tpu.vector_load %arg7[%swap3A_507, %swap3A_508, %swap3A_509] {strides = array<i32>} : memref<5x128x128xf32, #tpu.memory_space<vmem>>, vector<1x1x16xf32>,
        %swap3A_511 = vector.shape_cast %swap3A_510 : vector<1x1x16xf32> to vector<16xf32>
        %swap3A_512 = vector.shape_cast %get3A_460 : vector<16xf32> to vector<1x1x16xf32>
        tpu.vector_store %arg7[%swap3A_507, %swap3A_508, %swap3A_509], %swap3A_512 {add = true, strides = array<i32>} : memref<5x128x128xf32, #tpu.memory_space<vmem>>, vector<1x1x16xf32>,
        %swap3A_513 = arith.constant 4 : i32
        %swap3A_514 = arith.index_cast %swap3A_513 : i32 to index
        %swap3A_515 = arith.index_cast %while3A_432 : i32 to index
        %swap3A_516 = arith.constant 112 : index
        %swap3A_517 = tpu.vector_load %arg7[%swap3A_514, %swap3A_515, %swap3A_516] {strides = array<i32>} : memref<5x128x128xf32, #tpu.memory_space<vmem>>, vector<1x1x16xf32>,
        %swap3A_518 = vector.shape_cast %swap3A_517 : vector<1x1x16xf32> to vector<16xf32>
        %swap3A_519 = vector.shape_cast %get3A_464 : vector<16xf32> to vector<1x1x16xf32>
        tpu.vector_store %arg7[%swap3A_514, %swap3A_515, %swap3A_516], %swap3A_519 {add = true, strides = array<i32>} : memref<5x128x128xf32, #tpu.memory_space<vmem>>, vector<1x1x16xf32>,
      }
      %mul3A_416 = arith.constant 128 : i32
      %mul3A_417 = arith.muli %add3A_367, %mul3A_416 : i32
      %add3A_418 = arith.addi %mul3A_2, %mul3A_417 : i32
      %dma_start3A_419 = arith.constant 4 : i32
      %dma_start3A_420 = arith.constant 0 : i32
      %dma_start3A_421 = arith.constant 0 : i32
      %dma_start3A_422 = tpu.memref_slice %arg7[%dma_start3A_419, %dma_start3A_420, %dma_start3A_421] : memref<5x128x128xf32, #tpu.memory_space<vmem>> -> memref<1x128x128xf32, #tpu.memory_space<vmem>>
      %dma_start3A_423 = tpu.memref_squeeze %dma_start3A_422 : memref<1x128x128xf32, #tpu.memory_space<vmem>> -> memref<128x128xf32, #tpu.memory_space<vmem>>
      %dma_start3A_424 = arith.constant 0 : i32
      %dma_start3A_425 = tpu.memref_slice %arg5[%add3A_418, %dma_start3A_424] : memref<204800x128xf32, #tpu.memory_space<hbm>> -> memref<128x128xf32, #tpu.memory_space<hbm>>
      %dma_start3A_426 = arith.constant 0 : i32
      %dma_start3A_427 = tpu.memref_slice %arg5[%add3A_418, %dma_start3A_426] : memref<204800x128xf32, #tpu.memory_space<hbm>> -> memref<128x128xf32, #tpu.memory_space<hbm>>
      %dma_start3A_428 = arith.constant 0 : i32
      %dma_start3A_429 = arith.constant 0 : i32
      %dma_start3A_430 = tpu.memref_slice %arg7[%dma_start3A_419, %dma_start3A_428, %dma_start3A_429] : memref<5x128x128xf32, #tpu.memory_space<vmem>> -> memref<1x128x128xf32, #tpu.memory_space<vmem>>
      %dma_start3A_431 = tpu.memref_squeeze %dma_start3A_430 : memref<1x128x128xf32, #tpu.memory_space<vmem>> -> memref<128x128xf32, #tpu.memory_space<vmem>>
      tpu.enqueue_dma source(%dma_start3A_431 : memref<128x128xf32, #tpu.memory_space<vmem>>) target(%dma_start3A_427 : memref<128x128xf32, #tpu.memory_space<hbm>>) target_semaphore(%arg19 : memref<!tpu.dma_semaphore, #tpu.memory_space<semaphore_mem>>)
    }
    %scan3A_40 = arith.constant 10 : i32
    %add3A_41 = arith.constant 6144 : i32
    %add3A_42 = arith.addi %mul3A_2, %add3A_41 : i32
    %dma_wait3A = arith.constant 3 : i32
    %dma_wait3A_43 = arith.constant 0 : i32
    %dma_wait3A_44 = arith.constant 0 : i32
    %dma_wait3A_45 = tpu.memref_slice %arg7[%dma_wait3A, %dma_wait3A_43, %dma_wait3A_44] : memref<5x128x128xf32, #tpu.memory_space<vmem>> -> memref<1x128x128xf32, #tpu.memory_space<vmem>>
    %dma_wait3A_46 = tpu.memref_squeeze %dma_wait3A_45 : memref<1x128x128xf32, #tpu.memory_space<vmem>> -> memref<128x128xf32, #tpu.memory_space<vmem>>
    %dma_wait3A_47 = arith.constant 0 : i32
    %dma_wait3A_48 = tpu.memref_slice %arg5[%add3A_42, %dma_wait3A_47] : memref<204800x128xf32, #tpu.memory_space<hbm>> -> memref<128x128xf32, #tpu.memory_space<hbm>>
    %dma_wait3A_49 = arith.constant 0 : i32
    %dma_wait3A_50 = tpu.memref_slice %arg5[%add3A_42, %dma_wait3A_49] : memref<204800x128xf32, #tpu.memory_space<hbm>> -> memref<128x128xf32, #tpu.memory_space<hbm>>
    %dma_wait3A_51 = arith.constant 0 : i32
    %dma_wait3A_52 = arith.constant 0 : i32
    %dma_wait3A_53 = tpu.memref_slice %arg7[%dma_wait3A, %dma_wait3A_51, %dma_wait3A_52] : memref<5x128x128xf32, #tpu.memory_space<vmem>> -> memref<1x128x128xf32, #tpu.memory_space<vmem>>
    %dma_wait3A_54 = tpu.memref_squeeze %dma_wait3A_53 : memref<1x128x128xf32, #tpu.memory_space<vmem>> -> memref<128x128xf32, #tpu.memory_space<vmem>>
    tpu.wait_dma2 semaphore(%arg18 : memref<!tpu.dma_semaphore, #tpu.memory_space<semaphore_mem>>) src(%dma_wait3A_54 : memref<128x128xf32, #tpu.memory_space<vmem>>) dst(%dma_wait3A_50 : memref<128x128xf32, #tpu.memory_space<hbm>>)
    %add3A_55 = arith.constant 6272 : i32
    %add3A_56 = arith.addi %mul3A_2, %add3A_55 : i32
    %dma_wait3A_57 = arith.constant 4 : i32
    %dma_wait3A_58 = arith.constant 0 : i32
    %dma_wait3A_59 = arith.constant 0 : i32
    %dma_wait3A_60 = tpu.memref_slice %arg7[%dma_wait3A_57, %dma_wait3A_58, %dma_wait3A_59] : memref<5x128x128xf32, #tpu.memory_space<vmem>> -> memref<1x128x128xf32, #tpu.memory_space<vmem>>
    %dma_wait3A_61 = tpu.memref_squeeze %dma_wait3A_60 : memref<1x128x128xf32, #tpu.memory_space<vmem>> -> memref<128x128xf32, #tpu.memory_space<vmem>>
    %dma_wait3A_62 = arith.constant 0 : i32
    %dma_wait3A_63 = tpu.memref_slice %arg5[%add3A_56, %dma_wait3A_62] : memref<204800x128xf32, #tpu.memory_space<hbm>> -> memref<128x128xf32, #tpu.memory_space<hbm>>
    %dma_wait3A_64 = arith.constant 0 : i32
    %dma_wait3A_65 = tpu.memref_slice %arg5[%add3A_56, %dma_wait3A_64] : memref<204800x128xf32, #tpu.memory_space<hbm>> -> memref<128x128xf32, #tpu.memory_space<hbm>>
    %dma_wait3A_66 = arith.constant 0 : i32
    %dma_wait3A_67 = arith.constant 0 : i32
    %dma_wait3A_68 = tpu.memref_slice %arg7[%dma_wait3A_57, %dma_wait3A_66, %dma_wait3A_67] : memref<5x128x128xf32, #tpu.memory_space<vmem>> -> memref<1x128x128xf32, #tpu.memory_space<vmem>>
    %dma_wait3A_69 = tpu.memref_squeeze %dma_wait3A_68 : memref<1x128x128xf32, #tpu.memory_space<vmem>> -> memref<128x128xf32, #tpu.memory_space<vmem>>
    tpu.wait_dma2 semaphore(%arg19 : memref<!tpu.dma_semaphore, #tpu.memory_space<semaphore_mem>>) src(%dma_wait3A_69 : memref<128x128xf32, #tpu.memory_space<vmem>>) dst(%dma_wait3A_65 : memref<128x128xf32, #tpu.memory_space<hbm>>)
    return
  }
}

module attributes {stable_mosaic.version = 14 : i64} {
  func.func @body(%arg0: memref<200x128xf32, #tpu.memory_space<vmem>>) attributes {dimension_semantics = [], scalar_prefetch = 0 : i64, scratch_operands = 0 : i64, tpu.core_type = #tpu.core_type<tc>} {
    %iota3A = tpu.iota {dimensions = array<i32: 0>} : vector<200x128xi32>
    %convert_element_type3A = arith.sitofp %iota3A : vector<200x128xi32> to vector<200x128xf32>
    %iota3A_0 = tpu.iota {dimensions = array<i32: 1>} : vector<200x128xi32>
    %jit3A = arith.constant 2 : i32
    %div3A = vector.broadcast %jit3A : i32 to vector<200x128xi32>
    %div3A_1 = arith.divsi %iota3A_0, %div3A : vector<200x128xi32>
    %sign3A = arith.constant 0 : i32
    %sign3A_2 = vector.broadcast %sign3A : i32 to vector<200x128xi32>
    %sign3A_3 = arith.cmpi sgt, %iota3A_0, %sign3A_2 : vector<200x128xi32>
    %sign3A_4 = arith.extui %sign3A_3 : vector<200x128xi1> to vector<200x128xi32>
    %sign3A_5 = arith.constant 0 : i32
    %sign3A_6 = vector.broadcast %sign3A_5 : i32 to vector<200x128xi32>
    %sign3A_7 = arith.cmpi slt, %iota3A_0, %sign3A_6 : vector<200x128xi32>
    %sign3A_8 = arith.extui %sign3A_7 : vector<200x128xi1> to vector<200x128xi32>
    %sign3A_9 = arith.subi %sign3A_4, %sign3A_8 : vector<200x128xi32>
    %sign3A_10 = arith.constant 0 : i32
    %sign3A_11 = arith.cmpi sgt, %jit3A, %sign3A_10 : i32
    %sign3A_12 = arith.extui %sign3A_11 : i1 to i32
    %sign3A_13 = arith.constant 0 : i32
    %sign3A_14 = arith.cmpi slt, %jit3A, %sign3A_13 : i32
    %sign3A_15 = arith.extui %sign3A_14 : i1 to i32
    %sign3A_16 = arith.subi %sign3A_12, %sign3A_15 : i32
    %ne3A = vector.broadcast %sign3A_16 : i32 to vector<200x128xi32>
    %ne3A_17 = arith.cmpi ne, %sign3A_9, %ne3A : vector<200x128xi32>
    %rem3A = vector.broadcast %jit3A : i32 to vector<200x128xi32>
    %rem3A_18 = arith.remsi %iota3A_0, %rem3A : vector<200x128xi32>
    %ne3A_19 = arith.constant 0 : i32
    %ne3A_20 = vector.broadcast %ne3A_19 : i32 to vector<200x128xi32>
    %ne3A_21 = arith.cmpi ne, %rem3A_18, %ne3A_20 : vector<200x128xi32>
    %and3A = arith.andi %ne3A_17, %ne3A_21 : vector<200x128xi1>
    %sub3A = arith.constant 1 : i32
    %sub3A_22 = vector.broadcast %sub3A : i32 to vector<200x128xi32>
    %sub3A_23 = arith.subi %div3A_1, %sub3A_22 : vector<200x128xi32>
    %select_n3A = arith.select %and3A, %sub3A_23, %div3A_1 : vector<200x128xi1>, vector<200x128xi32>
    %mul3A = arith.constant 2 : i32
    %mul3A_24 = vector.broadcast %mul3A : i32 to vector<200x128xi32>
    %mul3A_25 = arith.muli %select_n3A, %mul3A_24 : vector<200x128xi32>
    %convert_element_type3A_26 = arith.sitofp %mul3A_25 : vector<200x128xi32> to vector<200x128xf32>
    %log3A = arith.constant 1.000000e+04 : f32
    %log3A_27 = math.log %log3A : f32
    %neg3A = arith.constant 0.000000e+00 : f32
    %neg3A_28 = arith.subf %neg3A, %log3A_27 : f32
    %div3A_29 = arith.constant 1.280000e+02 : f32
    %div3A_30 = arith.divf %neg3A_28, %div3A_29 : f32
    %mul3A_31 = vector.broadcast %div3A_30 : f32 to vector<200x128xf32>
    %mul3A_32 = arith.mulf %convert_element_type3A_26, %mul3A_31 : vector<200x128xf32>
    %exp3A = math.exp %mul3A_32 : vector<200x128xf32>
    %mul3A_33 = arith.mulf %convert_element_type3A, %exp3A : vector<200x128xf32>
    %jit3A_34 = arith.constant 2 : i32
    %eq3A = arith.constant 0 : i32
    %eq3A_35 = arith.cmpi eq, %jit3A_34, %eq3A : i32
    %jit3A_36 = arith.constant 1 : i32
    %select_n3A_37 = arith.select %eq3A_35, %jit3A_36, %jit3A_34 : i32
    %rem3A_38 = vector.broadcast %select_n3A_37 : i32 to vector<200x128xi32>
    %rem3A_39 = arith.remsi %iota3A_0, %rem3A_38 : vector<200x128xi32>
    %ne3A_40 = arith.constant 0 : i32
    %ne3A_41 = vector.broadcast %ne3A_40 : i32 to vector<200x128xi32>
    %ne3A_42 = arith.cmpi ne, %rem3A_39, %ne3A_41 : vector<200x128xi32>
    %lt3A = arith.constant 0 : i32
    %lt3A_43 = vector.broadcast %lt3A : i32 to vector<200x128xi32>
    %lt3A_44 = arith.cmpi slt, %rem3A_39, %lt3A_43 : vector<200x128xi32>
    %lt3A_45 = arith.constant 0 : i32
    %lt3A_46 = arith.cmpi slt, %select_n3A_37, %lt3A_45 : i32
    %ne3A_47 = vector.broadcast %lt3A_46 : i1 to vector<200x128xi1>
    %ne3A_48 = vector.broadcast %ne3A_47 : vector<200x128xi1> to vector<200x128xi1>
    %ne3A_49 = arith.xori %lt3A_44, %ne3A_48 : vector<200x128xi1>
    %and3A_50 = arith.andi %ne3A_49, %ne3A_42 : vector<200x128xi1>
    %add3A = vector.broadcast %select_n3A_37 : i32 to vector<200x128xi32>
    %add3A_51 = arith.addi %rem3A_39, %add3A : vector<200x128xi32>
    %select_n3A_52 = arith.select %and3A_50, %add3A_51, %rem3A_39 : vector<200x128xi1>, vector<200x128xi32>
    %eq3A_53 = arith.constant 0 : i32
    %eq3A_54 = vector.broadcast %eq3A_53 : i32 to vector<200x128xi32>
    %eq3A_55 = arith.cmpi eq, %select_n3A_52, %eq3A_54 : vector<200x128xi32>
    %sin3A = math.sin %mul3A_33 : vector<200x128xf32>
    %cos3A = math.cos %mul3A_33 : vector<200x128xf32>
    %select_n3A_56 = arith.select %eq3A_55, %sin3A, %cos3A : vector<200x128xi1>, vector<200x128xf32>
    %swap3A = arith.constant 0 : index
    %swap3A_57 = arith.constant 0 : index
    %swap3A_58 = vector.load %arg0[%swap3A, %swap3A_57] : memref<200x128xf32, #tpu.memory_space<vmem>>, vector<200x128xf32>
    tpu.vector_store %arg0[%swap3A, %swap3A_57], %select_n3A_56 {strides = array<i32>} : memref<200x128xf32, #tpu.memory_space<vmem>>, vector<200x128xf32>,
    return
  }
}

</mosaic_0001>

<sc_bundles>
// kernel: kernel.4.cloned.1.call-start
scs
__scs_entry_jumppad:
0x0: {  	(pc) =	sbr.rel $0x88, $3  }
0x1: {  	(tag) =	ssettag $0x0;
	lr =	simm.s32 $0x1  }
0x2: {  	[smem:$0x3F9F] =	sst lr;
	_ =	strace $0xD0000000  }
0x3: {  	_ = 	snop  }
0x4: {  	_ = 	snop  }
0x5: {  	_ = 	snop  }
0x6: {  	_ = 	snop  }
0x7: {  	_ = 	snop  }
__scs_overlays_trampoline_lowered:
0x8: {  	[smem:$0x3FAE] =	sst s0  }
0x9: {  	[smem:$0x3FAF] =	sst s1  }
0xa: {  	[smem:$0x3FB0] =	sst s2  }
0xb: {  	[smem:$0x3FB1] =	sst s3  }
0xc: {  	[smem:$0x3FB2] =	sst s4  }
0xd: {  	[smem:$0x3FB3] =	sst s5  }
0xe: {  	[smem:$0x3FB4] =	sst s6  }
0xf: {  	[smem:$0x3FB5] =	sst s7  }
0x10: {  	[smem:$0x3FB6] =	sst s8  }
0x11: {  	[smem:$0x3FB7] =	sst s9;
	s0 =	simm.s32 @!p0 $0x0  }
0x12: {  	s1 =	sld [smem:$0x3F9D];
	s0 =	simm.s32 @p0 $0x1  }
0x13: {  	[smem:$0x3FB8] =	sst s0;
	s0 =	simm.s32 @!p1 $0x0  }
0x14: {  	s2 =	sld [smem:$0x3F9C];
	s0 =	simm.s32 @p1 $0x1  }
0x15: {  	[smem:$0x3FB9] =	sst s0;
	s0 =	simm.s32 @!p2 $0x0  }
0x16: {  	s3 =	sld [smem:$0x3FDB];
	s0 =	simm.s32 @p2 $0x1  }
0x17: {  	s4 =	simm.s32 $0x1BF5;
	[smem:$0x3FBB] =	sst s0  }
0x18: {  	s0 =	sld [smem:$0x3F9E];
	_ =	swait.ge [sflag:s4], $0x0  }
0x19: {  	s7 =	sld [smem:$0x3F9F]  }
0x1a: {  	s8 =	sadd.s32 $0xFFFFE003, lr  }
0x1b: {  	s9 =	sadd.s32 $0xFFFFFEF7, lr;
	s5 =	simm.s32 $0xFFFFFFFF;
	p2 =	slt.u32 s8, $0xFFFFF086  }
0x1c: {  	p1 =	slt.u32 s9, $0xF7A;
	s5 =	simm.s32 @!p2 $0x0  }
0x1d: {  	s5 =	simm.s32 @p1 $0x1;
	p0 =	seq.s32 s7, s2  }
0x1e: {  	s7 =	smul.u32 @!p0 $0xF7A, s2;
	p2 =	seq.s32 @!p0 s5, $0x0  }
0x1f: {  	s9 =	smul.u32 $0xF7A, s1;
	s8 =	simm.s32 @!p0 $0x1BF5;
	p2 =	por !p2, p0  }
0x20: {  	[sflag:s8] =	ssyncset.s32 @!p0 $0xFFFFF086;
	s6 =	sadd.s32 @!p0 s3, s7;
	s7 =	simm.s32 @!p0 $0x108  }
0x21: {  	s3 =	sadd.s32 s3, s9;
	s6 =	sadd.s32 @!p0 $0x88, s6;
	s7 =	simm.s32 @p2 $0x1082  }
0x22: {  	[simem:s7], [sflag:s8] =	dma.local @!p0 [hbm:s6], $0xF7A  }
0x23: {  	s9 =	sor.u32 $0xD0000000, s2;
	s6 =	simm.s32 $0x108;
	_ =	swait.ge @!p0 [sflag:s8], $0x0  }
0x24: {  	s3 =	sadd.s32 $0x88, s3;
	s6 =	simm.s32 @!p1 $0x1082;
	[sflag:s4] =	ssyncset.s32 $0xFFFFF086  }
0x25: {  	[simem:s6], [sflag:s4] =	dma.local [hbm:s3], $0xF7A  }
0x26: {  	[smem:$0x3F9F] =	sst s1;
	(tag) =	ssettag s2;
	_ =	strace s9  }
0x27: {  	s1 =	sld [smem:$0x3FAF]  }
0x28: {  	s2 =	sld [smem:$0x3FB0]  }
0x29: {  	s4 =	sld [smem:$0x3FB2]  }
0x2a: {  	p0 =	seq.s32 s5, $0x0;
	s5 =	sld [smem:$0x3FB3]  }
0x2b: {  	s6 =	sld [smem:$0x3FB4]  }
0x2c: {  	s7 =	sld [smem:$0x3FB5]  }
0x2d: {  	s3 =	simm.s32 $0x108;
	s8 =	sld [smem:$0x3FB6]  }
0x2e: {  	s3 =	simm.s32 @!p0 $0x1082;
	s9 =	sld [smem:$0x3FB7]  }
0x2f: {  	lr =	sadd.s32 s0, s3;
	s0 =	sld [smem:$0x3FAE]  }
0x30: {  	s3 =	sld [smem:$0x3FB1]  }
0x31: {  	[smem:$0x3FBA] =	sst s10  }
0x32: {  	s10 =	sld [smem:$0x3FB8];
	_ =	sdelay $0x3  }
0x33: {  	p0 =	seq.s32 s10, $0x1;
	s10 =	sld [smem:$0x3FBA];
	_ =	sdelay $0x3  }
0x34: {  	[smem:$0x3FBA] =	sst s10  }
0x35: {  	s10 =	sld [smem:$0x3FB9];
	_ =	sdelay $0x3  }
0x36: {  	p1 =	seq.s32 s10, $0x1;
	s10 =	sld [smem:$0x3FBA];
	_ =	sdelay $0x3  }
0x37: {  	[smem:$0x3FBA] =	sst s10  }
0x38: {  	s10 =	sld [smem:$0x3FBB]  }
0x39: {  	_ = 	snop;
	(pc) =	sbr.ind lr, $3  }
0x3a: {  	_ = 	snop  }
0x3b: {  	_ = 	snop  }
0x3c: {  	p2 =	seq.s32 s10, $0x1;
	s10 =	sld [smem:$0x3FBA]  }
0x3d: {  	_ =	shalt  }
0x3e: {  	_ =	shalt  }
0x3f: {  	_ =	shalt  }
0x40: {  	_ =	shalt  }
0x41: {  	_ =	shalt  }
0x42: {  	_ =	shalt  }
0x43: {  	_ =	shalt  }
0x44: {  	_ =	shalt  }
0x45: {  	_ =	shalt  }
0x46: {  	_ =	shalt  }
0x47: {  	_ =	shalt  }
0x48: {  	_ =	shalt  }
0x49: {  	_ =	shalt  }
0x4a: {  	_ =	shalt  }
0x4b: {  	_ =	shalt  }
0x4c: {  	_ =	shalt  }
0x4d: {  	_ =	shalt  }
0x4e: {  	_ =	shalt  }
0x4f: {  	_ =	shalt  }
0x50: {  	_ =	shalt  }
0x51: {  	_ =	shalt  }
0x52: {  	_ =	shalt  }
0x53: {  	_ =	shalt  }
0x54: {  	_ =	shalt  }
0x55: {  	_ =	shalt  }
0x56: {  	_ =	shalt  }
0x57: {  	_ =	shalt  }
0x58: {  	_ =	shalt  }
0x59: {  	_ =	shalt  }
0x5a: {  	_ =	shalt  }
0x5b: {  	_ =	shalt  }
0x5c: {  	_ =	shalt  }
0x5d: {  	_ =	shalt  }
0x5e: {  	_ =	shalt  }
0x5f: {  	_ =	shalt  }
0x60: {  	_ =	shalt  }
0x61: {  	_ =	shalt  }
0x62: {  	_ =	shalt  }
0x63: {  	_ =	shalt  }
0x64: {  	_ =	shalt  }
0x65: {  	_ =	shalt  }
0x66: {  	_ =	shalt  }
0x67: {  	_ =	shalt  }
0x68: {  	_ =	shalt  }
0x69: {  	_ =	shalt  }
0x6a: {  	_ =	shalt  }
0x6b: {  	_ =	shalt  }
0x6c: {  	_ =	shalt  }
0x6d: {  	_ =	shalt  }
0x6e: {  	_ =	shalt  }
0x6f: {  	_ =	shalt  }
0x70: {  	_ =	shalt  }
0x71: {  	_ =	shalt  }
0x72: {  	_ =	shalt  }
0x73: {  	_ =	shalt  }
0x74: {  	_ =	shalt  }
0x75: {  	_ =	shalt  }
0x76: {  	_ =	shalt  }
0x77: {  	_ =	shalt  }
0x78: {  	_ =	shalt  }
0x79: {  	_ =	shalt  }
0x7a: {  	_ =	shalt  }
0x7b: {  	_ =	shalt  }
0x7c: {  	_ =	shalt  }
0x7d: {  	_ =	shalt  }
0x7e: {  	_ =	shalt  }
0x7f: {  	_ =	shalt  }
0x80: {  	_ =	shalt  }
0x81: {  	_ =	shalt  }
0x82: {  	_ =	shalt  }
0x83: {  	_ =	shalt  }
0x84: {  	_ =	shalt  }
0x85: {  	_ =	shalt  }
0x86: {  	_ =	shalt  }
0x87: {  	_ =	shalt  }
.Lfunc_end0:
.L_simem_size_0:
called_computation_lowered:
.L_overlay_start_0:
0x88: {  	s2 =	sld [smem:$0x3FD9]  }
0x89: {  	s3 =	sld [smem:$0x3FFE];
	_ =	sdelay $0x1  }
0x8a: {  	s1 =	srdreg.scid  }
0x8b: {  	s0 =	sand.u32 $0x1, s1  }
0x8c: {  	s17 =	sshll.u32 s0, $0xA;
	s2 =	sadd.s32 s3, s2  }
0x8d: {  	s2 =	sadd.s32 s2, s17  }
0x8e: {  	[smem:$0x3FC6] =	sst s2  }
0x8f: {  	_ = 	snop  }
0x90: {  	s2 =	sld [smem:$0x3FC8]  }
0x91: {  	s18 =	sld [smem:$0x3FD0];
	(tm) =	ssettm $0x1  }
0x92: {  	s4 =	sld [smem:$0x3FFB];
	_ =	sdelay $0x3  }
0x93: {  	_ =	strace s4  }
0x94: {  	s4 =	sld [smem:$0x3FFC];
	_ =	sdelay $0x3  }
0x95: {  	_ =	strace s4  }
0x96: {  	s4 =	sld [smem:$0x3FFD];
	_ =	sdelay $0x3  }
0x97: {  	_ =	strace s4  }
0x98: {  	_ =	strace $0x8FFFFFFF  }
0x99: {  	s19 =	sld [smem:$0x3FDB];
	_ =	sdelay $0x1  }
0x9a: {  	s5 =	simm.s32 $_scs_section_size  }
0x9b: {  	s6 =	simm.s32 $_size__tile_overlayer_lowered;
	s7 =	simm.s32 $_tile_overlayer_lowered  }
0x9c: {  	s22 =	simm.s32 $0x1BFF;
	s21 =	sshll.u32 s7, $0x1;
	s4 =	sadd.s32 s5, s19  }
0x9d: {  	s8 =	simm.s32 $0x0;
	s20 =	sshll.u32 s6, $0x1;
	s6 =	sadd.s32 s21, s4  }
0x9e: {  	[timem:s8], [sflag:s22] =	dma.local [hbm:s6], s20  }
0x9f: {  	_ =	swait.ge [sflag:s22], s20  }
0xa0: {  	s5 =	ssub.s32 $0x0, s20;
	[sflag:s22] =	ssyncset.done $0x0  }
0xa1: {  	[sflag:s22] =	ssyncadd.s32 s5;
	_ =	sdelay $0x1  }
0xa2: {  	s23 =	simm.s32 $0x1B8B  }
0xa3: {  	_ =	swait.ge [sflag:s23], $0x1  }
0xa4: {  	[sflag:s23] =	ssyncset.done $0x0  }
0xa5: {  	s25 =	simm.s32 $0x1B8E;
	s24 =	sld [smem:$0x3FFE];
	[sflag:s23] =	ssyncadd.s32 $0xFFFFFFFF  }
0xa6: {  	s26 =	simm.s32 $execute0_lowered;
	[smem:$0x3FD2] =	sst s25  }
0xa7: {  	s6 =	sshll.u32 s26, $0x1;
	_ =	strace $0x80000046;
	[dreg:$0x1] =	wrdreg $0xFFFFFFFF  }
0xa8: {  	s28 =	simm.s32 $_size_execute0_lowered;
	s4 =	sadd.s32 s4, s6;
	[dreg:$0x0] =	wrdreg $0x0  }
0xa9: {  	s6 =	sshll.u32 s28, $0x1;
	[dreg:$0x2] =	wrdreg s4  }
0xaa: {  	[dreg:$0x3] =	wrdreg s6  }
0xab: {  	[dreg:$0x4] =	wrdreg $0xC0  }
0xac: {  	_ =	task [dreg:s8], $0x5FFFF  }
0xad: {  	[dreg:$0x1] =	wrdreg $0xFFFFFFFF  }
0xae: {  	[dreg:$0x0] =	wrdreg $0x60  }
0xaf: {  	[dreg:$0x2] =	wrdreg s24  }
0xb0: {  	[dreg:$0x3] =	wrdreg s2  }
0xb1: {  	[dreg:$0x4] =	wrdreg s18  }
0xb2: {  	[dreg:$0x5] =	wrdreg $0x1BD000  }
0xb3: {  	[dreg:$0x6] =	wrdreg $0x9  }
0xb4: {  	_ =	task.clear_ibuf [dreg:s8], $0x7FFFF;
	_ =	strace $0x90000046  }
0xb5: {  	s29 =	simm.s32 $0x9;
	_ =	strace $0x80000048  }
0xb6: {  	_ =	swait.ge [sflag:s29], $0x1  }
0xb7: {  	[sflag:s29] =	ssyncadd.s32 $0xFFFFFFFF  }
0xb8: {  	_ =	strace $0x90000048  }
0xb9: {  	_ =	sfence  }
0xba: {  	s30 =	sld [smem:$0x0];
	_ =	sdelay $0x2  }
0xbb: {  	s31 =	sshll.u32 s1, $0xD;
	s1 =	sshrl.u32 s1, $0x2  }
0xbc: {  	s3 =	sand.u32 $0x4000, s31;
	s1 =	sadd.s32 s1, s30  }
0xbd: {  	s0 =	sor.u32 s3, s0;
	s1 =	sshll.u32 s1, $0x11  }
0xbe: {  	s0 =	sor.u32 s1, s0  }
0xbf: {  	s0 =	sadd.s32 $0x8F2B, s0  }
0xc0: {  	[sflag:s0] =	ssyncadd.remote.s32 $0x1  }
0xc1: {  	_ =	sfence.sel $0xFFFF  }
0xc2: {  	[dreg:$0x0] =	wrdreg $0xFFFFFFFF;
	(pc) =	sbr.abs _section_cstart, $3  }
0xc3: {  	[dreg:$0x1] =	wrdreg $0xFFFFFFFF  }
0xc4: {  	_ =	task.clear_ibuf [dreg:s8], $0x2FFFF;
	_ =	strace $0x9FFFFFFF  }
0xc5: {  	(tm) =	ssettm $0x7FFFFFFF  }
tec
execute0_lowered:
.L_overlay_start_1:
0x0: {  	(tag) =	ssettag $0x1  }
0x1: {  	s0 =	rddreg [dreg:$0x0]  }
0x2: {  	s1 =	srdreg.scid;
	s2 =	stileid.u32  }
0x3: {  	s1 =	sand.u32 $0x1, s1;
	s3 =	sshll.u32 s2, $0x1;
	s7 =	smul.u32 $0x3200, s2  }
0x4: {  	s28 =	simm.s32 $0x0;
	s3 =	sor.u32 s1, s3;
	s4 =	smul.u32 $0x1900, s1  }
0x5: {  	[smem:$0x7FF] =	sst s28;
	s8 =	smul.u32 $0x1900, s3  }
0x6: {  	s30 =	rddreg [dreg:$0x3];
	_ =	strace $0x80000047;
	s29 =	ssub.s32 $0x2, s1  }
0x7: {  	s6 =	sshrl.u32 s29, $0x1;
	s9 =	sadd.s32 s7, s4;
	[dreg:$0x5] =	wrdreg s8  }
0x8: {  	s31 =	ssub.s32 s29, s6;
	s6 =	sor.u32 $0x80, s8;
	[dreg:$0x9] =	wrdreg s9  }
0x9: {  	s10 =	sadd.s32 $0x100, s8;
	[dreg:$0x8] =	wrdreg s6  }
0xa: {  	s11 =	ssub.s32 $0xC8, s9;
	[dreg:$0xa] =	wrdreg s10  }
0xb: {  	s4 =	ssub.s32 $0x48, s9;
	[dreg:$0xb] =	wrdreg s11  }
0xc: {  	s12 =	smul.u32 $0x640000, s2;
	s13 =	sor.u32 $0x80, s9;
	[dreg:$0xc] =	wrdreg s4  }
0xd: {  	s1 =	smul.u32 $0x320000, s1;
	s14 =	ssub.s32 $0xFFFFFFC8, s9;
	[dreg:$0xd] =	wrdreg s13  }
0xe: {  	s15 =	sadd.s32 $0x100, s9;
	[dreg:$0xe] =	wrdreg s14  }
0xf: {  	s1 =	sadd.s32 s1, s12;
	s16 =	ssub.s32 $0xFFFFFF48, s9;
	[dreg:$0xf] =	wrdreg s15  }
0x10: {  	s5 =	sshrl.u32 s8, $0x3;
	s17 =	sadd.s32 $0x180, s9;
	[dreg:$0x10] =	wrdreg s16  }
0x11: {  	s18 =	ssub.s32 $0xFFFFFEC8, s9;
	s19 =	sadd.s32 $0x200, s9;
	[dreg:$0x11] =	wrdreg s17  }
0x12: {  	s20 =	sor.u32 $0x10100, s1;
	s21 =	sshrl.u32 s1, $0x2;
	[dreg:$0x12] =	wrdreg s18  }
0x13: {  	s22 =	sadd.s32 $0x20100, s1;
	s29 =	sxor.u32 $0xFFFFFFC8, s9;
	[dreg:$0x13] =	wrdreg s19  }
0x14: {  	s5 =	sadd.s32 s5, s0;
	s0 =	sadd.s32 $0x600, s0;
	[dreg:$0x1a] =	wrdreg s29  }
0x15: {  	s24 =	sadd.s32 $0x30100, s1;
	s3 =	sadd.s32 $0x15900, s21;
	[dreg:$0x6] =	wrdreg s0  }
0x16: {  	s1 =	sadd.s32 $0x40100, s1;
	s5 =	sadd.s32 $0x1400, s5;
	[dreg:$0x15] =	wrdreg s3  }
0x17: {  	s1 =	sshrl.u32 s1, $0x2;
	s0 =	smax.u32 s31, $0x1;
	[dreg:$0x7] =	wrdreg s5  }
0x18: {  	s26 =	sadd.s32 $0x15900, s1;
	s31 =	sxor.u32 $0xFFFFFF48, s9;
	[dreg:$0x14] =	wrdreg s0  }
.Ltmp0:
0x19: {  	s0 =	sshrl.u32 s20, $0x2;
	[dreg:$0x19] =	wrdreg s26;
	(pc) =	sbr.rel .LBB2_1-.Ltmp0, $4  }
0x1a: {  	s23 =	sshrl.u32 s22, $0x2;
	[dreg:$0x1b] =	wrdreg s31;
	s0 =	sadd.s32 $0x15900, s0  }
0x1b: {  	s25 =	sshrl.u32 s24, $0x2;
	[dreg:$0x16] =	wrdreg s0;
	s0 =	sadd.s32 $0x15900, s23  }
0x1c: {  	[dreg:$0x17] =	wrdreg s0;
	s0 =	sadd.s32 $0x15900, s25  }
0x1d: {  	p0 =	sne.s32 s2, $0x0;
	s2 =	simm.s32 $0x0;
	[dreg:$0x18] =	wrdreg s0  }
.LBB2_33:
0x1e: {  	s0 =	simm.s32 $0x9  }
0x1f: {  	_ =	swait.ge [sflag:s0], $0x4000  }
0x20: {  	[sflag:s0] =	ssyncset.done $0x0  }
0x21: {  	s1 =	simm.s32 $0xA;
	[sflag:s0] =	ssyncadd.s32 $0xFFFFC000  }
0x22: {  	_ =	swait.ge [sflag:s1], $0x4000  }
0x23: {  	s2 =	rddreg [dreg:$0x1c]  }
0x24: {  	s31 =	rddreg [dreg:$0x14];
	s2 =	sadd.s32 $0x1, s2  }
0x25: {  	p1 =	sne.s32 s2, s31  }
.Ltmp1:
0x26: {  	_ = 	snop;
	(pc) =	sbr.rel @!p1 .LBB2_34-.Ltmp1, $3  }
0x27: {  	_ =	sdelay $0x1  }
0x28: {  	[sflag:s1] =	ssyncset.done $0x0  }
0x29: {  	[sflag:s1] =	ssyncadd.s32 $0xFFFFC000  }
.LBB2_1:
0x2a: {  	[dreg:$0x1c] =	wrdreg s2  }
0x2b: {  	s0 =	sshrl.u32 @!p0 s30, $0x3;
	s1 =	simm.s32 @!p0 $0x1C0B;
	s2 =	rddreg [dreg:$0x1]  }
0x2c: {  	[spmem:s0], [sflag:s1] =	dma.local @!p0 [hbm:s2], $0x2000  }
0x2d: {  	s0 =	simm.s32 @!p0 $0xB  }
0x2e: {  	_ =	swait.ge @!p0 [sflag:s0], $0x2000  }
0x2f: {  	s22 =	simm.s32 $0x15900;
	[sflag:s0] =	ssyncset.done @!p0 $0x0  }
0x30: {  	s23 =	simm.s32 $0xB;
	s21 =	rddreg [dreg:$0x6];
	[sflag:s0] =	ssyncadd.s32 @!p0 $0xFFFFE000  }
0x31: {  	[tilespmem:s22], [sflag:$0xB] =	stream.linear.gather [hbm4b:s21+s28], $0x6400, $0x38;
	[tilespmem:$0x1CD00] =	vst v63  }
0x32: {  	_ =	swait.ge [sflag:s23], $0x6400  }
0x33: {  	[sflag:s23] =	ssyncset.done $0x0  }
0x34: {  	s24 =	rddreg [dreg:$0x7];
	[sflag:s23] =	ssyncadd.s32 $0xFFFF9C00  }
0x35: {  	[tilespmem:s28], [sflag:$0xB] =	stream.linear.gather [hbm4b:s24+s28], $0x1900, $0x38;
	[tilespmem:$0x1CD00] =	vst v63  }
0x36: {  	_ =	swait.ge [sflag:s23], $0x1900  }
0x37: {  	[sflag:s23] =	ssyncset.done $0x0  }
0x38: {  	[sflag:s23] =	ssyncadd.s32 $0xFFFFE700  }
0x39: {  	s25 =	simm.s32 $0x80;
	s26 =	simm.s32 $0x1900;
	[bflag:$0x0] =	sbarrier.arrive $0xFFFF  }
0x3a: {  	[tilespmem:s26], [sflag:$0x1] =	stream.indirect.gather [spmem:s30], $0x80, s28, s25, $0xb8;
	[tilespmem:$0x1CD00] =	vst v63  }
0x3b: {  	s0 =	rddreg [dreg:$0x13]  }
0x3c: {  	s12 =	rddreg [dreg:$0x19]  }
0x3d: {  	s13 =	rddreg [dreg:$0x1b]  }
0x3e: {  	s8 =	rddreg [dreg:$0x11]  }
0x3f: {  	s17 =	rddreg [dreg:$0x18]  }
0x40: {  	s18 =	rddreg [dreg:$0x1a]  }
0x41: {  	s7 =	rddreg [dreg:$0xf]  }
0x42: {  	s23 =	rddreg [dreg:$0x17]  }
0x43: {  	s6 =	rddreg [dreg:$0xc]  }
0x44: {  	s26 =	rddreg [dreg:$0x16]  }
0x45: {  	s16 =	rddreg [dreg:$0xb]  }
0x46: {  	s20 =	rddreg [dreg:$0x9]  }
0x47: {  	s29 =	simm.s32 $0x100;
	s31 =	simm.s32 $0x9900;
	s4 =	rddreg [dreg:$0x15]  }
0x48: {  	s21 =	simm.s32 $0x0;
	s28 =	simm.s32 $0x5900;
	s10 =	rddreg [dreg:$0x10]  }
0x49: {  	s1 =	smov.u32 s0;
	s9 =	smov.u32 s8;
	s19 =	smov.u32 s7  }
0x4a: {  	[tilespmem:s28], [sflag:$0x2] =	stream.indirect.gather [spmem:s30], $0x80, s25, s25, $0xb8;
	[tilespmem:$0x1CD00] =	vst v63  }
.Ltmp2:
0x4b: {  	s15 =	smov.u32 s8;
	s8 =	rddreg [dreg:$0xe];
	(pc) =	sbr.rel .LBB2_2-.Ltmp2, $4  }
0x4c: {  	[tilespmem:s31], [sflag:$0x3] =	stream.indirect.gather [spmem:s30], $0x80, s29, s25, $0xb8;
	[tilespmem:$0x1CD00] =	vst v63  }
0x4d: {  	s24 =	smov.u32 s6;
	s2 =	smov.u32 s16;
	s29 =	rddreg [dreg:$0x12]  }
0x4e: {  	s3 =	smov.u32 s20;
	s31 =	rddreg [dreg:$0xd];
	s5 =	smov.u32 s29  }
0x4f: {  	s25 =	smov.u32 s31;
	s11 =	smov.u32 s29;
	s14 =	smov.u32 s31  }
.LBB2_31:
0x50: {  	[tilespmem:s5+$0x10060] =	vst.add.f32.msk $0xffff, v0  }
.LBB2_32:
0x51: {  	s1 =	sshll.u32 s3, $0x4  }
0x52: {  	s21 =	sadd.s32 $0x1, s21;
	s16 =	sadd.s32 $0xFFFFFD80, s16;
	s20 =	sadd.s32 $0x280, s20  }
0x53: {  	s6 =	sadd.s32 $0xFFFFFD80, s6;
	s14 =	sadd.s32 $0x280, s14;
	s8 =	sadd.s32 $0xFFFFFD80, s8  }
0x54: {  	s7 =	sadd.s32 $0x280, s7;
	s10 =	sadd.s32 $0xFFFFFD80, s10;
	s15 =	sld [smem:$0x7EC]  }
0x55: {  	s11 =	sadd.s32 $0xFFFFFD80, s11;
	s0 =	sadd.s32 $0x280, s0;
	s4 =	sld [smem:$0x7FD]  }
0x56: {  	s2 =	sadd.s32 $0xFFFFFD80, s2;
	s25 =	sadd.s32 $0x280, s25;
	s24 =	sadd.s32 $0xFFFFFD80, s24  }
0x57: {  	s23 =	sadd.s32 $0x14000, s23;
	s19 =	sadd.s32 $0x280, s19;
	s9 =	sld [smem:$0x7E9]  }
0x58: {  	s5 =	rddreg [dreg:$0x1d];
	s1 =	sadd.s32 s26, s1;
	p1 =	sne.s32 s21, $0xA  }
0x59: {  	[hbm4b:s1+s28] =	stream.linear.scatter [tilespmem:s29], [sflag:$0xA], $0x4000, $0x38;
	[tilespmem:$0x1CD00] =	vst v63  }
.Ltmp3:
0x5a: {  	s18 =	sadd.s32 $0xFFFFFD80, s18;
	s26 =	sld [smem:$0x7F9];
	(pc) =	sbr.rel @!p1 .LBB2_33-.Ltmp3, $4  }
0x5b: {  	s17 =	sadd.s32 $0x14000, s17;
	s13 =	sadd.s32 $0xFFFFFD80, s13;
	s29 =	sld [smem:$0x7FB]  }
0x5c: {  	s12 =	sadd.s32 $0x14000, s12;
	s31 =	rddreg [dreg:$0x1e];
	s5 =	sadd.s32 $0xFFFFFD80, s5  }
0x5d: {  	s1 =	sadd.s32 $0x280, s31;
	s15 =	sadd.s32 $0x280, s15;
	s4 =	sadd.s32 $0x14000, s4  }
0x5e: {  	s9 =	sadd.s32 $0x280, s9;
	s3 =	sadd.s32 $0x280, s26;
	s26 =	sadd.s32 $0x14000, s29  }
.LBB2_2:
0x5f: {  	[dreg:$0x1e] =	wrdreg s1  }
0x60: {  	[dreg:$0x1d] =	wrdreg s5  }
0x61: {  	[smem:$0x7E9] =	sst s9  }
0x62: {  	[smem:$0x7EB] =	sst s11  }
0x63: {  	[smem:$0x7EC] =	sst s15  }
0x64: {  	[dreg:$0x1f] =	wrdreg s12  }
0x65: {  	[smem:$0x7EE] =	sst s13  }
0x66: {  	[smem:$0x7EF] =	sst s19  }
0x67: {  	[smem:$0x7F1] =	sst s17  }
0x68: {  	s29 =	smulhi.u32 $0x51EB851F, s1;
	[smem:$0x7F3] =	sst s18  }
0x69: {  	s31 =	smov.u32 s0;
	s0 =	smulhi.u32 $0x51EB851F, s0;
	[smem:$0x7F5] =	sst s8  }
0x6a: {  	s15 =	smulhi.u32 $0x51EB851F, s15;
	[smem:$0x7F6] =	sst s23;
	s1 =	sshrl.u32 s29, $0x6  }
0x6b: {  	s29 =	smov.u32 s4;
	s4 =	sshrl.u32 s0, $0x6;
	s22 =	smul.u32 $0xC8, s1  }
0x6c: {  	[smem:$0x7F8] =	sst s24;
	s4 =	smul.u32 $0xC8, s4  }
0x6d: {  	s28 =	smov.u32 s3;
	[smem:$0x7FB] =	sst s26;
	s1 =	smul.u32 $0xFFFE7000, s1  }
0x6e: {  	p1 =	seq.s32 s21, $0x0;
	[smem:$0x7F9] =	sst s28;
	s3 =	sadd.s32 s22, s5  }
0x6f: {  	s22 =	smulhi.u32 $0x51EB851F, s9;
	s4 =	sadd.s32 s4, s11;
	s1 =	sshra.s32 s1, $0x2  }
0x70: {  	s3 =	smin.u32 s3, $0x80;
	s4 =	smax.u32 s4, $0x1;
	s1 =	sadd.s32 s1, s12  }
0x71: {  	s9 =	sadd.s32 $0xFFFFFFFF, s3;
	s5 =	sshrl.u32 s22, $0x6;
	[smem:$0x7ED] =	sst s1  }
0x72: {  	s3 =	sshll.u32 s3, $0x7;
	[smem:$0x7EA] =	sst s9;
	s11 =	smul.u32 $0xC8, s5  }
0x73: {  	s22 =	sadd.s32 $0x1900, s3;
	s3 =	smin.u32 s4, $0x80;
	s5 =	smul.u32 $0xFFFE7000, s5  }
0x74: {  	s9 =	sshrl.u32 s15, $0x6;
	s1 =	sshll.u32 s3, $0x9;
	s4 =	sadd.s32 s11, s13  }
0x75: {  	s11 =	smulhi.u32 $0x51EB851F, s19;
	s13 =	smov.u32 s7;
	s5 =	sshra.s32 s5, $0x2  }
0x76: {  	s7 =	smov.u32 s10;
	s3 =	smin.u32 s4, $0x80;
	s5 =	sadd.s32 s5, s17  }
0x77: {  	s4 =	smul.u32 $0xC8, s9;
	s12 =	sadd.s32 $0xFFFFFFFF, s3;
	[smem:$0x7F2] =	sst s5  }
0x78: {  	s19 =	smulhi.u32 $0x51EB851F, s13;
	s9 =	sshrl.u32 s11, $0x6;
	[smem:$0x7F0] =	sst s12  }
0x79: {  	s4 =	sadd.s32 s4, s10;
	s15 =	smul.u32 $0xC8, s9;
	s10 =	smov.u32 s14  }
0x7a: {  	s14 =	smov.u32 s13;
	s13 =	sshrl.u32 s19, $0x6;
	s9 =	smul.u32 $0xFFFE7000, s9  }
0x7b: {  	s19 =	smov.u32 s2;
	s11 =	sadd.s32 s15, s18;
	s15 =	smulhi.u32 $0x51EB851F, s25  }
0x7c: {  	s0 =	smulhi.u32 $0x51EB851F, s10;
	s2 =	smov.u32 s19;
	s9 =	sshra.s32 s9, $0x2  }
0x7d: {  	s5 =	smin.u32 s11, $0x80;
	s11 =	smul.u32 $0xC8, s13;
	s12 =	sshrl.u32 s15, $0x6  }
0x7e: {  	s17 =	sadd.s32 $0xFFFFFFFF, s5;
	s15 =	sshrl.u32 s0, $0x6;
	s18 =	smul.u32 $0xC8, s12  }
0x7f: {  	[smem:$0x7F4] =	sst s17;
	s11 =	sadd.s32 s11, s8;
	s17 =	smulhi.u32 $0x51EB851F, s28  }
0x80: {  	s8 =	smov.u32 s10;
	s10 =	sadd.s32 s9, s23;
	s12 =	smul.u32 $0xFFFE7000, s12  }
0x81: {  	s28 =	simm.s32 $0xD900;
	s11 =	smax.u32 s11, $0x1;
	[smem:$0x7F7] =	sst s10  }
0x82: {  	s11 =	smin.u32 s11, $0x80;
	s13 =	sadd.s32 s18, s24;
	s24 =	smul.u32 $0xC8, s15  }
0x83: {  	s10 =	sshra.s32 s12, $0x2;
	s18 =	sshll.u32 s11, $0x9;
	s23 =	smin.u32 s13, $0x80  }
0x84: {  	s13 =	sshrl.u32 s17, $0x6;
	s17 =	sadd.s32 s10, s26;
	s26 =	simm.s32 $0x1  }
0x85: {  	s0 =	sadd.s32 $0xFFFFFFFF, s23;
	s9 =	sshll.u32 s23, $0x7;
	s15 =	smul.u32 $0xC8, s13  }
0x86: {  	s11 =	sadd.s32 s24, s6;
	s13 =	smul.u32 $0xFFFE7000, s13;
	[smem:$0x7FA] =	sst s0  }
0x87: {  	s23 =	sadd.s32 $0x1900, s9;
	s11 =	smax.u32 s11, $0x1;
	s0 =	smulhi.u32 $0x51EB851F, s20  }
0x88: {  	s12 =	smin.u32 s11, $0x80;
	s19 =	sadd.s32 s15, s19;
	_ =	swait.ge [sflag:s26], $0x4000  }
0x89: {  	s15 =	simm.s32 @!p1 $0x9;
	s13 =	sshra.s32 s13, $0x2;
	[sflag:s26] =	ssyncset.done $0x0  }
0x8a: {  	s24 =	sshll.u32 s12, $0x9;
	s9 =	smin.u32 s19, $0x80;
	[sflag:s26] =	ssyncadd.s32 $0xFFFFC000  }
0x8b: {  	s19 =	smul.u32 $0x280, s21;
	s11 =	sshrl.u32 s0, $0x6;
	_ =	swait.ge @!p1 [sflag:s15], $0x4000  }
0x8c: {  	s0 =	simm.s32 $0x80;
	s13 =	sadd.s32 s13, s29;
	s10 =	rddreg [dreg:$0x5]  }
0x8d: {  	s11 =	smul.u32 $0xC8, s11;
	[sflag:s15] =	ssyncset.done @!p1 $0x0;
	s12 =	sadd.s32 s10, s19  }
0x8e: {  	[sflag:s15] =	ssyncadd.s32 @!p1 $0xFFFFC000;
	s15 =	sadd.s32 $0x180, s19;
	s26 =	smulhi.u32 $0x51EB851F, s12  }
0x8f: {  	v0 =	vmov s13;
	[tilespmem:s28], [sflag:$0x4] =	stream.indirect.gather [spmem:s30], $0x80, s15, s0, $0xb8;
	[tilespmem:$0x1CD00] =	vst v63  }
0x90: {  	s11 =	sadd.s32 s11, s16;
	s26 =	sshrl.u32 s26, $0x6  }
0x91: {  	s11 =	smax.u32 s11, $0x1;
	s28 =	smul.u32 $0xC8, s26  }
0x92: {  	s11 =	smin.u32 s11, $0x80  }
0x93: {  	s26 =	sshll.u32 s11, $0x9;
	s11 =	ssub.s32 s12, s28;
	s28 =	simm.s32 $0x0  }
0x94: {  	v2 =	vld.idx.msk [tilespmem:v0+s28+$0x0 ss:$0x1], $0xffff  }
0x95: {  	v3 =	vld.idx.msk [tilespmem:v0+s28+$0x10 ss:$0x1], $0xffff  }
0x96: {  	v4 =	vld.idx.msk [tilespmem:v0+s28+$0x70 ss:$0x1], $0xffff  }
0x97: {  	v5 =	vld.idx.msk [tilespmem:v0+s28+$0x20 ss:$0x1], $0xffff  }
0x98: {  	v6 =	vld.idx.msk [tilespmem:v0+s28+$0x30 ss:$0x1], $0xffff  }
0x99: {  	v7 =	vld.idx.msk [tilespmem:v0+s28+$0x40 ss:$0x1], $0xffff  }
0x9a: {  	v8 =	vld.idx.msk [tilespmem:v0+s28+$0x50 ss:$0x1], $0xffff  }
0x9b: {  	v1 =	vld.idx.msk [tilespmem:v0+s28+$0x60 ss:$0x1], $0xffff  }
0x9c: {  	[tilespmem:s28+$0x1970] =	vst.add.f32.msk $0xffff, v4  }
0x9d: {  	s3 =	sshll.u32 s3, $0x7;
	p2 =	seq.s32 s26, $0x200;
	[tilespmem:s28+$0x1900] =	vst.add.f32.msk $0xffff, v2  }
.Ltmp4:
0x9e: {  	s3 =	sadd.s32 $0x1900, s3;
	s4 =	smax.u32 s4, $0x1;
	[tilespmem:s28+$0x1910] =	vst.add.f32.msk $0xffff, v3;
	(pc) =	sbr.rel @p2 .LBB2_4-.Ltmp4, $4  }
0x9f: {  	s4 =	smin.u32 s4, $0x80;
	s5 =	sshll.u32 s5, $0x7;
	[smem:$0x7FD] =	sst s29;
	[tilespmem:s28+$0x1920] =	vst.add.f32.msk $0xffff, v5  }
0xa0: {  	s4 =	sshll.u32 s4, $0x9;
	s5 =	sadd.s32 $0x1900, s5;
	[smem:$0x7FC] =	sst s15;
	[tilespmem:s28+$0x1930] =	vst.add.f32.msk $0xffff, v6  }
0xa1: {  	s15 =	sadd.s32 $0xFFFFFFFF, s9;
	s9 =	sshll.u32 s9, $0x7;
	s0 =	smov.u32 s25;
	[tilespmem:s28+$0x1940] =	vst.add.f32.msk $0xffff, v7  }
0xa2: {  	s25 =	smov.u32 s30;
	s13 =	sadd.s32 $0x1900, s9;
	s9 =	simm.s32 $0x200;
	[tilespmem:s28+$0x1950] =	vst.add.f32.msk $0xffff, v8  }
.LBB2_3:
0xa3: {  	[tilespmem:s28+$0x1960] =	vst.add.f32.msk $0xffff, v1;
	s28 =	sshra.s32 s9, $0x2  }
0xa4: {  	v2 =	vld.idx.msk [tilespmem:v0+s28+$0x0 ss:$0x1], $0xffff  }
0xa5: {  	s9 =	sadd.s32 $0x200, s9;
	v3 =	vld.idx.msk [tilespmem:v0+s28+$0x10 ss:$0x1], $0xffff  }
0xa6: {  	p2 =	seq.s32 s26, s9;
	v4 =	vld.idx.msk [tilespmem:v0+s28+$0x70 ss:$0x1], $0xffff  }
0xa7: {  	v5 =	vld.idx.msk [tilespmem:v0+s28+$0x20 ss:$0x1], $0xffff  }
0xa8: {  	v6 =	vld.idx.msk [tilespmem:v0+s28+$0x30 ss:$0x1], $0xffff  }
0xa9: {  	v7 =	vld.idx.msk [tilespmem:v0+s28+$0x40 ss:$0x1], $0xffff  }
0xaa: {  	v8 =	vld.idx.msk [tilespmem:v0+s28+$0x50 ss:$0x1], $0xffff  }
0xab: {  	v1 =	vld.idx.msk [tilespmem:v0+s28+$0x60 ss:$0x1], $0xffff  }
0xac: {  	[tilespmem:s28+$0x1970] =	vst.add.f32.msk $0xffff, v4  }
0xad: {  	[tilespmem:s28+$0x1900] =	vst.add.f32.msk $0xffff, v2  }
.Ltmp5:
0xae: {  	[tilespmem:s28+$0x1910] =	vst.add.f32.msk $0xffff, v3;
	(pc) =	sbr.rel @!p2 .LBB2_3-.Ltmp5, $4  }
0xaf: {  	[tilespmem:s28+$0x1920] =	vst.add.f32.msk $0xffff, v5  }
0xb0: {  	[tilespmem:s28+$0x1930] =	vst.add.f32.msk $0xffff, v6  }
0xb1: {  	[tilespmem:s28+$0x1940] =	vst.add.f32.msk $0xffff, v7  }
0xb2: {  	[tilespmem:s28+$0x1950] =	vst.add.f32.msk $0xffff, v8  }
.LBB2_4:
0xb3: {  	p2 =	sgt.u32 s11, $0x48  }
.Ltmp6:
0xb4: {  	_ = 	snop;
	(pc) =	sbr.rel @!p2 .LBB2_8-.Ltmp6, $4  }
0xb5: {  	_ = 	snop  }
0xb6: {  	s10 =	smov.u32 s7;
	s26 =	simm.s32 $0x0;
	s30 =	smov.u32 s25  }
0xb7: {  	[tilespmem:s28+$0x1960] =	vst.add.f32.msk $0xffff, v1;
	s28 =	simm.s32 $0x0;
	s29 =	simm.s32 $0x11900;
	s25 =	smov.u32 s0  }
0xb8: {  	s0 =	smov.u32 s31;
	s7 =	smov.u32 s14;
	s14 =	smov.u32 s8  }
0xb9: {  	s9 =	sshra.s32 s26, $0x2  }
0xba: {  	v1 =	vld [tilespmem:s9+$0x15900]  }
0xbb: {  	v2 =	vld [tilespmem:s9+$0x15910]  }
0xbc: {  	v3 =	vld [tilespmem:s9+$0x15920]  }
0xbd: {  	v4 =	vld [tilespmem:s9+$0x15970]  }
0xbe: {  	v5 =	vld [tilespmem:s9+$0x15930]  }
0xbf: {  	v6 =	vld [tilespmem:s9+$0x15940]  }
0xc0: {  	v7 =	vld [tilespmem:s9+$0x15950]  }
0xc1: {  	v0 =	vld [tilespmem:s9+$0x15960];
	s9 =	sadd.s32 s9, s13  }
0xc2: {  	s11 =	sadd.s32 $0x1, s15;
	[tilespmem:s9+$0x70] =	vst.add.f32.msk $0xffff, v4  }
0xc3: {  	p2 =	slt.u32 s11, $0x7F;
	[tilespmem:s9+$0x0] =	vst.add.f32.msk $0xffff, v1  }
.Ltmp7:
0xc4: {  	[tilespmem:s9+$0x10] =	vst.add.f32.msk $0xffff, v2;
	(pc) =	sbr.rel @!p2 .LBB2_7-.Ltmp7, $4  }
0xc5: {  	[tilespmem:s9+$0x20] =	vst.add.f32.msk $0xffff, v3  }
0xc6: {  	[tilespmem:s9+$0x30] =	vst.add.f32.msk $0xffff, v5  }
0xc7: {  	[tilespmem:s9+$0x40] =	vst.add.f32.msk $0xffff, v6  }
0xc8: {  	s15 =	sadd.s32 $0x200, s26;
	[tilespmem:s9+$0x50] =	vst.add.f32.msk $0xffff, v7  }
.LBB2_6:
0xc9: {  	s26 =	sshra.s32 s15, $0x2;
	[tilespmem:s9+$0x60] =	vst.add.f32.msk $0xffff, v0  }
0xca: {  	v1 =	vld [tilespmem:s26+$0x15900]  }
0xcb: {  	v2 =	vld [tilespmem:s26+$0x15910]  }
0xcc: {  	s11 =	sadd.s32 $0x1, s11;
	v3 =	vld [tilespmem:s26+$0x15920]  }
0xcd: {  	p2 =	slt.u32 s11, $0x7F;
	v4 =	vld [tilespmem:s26+$0x15970]  }
0xce: {  	v5 =	vld [tilespmem:s26+$0x15930]  }
0xcf: {  	v6 =	vld [tilespmem:s26+$0x15940]  }
0xd0: {  	v7 =	vld [tilespmem:s26+$0x15950]  }
0xd1: {  	s9 =	sadd.s32 s26, s13;
	v0 =	vld [tilespmem:s26+$0x15960]  }
0xd2: {  	[tilespmem:s9+$0x70] =	vst.add.f32.msk $0xffff, v4  }
0xd3: {  	[tilespmem:s9+$0x0] =	vst.add.f32.msk $0xffff, v1  }
.Ltmp8:
0xd4: {  	[tilespmem:s9+$0x10] =	vst.add.f32.msk $0xffff, v2;
	(pc) =	sbr.rel @p2 .LBB2_6-.Ltmp8, $4  }
0xd5: {  	[tilespmem:s9+$0x20] =	vst.add.f32.msk $0xffff, v3  }
0xd6: {  	[tilespmem:s9+$0x30] =	vst.add.f32.msk $0xffff, v5  }
0xd7: {  	[tilespmem:s9+$0x40] =	vst.add.f32.msk $0xffff, v6  }
0xd8: {  	s15 =	sadd.s32 $0x200, s15;
	[tilespmem:s9+$0x50] =	vst.add.f32.msk $0xffff, v7  }
.LBB2_7:
0xd9: {  	[tilespmem:s9+$0x60] =	vst.add.f32.msk $0xffff, v0  }
.LBB2_8:
0xda: {  	s9 =	sshll.u32 s12, $0x4;
	s26 =	rddreg [dreg:$0x2]  }
0xdb: {  	s11 =	simm.s32 $0x1900;
	s9 =	sadd.s32 s26, s9  }
0xdc: {  	[hbm4b:s9+s28] =	stream.linear.scatter [tilespmem:s11], [sflag:$0x6], $0x4000, $0x38;
	[tilespmem:$0x1CD00] =	vst v63  }
0xdd: {  	s11 =	simm.s32 $0x2  }
0xde: {  	_ =	swait.ge [sflag:s11], $0x4000  }
0xdf: {  	[sflag:s11] =	ssyncset.done $0x0  }
0xe0: {  	v0 =	vmov s17;
	s9 =	simm.s32 @!p1 $0xA;
	[sflag:s11] =	ssyncadd.s32 $0xFFFFC000  }
0xe1: {  	_ =	swait.ge @!p1 [sflag:s9], $0x4000  }
0xe2: {  	s31 =	sadd.s32 $0x200, s19;
	[sflag:s9] =	ssyncset.done @!p1 $0x0  }
0xe3: {  	s15 =	simm.s32 $0x80;
	s11 =	simm.s32 $0x0;
	[sflag:s9] =	ssyncadd.s32 @!p1 $0xFFFFC000  }
0xe4: {  	[tilespmem:s29], [sflag:$0x5] =	stream.indirect.gather [spmem:s30], $0x80, s31, s15, $0xb8;
	[tilespmem:$0x1CD00] =	vst v63  }
0xe5: {  	v2 =	vld.idx.msk [tilespmem:v0+s11+$0xFFFFFFC0 ss:$0x1], $0xffff  }
0xe6: {  	v3 =	vld.idx.msk [tilespmem:v0+s11+$0xFFFFFFD0 ss:$0x1], $0xffff  }
0xe7: {  	v4 =	vld.idx.msk [tilespmem:v0+s11+$0x30 ss:$0x1], $0xffff  }
0xe8: {  	v5 =	vld.idx.msk [tilespmem:v0+s11+$0xFFFFFFE0 ss:$0x1], $0xffff  }
0xe9: {  	v6 =	vld.idx.msk [tilespmem:v0+s11+$0xFFFFFFF0 ss:$0x1], $0xffff  }
0xea: {  	v7 =	vld.idx.msk [tilespmem:v0+s11+$0x0 ss:$0x1], $0xffff  }
0xeb: {  	v8 =	vld.idx.msk [tilespmem:v0+s11+$0x10 ss:$0x1], $0xffff  }
0xec: {  	s12 =	rddreg [dreg:$0x8];
	v1 =	vld.idx.msk [tilespmem:v0+s11+$0x20 ss:$0x1], $0xffff  }
0xed: {  	s12 =	sadd.s32 s19, s12;
	[tilespmem:s11+$0x5970] =	vst.add.f32.msk $0xffff, v4  }
0xee: {  	p1 =	seq.s32 s24, $0x200;
	s13 =	smulhi.u32 $0x51EB851F, s12;
	[tilespmem:s11+$0x5900] =	vst.add.f32.msk $0xffff, v2  }
.Ltmp9:
0xef: {  	[tilespmem:s11+$0x5910] =	vst.add.f32.msk $0xffff, v3;
	(pc) =	sbr.rel @p1 .LBB2_10-.Ltmp9, $4  }
0xf0: {  	s9 =	sshrl.u32 s13, $0x6;
	[tilespmem:s11+$0x5920] =	vst.add.f32.msk $0xffff, v5  }
0xf1: {  	s9 =	smul.u32 $0xC8, s9;
	[tilespmem:s11+$0x5930] =	vst.add.f32.msk $0xffff, v6  }
0xf2: {  	[tilespmem:s11+$0x5940] =	vst.add.f32.msk $0xffff, v7  }
0xf3: {  	s17 =	sld [smem:$0x7F1];
	s13 =	ssub.s32 s12, s9;
	s9 =	simm.s32 $0x200;
	[tilespmem:s11+$0x5950] =	vst.add.f32.msk $0xffff, v8  }
.LBB2_9:
0xf4: {  	[tilespmem:s11+$0x5960] =	vst.add.f32.msk $0xffff, v1;
	s11 =	sshra.s32 s9, $0x2  }
0xf5: {  	v2 =	vld.idx.msk [tilespmem:v0+s11+$0xFFFFFFC0 ss:$0x1], $0xffff  }
0xf6: {  	s9 =	sadd.s32 $0x200, s9;
	v3 =	vld.idx.msk [tilespmem:v0+s11+$0xFFFFFFD0 ss:$0x1], $0xffff  }
0xf7: {  	p1 =	seq.s32 s24, s9;
	v4 =	vld.idx.msk [tilespmem:v0+s11+$0x30 ss:$0x1], $0xffff  }
0xf8: {  	v5 =	vld.idx.msk [tilespmem:v0+s11+$0xFFFFFFE0 ss:$0x1], $0xffff  }
0xf9: {  	v6 =	vld.idx.msk [tilespmem:v0+s11+$0xFFFFFFF0 ss:$0x1], $0xffff  }
0xfa: {  	v7 =	vld.idx.msk [tilespmem:v0+s11+$0x0 ss:$0x1], $0xffff  }
0xfb: {  	v8 =	vld.idx.msk [tilespmem:v0+s11+$0x10 ss:$0x1], $0xffff  }
0xfc: {  	v1 =	vld.idx.msk [tilespmem:v0+s11+$0x20 ss:$0x1], $0xffff  }
0xfd: {  	[tilespmem:s11+$0x5970] =	vst.add.f32.msk $0xffff, v4  }
0xfe: {  	[tilespmem:s11+$0x5900] =	vst.add.f32.msk $0xffff, v2  }
.Ltmp10:
0xff: {  	[tilespmem:s11+$0x5910] =	vst.add.f32.msk $0xffff, v3;
	(pc) =	sbr.rel @!p1 .LBB2_9-.Ltmp10, $4  }
0x100: {  	[tilespmem:s11+$0x5920] =	vst.add.f32.msk $0xffff, v5  }
0x101: {  	[tilespmem:s11+$0x5930] =	vst.add.f32.msk $0xffff, v6  }
0x102: {  	[tilespmem:s11+$0x5940] =	vst.add.f32.msk $0xffff, v7  }
0x103: {  	[tilespmem:s11+$0x5950] =	vst.add.f32.msk $0xffff, v8  }
.LBB2_10:
0x104: {  	p1 =	sgt.u32 s13, $0x48  }
.Ltmp11:
0x105: {  	_ = 	snop;
	(pc) =	sbr.rel @!p1 .LBB2_14-.Ltmp11, $2  }
0x106: {  	_ =	sdelay $0x2  }
0x107: {  	[tilespmem:s11+$0x5960] =	vst.add.f32.msk $0xffff, v1;
	s13 =	simm.s32 $0x0;
	s24 =	sld [smem:$0x7F8]  }
0x108: {  	s9 =	sshra.s32 s13, $0x2  }
0x109: {  	v1 =	vld [tilespmem:s9+$0x15900]  }
0x10a: {  	v2 =	vld [tilespmem:s9+$0x15910]  }
0x10b: {  	v3 =	vld [tilespmem:s9+$0x15920]  }
0x10c: {  	v4 =	vld [tilespmem:s9+$0x15970]  }
0x10d: {  	v5 =	vld [tilespmem:s9+$0x15930]  }
0x10e: {  	s8 =	sld [smem:$0x7FA];
	v6 =	vld [tilespmem:s9+$0x15940]  }
0x10f: {  	v7 =	vld [tilespmem:s9+$0x15950]  }
0x110: {  	v0 =	vld [tilespmem:s9+$0x15960];
	s9 =	sadd.s32 s9, s23  }
0x111: {  	s11 =	sadd.s32 $0x1, s8;
	[tilespmem:s9+$0x4070] =	vst.add.f32.msk $0xffff, v4  }
0x112: {  	p1 =	slt.u32 s11, $0x7F;
	[tilespmem:s9+$0x4000] =	vst.add.f32.msk $0xffff, v1  }
.Ltmp12:
0x113: {  	[tilespmem:s9+$0x4010] =	vst.add.f32.msk $0xffff, v2;
	(pc) =	sbr.rel @!p1 .LBB2_13-.Ltmp12, $4  }
0x114: {  	[tilespmem:s9+$0x4020] =	vst.add.f32.msk $0xffff, v3  }
0x115: {  	[tilespmem:s9+$0x4030] =	vst.add.f32.msk $0xffff, v5  }
0x116: {  	[tilespmem:s9+$0x4040] =	vst.add.f32.msk $0xffff, v6  }
0x117: {  	s13 =	sadd.s32 $0x200, s13;
	[tilespmem:s9+$0x4050] =	vst.add.f32.msk $0xffff, v7  }
.LBB2_12:
0x118: {  	s15 =	sshra.s32 s13, $0x2;
	[tilespmem:s9+$0x4060] =	vst.add.f32.msk $0xffff, v0  }
0x119: {  	v1 =	vld [tilespmem:s15+$0x15900]  }
0x11a: {  	v2 =	vld [tilespmem:s15+$0x15910]  }
0x11b: {  	s11 =	sadd.s32 $0x1, s11;
	v3 =	vld [tilespmem:s15+$0x15920]  }
0x11c: {  	p1 =	slt.u32 s11, $0x7F;
	v4 =	vld [tilespmem:s15+$0x15970]  }
0x11d: {  	v5 =	vld [tilespmem:s15+$0x15930]  }
0x11e: {  	v6 =	vld [tilespmem:s15+$0x15940]  }
0x11f: {  	v7 =	vld [tilespmem:s15+$0x15950]  }
0x120: {  	s9 =	sadd.s32 s15, s23;
	v0 =	vld [tilespmem:s15+$0x15960]  }
0x121: {  	[tilespmem:s9+$0x4070] =	vst.add.f32.msk $0xffff, v4  }
0x122: {  	[tilespmem:s9+$0x4000] =	vst.add.f32.msk $0xffff, v1  }
.Ltmp13:
0x123: {  	[tilespmem:s9+$0x4010] =	vst.add.f32.msk $0xffff, v2;
	(pc) =	sbr.rel @p1 .LBB2_12-.Ltmp13, $4  }
0x124: {  	[tilespmem:s9+$0x4020] =	vst.add.f32.msk $0xffff, v3  }
0x125: {  	[tilespmem:s9+$0x4030] =	vst.add.f32.msk $0xffff, v5  }
0x126: {  	[tilespmem:s9+$0x4040] =	vst.add.f32.msk $0xffff, v6  }
0x127: {  	s13 =	sadd.s32 $0x200, s13;
	[tilespmem:s9+$0x4050] =	vst.add.f32.msk $0xffff, v7  }
.LBB2_13:
0x128: {  	[tilespmem:s9+$0x4060] =	vst.add.f32.msk $0xffff, v0  }
.LBB2_14:
0x129: {  	s9 =	sshll.u32 s12, $0x4  }
0x12a: {  	s11 =	simm.s32 $0x5900;
	s13 =	simm.s32 $0x3;
	s9 =	sadd.s32 s26, s9  }
0x12b: {  	[hbm4b:s9+s28] =	stream.linear.scatter [tilespmem:s11], [sflag:$0x7], $0x4000, $0x38;
	[tilespmem:$0x1CD00] =	vst v63  }
0x12c: {  	_ =	swait.ge [sflag:s13], $0x4000  }
0x12d: {  	p1 =	seq.s32 s21, $0x9;
	[sflag:s13] =	ssyncset.done $0x0  }
0x12e: {  	s9 =	simm.s32 @!p1 $0x6;
	[sflag:s13] =	ssyncadd.s32 $0xFFFFC000  }
0x12f: {  	_ =	swait.ge @!p1 [sflag:s9], $0x4000  }
0x130: {  	s8 =	sld [smem:$0x7F7];
	_ =	sdelay $0x1  }
0x131: {  	s11 =	smul.u32 @!p1 $0xA00, s21  }
0x132: {  	v0 =	vmov s8  }
0x133: {  	s23 =	sshra.s32 @!p1 s11, $0x2;
	s11 =	simm.s32 @!p1 $0x80;
	[sflag:s9] =	ssyncset.done @!p1 $0x0  }
0x134: {  	s13 =	simm.s32 @!p1 $0x1900;
	[sflag:s9] =	ssyncadd.s32 @!p1 $0xFFFFC000;
	s9 =	sadd.s32 @!p1 $0x280, s23  }
0x135: {  	[tilespmem:s13], [sflag:$0x1] =	stream.indirect.gather @!p1 [spmem:s30], $0x80, s9, s11, $0xb8;
	[tilespmem:$0x1CD00] =	vst v63  }
0x136: {  	s11 =	simm.s32 $0x0  }
0x137: {  	v2 =	vld.idx.msk [tilespmem:v0+s11+$0xFFFFFFC0 ss:$0x1], $0xffff  }
0x138: {  	v3 =	vld.idx.msk [tilespmem:v0+s11+$0xFFFFFFD0 ss:$0x1], $0xffff  }
0x139: {  	v4 =	vld.idx.msk [tilespmem:v0+s11+$0x30 ss:$0x1], $0xffff  }
0x13a: {  	v5 =	vld.idx.msk [tilespmem:v0+s11+$0xFFFFFFE0 ss:$0x1], $0xffff  }
0x13b: {  	v6 =	vld.idx.msk [tilespmem:v0+s11+$0xFFFFFFF0 ss:$0x1], $0xffff  }
0x13c: {  	v7 =	vld.idx.msk [tilespmem:v0+s11+$0x0 ss:$0x1], $0xffff  }
0x13d: {  	v8 =	vld.idx.msk [tilespmem:v0+s11+$0x10 ss:$0x1], $0xffff  }
0x13e: {  	s15 =	rddreg [dreg:$0xa];
	v1 =	vld.idx.msk [tilespmem:v0+s11+$0x20 ss:$0x1], $0xffff  }
0x13f: {  	s12 =	sadd.s32 s19, s15;
	[tilespmem:s11+$0x9970] =	vst.add.f32.msk $0xffff, v4  }
0x140: {  	p2 =	seq.s32 s18, $0x200;
	s15 =	smulhi.u32 $0x51EB851F, s12;
	[tilespmem:s11+$0x9900] =	vst.add.f32.msk $0xffff, v2  }
.Ltmp14:
0x141: {  	[tilespmem:s11+$0x9910] =	vst.add.f32.msk $0xffff, v3;
	(pc) =	sbr.rel @p2 .LBB2_16-.Ltmp14, $4  }
0x142: {  	s19 =	sshrl.u32 s15, $0x6;
	[tilespmem:s11+$0x9920] =	vst.add.f32.msk $0xffff, v5  }
0x143: {  	s9 =	smul.u32 $0xC8, s19;
	[tilespmem:s11+$0x9930] =	vst.add.f32.msk $0xffff, v6  }
0x144: {  	[tilespmem:s11+$0x9940] =	vst.add.f32.msk $0xffff, v7  }
0x145: {  	s19 =	sld [smem:$0x7EF];
	s13 =	ssub.s32 s12, s9;
	s9 =	simm.s32 $0x200;
	[tilespmem:s11+$0x9950] =	vst.add.f32.msk $0xffff, v8  }
.LBB2_15:
0x146: {  	[tilespmem:s11+$0x9960] =	vst.add.f32.msk $0xffff, v1;
	s11 =	sshra.s32 s9, $0x2  }
0x147: {  	v2 =	vld.idx.msk [tilespmem:v0+s11+$0xFFFFFFC0 ss:$0x1], $0xffff  }
0x148: {  	s9 =	sadd.s32 $0x200, s9;
	v3 =	vld.idx.msk [tilespmem:v0+s11+$0xFFFFFFD0 ss:$0x1], $0xffff  }
0x149: {  	p2 =	seq.s32 s18, s9;
	v4 =	vld.idx.msk [tilespmem:v0+s11+$0x30 ss:$0x1], $0xffff  }
0x14a: {  	v5 =	vld.idx.msk [tilespmem:v0+s11+$0xFFFFFFE0 ss:$0x1], $0xffff  }
0x14b: {  	v6 =	vld.idx.msk [tilespmem:v0+s11+$0xFFFFFFF0 ss:$0x1], $0xffff  }
0x14c: {  	v7 =	vld.idx.msk [tilespmem:v0+s11+$0x0 ss:$0x1], $0xffff  }
0x14d: {  	v8 =	vld.idx.msk [tilespmem:v0+s11+$0x10 ss:$0x1], $0xffff  }
0x14e: {  	v1 =	vld.idx.msk [tilespmem:v0+s11+$0x20 ss:$0x1], $0xffff  }
0x14f: {  	[tilespmem:s11+$0x9970] =	vst.add.f32.msk $0xffff, v4  }
0x150: {  	[tilespmem:s11+$0x9900] =	vst.add.f32.msk $0xffff, v2  }
.Ltmp15:
0x151: {  	[tilespmem:s11+$0x9910] =	vst.add.f32.msk $0xffff, v3;
	(pc) =	sbr.rel @!p2 .LBB2_15-.Ltmp15, $4  }
0x152: {  	[tilespmem:s11+$0x9920] =	vst.add.f32.msk $0xffff, v5  }
0x153: {  	[tilespmem:s11+$0x9930] =	vst.add.f32.msk $0xffff, v6  }
0x154: {  	[tilespmem:s11+$0x9940] =	vst.add.f32.msk $0xffff, v7  }
0x155: {  	[tilespmem:s11+$0x9950] =	vst.add.f32.msk $0xffff, v8  }
.LBB2_16:
0x156: {  	p2 =	sgt.u32 s13, $0x48  }
.Ltmp16:
0x157: {  	_ = 	snop;
	(pc) =	sbr.rel @!p2 .LBB2_20-.Ltmp16, $2  }
0x158: {  	_ =	sdelay $0x2  }
0x159: {  	[tilespmem:s11+$0x9960] =	vst.add.f32.msk $0xffff, v1;
	s13 =	simm.s32 $0x0;
	s18 =	sld [smem:$0x7F3]  }
0x15a: {  	s9 =	sshra.s32 s13, $0x2  }
0x15b: {  	v1 =	vld [tilespmem:s9+$0x15900]  }
0x15c: {  	v2 =	vld [tilespmem:s9+$0x15910]  }
0x15d: {  	v3 =	vld [tilespmem:s9+$0x15920]  }
0x15e: {  	v4 =	vld [tilespmem:s9+$0x15970]  }
0x15f: {  	v5 =	vld [tilespmem:s9+$0x15930]  }
0x160: {  	s8 =	sld [smem:$0x7F4];
	v6 =	vld [tilespmem:s9+$0x15940]  }
0x161: {  	v7 =	vld [tilespmem:s9+$0x15950]  }
0x162: {  	v0 =	vld [tilespmem:s9+$0x15960];
	s9 =	sadd.s32 s9, s5  }
0x163: {  	s11 =	sadd.s32 $0x1, s8;
	[tilespmem:s9+$0x8070] =	vst.add.f32.msk $0xffff, v4  }
0x164: {  	p2 =	slt.u32 s11, $0x7F;
	[tilespmem:s9+$0x8000] =	vst.add.f32.msk $0xffff, v1  }
.Ltmp17:
0x165: {  	[tilespmem:s9+$0x8010] =	vst.add.f32.msk $0xffff, v2;
	(pc) =	sbr.rel @!p2 .LBB2_19-.Ltmp17, $4  }
0x166: {  	[tilespmem:s9+$0x8020] =	vst.add.f32.msk $0xffff, v3  }
0x167: {  	[tilespmem:s9+$0x8030] =	vst.add.f32.msk $0xffff, v5  }
0x168: {  	[tilespmem:s9+$0x8040] =	vst.add.f32.msk $0xffff, v6  }
0x169: {  	s13 =	sadd.s32 $0x200, s13;
	[tilespmem:s9+$0x8050] =	vst.add.f32.msk $0xffff, v7  }
.LBB2_18:
0x16a: {  	s15 =	sshra.s32 s13, $0x2;
	[tilespmem:s9+$0x8060] =	vst.add.f32.msk $0xffff, v0  }
0x16b: {  	v1 =	vld [tilespmem:s15+$0x15900]  }
0x16c: {  	v2 =	vld [tilespmem:s15+$0x15910]  }
0x16d: {  	s11 =	sadd.s32 $0x1, s11;
	v3 =	vld [tilespmem:s15+$0x15920]  }
0x16e: {  	p2 =	slt.u32 s11, $0x7F;
	v4 =	vld [tilespmem:s15+$0x15970]  }
0x16f: {  	v5 =	vld [tilespmem:s15+$0x15930]  }
0x170: {  	v6 =	vld [tilespmem:s15+$0x15940]  }
0x171: {  	v7 =	vld [tilespmem:s15+$0x15950]  }
0x172: {  	s9 =	sadd.s32 s15, s5;
	v0 =	vld [tilespmem:s15+$0x15960]  }
0x173: {  	[tilespmem:s9+$0x8070] =	vst.add.f32.msk $0xffff, v4  }
0x174: {  	[tilespmem:s9+$0x8000] =	vst.add.f32.msk $0xffff, v1  }
.Ltmp18:
0x175: {  	[tilespmem:s9+$0x8010] =	vst.add.f32.msk $0xffff, v2;
	(pc) =	sbr.rel @p2 .LBB2_18-.Ltmp18, $4  }
0x176: {  	[tilespmem:s9+$0x8020] =	vst.add.f32.msk $0xffff, v3  }
0x177: {  	[tilespmem:s9+$0x8030] =	vst.add.f32.msk $0xffff, v5  }
0x178: {  	[tilespmem:s9+$0x8040] =	vst.add.f32.msk $0xffff, v6  }
0x179: {  	s13 =	sadd.s32 $0x200, s13;
	[tilespmem:s9+$0x8050] =	vst.add.f32.msk $0xffff, v7  }
.LBB2_19:
0x17a: {  	[tilespmem:s9+$0x8060] =	vst.add.f32.msk $0xffff, v0  }
.LBB2_20:
0x17b: {  	s5 =	sshll.u32 s12, $0x4  }
0x17c: {  	s9 =	simm.s32 $0x9900;
	s11 =	simm.s32 $0x4;
	s5 =	sadd.s32 s26, s5  }
0x17d: {  	[hbm4b:s5+s28] =	stream.linear.scatter [tilespmem:s9], [sflag:$0x8], $0x4000, $0x38;
	[tilespmem:$0x1CD00] =	vst v63  }
0x17e: {  	_ =	swait.ge [sflag:s11], $0x4000  }
0x17f: {  	[sflag:s11] =	ssyncset.done $0x0  }
0x180: {  	s5 =	simm.s32 @!p1 $0x7;
	[sflag:s11] =	ssyncadd.s32 $0xFFFFC000  }
0x181: {  	_ =	swait.ge @!p1 [sflag:s5], $0x4000  }
0x182: {  	s15 =	sld [smem:$0x7F2];
	_ =	sdelay $0x1  }
0x183: {  	s8 =	sld [smem:$0x7FC]  }
0x184: {  	s9 =	sadd.s32 @!p1 $0x300, s23;
	v0 =	vmov s15  }
0x185: {  	s11 =	simm.s32 @!p1 $0x80;
	[sflag:s5] =	ssyncset.done @!p1 $0x0;
	s12 =	rddreg [dreg:$0x5]  }
0x186: {  	[sflag:s5] =	ssyncadd.s32 @!p1 $0xFFFFC000;
	s5 =	sadd.s32 s12, s8;
	s12 =	simm.s32 @!p1 $0x5900  }
0x187: {  	[tilespmem:s12], [sflag:$0x2] =	stream.indirect.gather @!p1 [spmem:s30], $0x80, s9, s11, $0xb8;
	[tilespmem:$0x1CD00] =	vst v63  }
0x188: {  	s11 =	simm.s32 $0x0  }
0x189: {  	v2 =	vld.idx.msk [tilespmem:v0+s11+$0xFFFFFFC0 ss:$0x1], $0xffff  }
0x18a: {  	v3 =	vld.idx.msk [tilespmem:v0+s11+$0xFFFFFFD0 ss:$0x1], $0xffff  }
0x18b: {  	v4 =	vld.idx.msk [tilespmem:v0+s11+$0x30 ss:$0x1], $0xffff  }
0x18c: {  	v5 =	vld.idx.msk [tilespmem:v0+s11+$0xFFFFFFE0 ss:$0x1], $0xffff  }
0x18d: {  	v6 =	vld.idx.msk [tilespmem:v0+s11+$0xFFFFFFF0 ss:$0x1], $0xffff  }
0x18e: {  	v7 =	vld.idx.msk [tilespmem:v0+s11+$0x0 ss:$0x1], $0xffff  }
0x18f: {  	v8 =	vld.idx.msk [tilespmem:v0+s11+$0x10 ss:$0x1], $0xffff  }
0x190: {  	v1 =	vld.idx.msk [tilespmem:v0+s11+$0x20 ss:$0x1], $0xffff  }
0x191: {  	[tilespmem:s11+$0xD970] =	vst.add.f32.msk $0xffff, v4  }
0x192: {  	p2 =	seq.s32 s4, $0x200;
	s13 =	smulhi.u32 $0x51EB851F, s5;
	[tilespmem:s11+$0xD900] =	vst.add.f32.msk $0xffff, v2  }
.Ltmp19:
0x193: {  	[tilespmem:s11+$0xD910] =	vst.add.f32.msk $0xffff, v3;
	(pc) =	sbr.rel @p2 .LBB2_22-.Ltmp19, $4  }
0x194: {  	s13 =	sshrl.u32 s13, $0x6;
	[tilespmem:s11+$0xD920] =	vst.add.f32.msk $0xffff, v5  }
0x195: {  	s9 =	smul.u32 $0xC8, s13;
	[tilespmem:s11+$0xD930] =	vst.add.f32.msk $0xffff, v6  }
0x196: {  	s8 =	sld [smem:$0x7F5];
	[tilespmem:s11+$0xD940] =	vst.add.f32.msk $0xffff, v7  }
0x197: {  	s13 =	sld [smem:$0x7EE];
	s12 =	ssub.s32 s5, s9;
	s9 =	simm.s32 $0x200;
	[tilespmem:s11+$0xD950] =	vst.add.f32.msk $0xffff, v8  }
.LBB2_21:
0x198: {  	[tilespmem:s11+$0xD960] =	vst.add.f32.msk $0xffff, v1;
	s11 =	sshra.s32 s9, $0x2  }
0x199: {  	v2 =	vld.idx.msk [tilespmem:v0+s11+$0xFFFFFFC0 ss:$0x1], $0xffff  }
0x19a: {  	s9 =	sadd.s32 $0x200, s9;
	v3 =	vld.idx.msk [tilespmem:v0+s11+$0xFFFFFFD0 ss:$0x1], $0xffff  }
0x19b: {  	p2 =	seq.s32 s4, s9;
	v4 =	vld.idx.msk [tilespmem:v0+s11+$0x30 ss:$0x1], $0xffff  }
0x19c: {  	v5 =	vld.idx.msk [tilespmem:v0+s11+$0xFFFFFFE0 ss:$0x1], $0xffff  }
0x19d: {  	v6 =	vld.idx.msk [tilespmem:v0+s11+$0xFFFFFFF0 ss:$0x1], $0xffff  }
0x19e: {  	v7 =	vld.idx.msk [tilespmem:v0+s11+$0x0 ss:$0x1], $0xffff  }
0x19f: {  	v8 =	vld.idx.msk [tilespmem:v0+s11+$0x10 ss:$0x1], $0xffff  }
0x1a0: {  	v1 =	vld.idx.msk [tilespmem:v0+s11+$0x20 ss:$0x1], $0xffff  }
0x1a1: {  	[tilespmem:s11+$0xD970] =	vst.add.f32.msk $0xffff, v4  }
0x1a2: {  	[tilespmem:s11+$0xD900] =	vst.add.f32.msk $0xffff, v2  }
.Ltmp20:
0x1a3: {  	[tilespmem:s11+$0xD910] =	vst.add.f32.msk $0xffff, v3;
	(pc) =	sbr.rel @!p2 .LBB2_21-.Ltmp20, $4  }
0x1a4: {  	[tilespmem:s11+$0xD920] =	vst.add.f32.msk $0xffff, v5  }
0x1a5: {  	[tilespmem:s11+$0xD930] =	vst.add.f32.msk $0xffff, v6  }
0x1a6: {  	[tilespmem:s11+$0xD940] =	vst.add.f32.msk $0xffff, v7  }
0x1a7: {  	[tilespmem:s11+$0xD950] =	vst.add.f32.msk $0xffff, v8  }
.LBB2_22:
0x1a8: {  	p2 =	sgt.u32 s12, $0x48  }
.Ltmp21:
0x1a9: {  	_ = 	snop;
	(pc) =	sbr.rel @!p2 .LBB2_26-.Ltmp21, $2  }
0x1aa: {  	_ =	sdelay $0x2  }
0x1ab: {  	[tilespmem:s11+$0xD960] =	vst.add.f32.msk $0xffff, v1;
	s11 =	simm.s32 $0x0  }
0x1ac: {  	s4 =	sshra.s32 s11, $0x2  }
0x1ad: {  	v1 =	vld [tilespmem:s4+$0x15900]  }
0x1ae: {  	v2 =	vld [tilespmem:s4+$0x15910]  }
0x1af: {  	v3 =	vld [tilespmem:s4+$0x15920]  }
0x1b0: {  	v4 =	vld [tilespmem:s4+$0x15970]  }
0x1b1: {  	v5 =	vld [tilespmem:s4+$0x15930]  }
0x1b2: {  	s15 =	sld [smem:$0x7F0];
	v6 =	vld [tilespmem:s4+$0x15940]  }
0x1b3: {  	v7 =	vld [tilespmem:s4+$0x15950]  }
0x1b4: {  	v0 =	vld [tilespmem:s4+$0x15960];
	s9 =	sadd.s32 s4, s3  }
0x1b5: {  	s4 =	sadd.s32 $0x1, s15;
	[tilespmem:s9+$0xC070] =	vst.add.f32.msk $0xffff, v4  }
0x1b6: {  	p2 =	slt.u32 s4, $0x7F;
	[tilespmem:s9+$0xC000] =	vst.add.f32.msk $0xffff, v1  }
.Ltmp22:
0x1b7: {  	[tilespmem:s9+$0xC010] =	vst.add.f32.msk $0xffff, v2;
	(pc) =	sbr.rel @!p2 .LBB2_25-.Ltmp22, $4  }
0x1b8: {  	[tilespmem:s9+$0xC020] =	vst.add.f32.msk $0xffff, v3  }
0x1b9: {  	[tilespmem:s9+$0xC030] =	vst.add.f32.msk $0xffff, v5  }
0x1ba: {  	[tilespmem:s9+$0xC040] =	vst.add.f32.msk $0xffff, v6  }
0x1bb: {  	s11 =	sadd.s32 $0x200, s11;
	[tilespmem:s9+$0xC050] =	vst.add.f32.msk $0xffff, v7  }
.LBB2_24:
0x1bc: {  	s12 =	sshra.s32 s11, $0x2;
	[tilespmem:s9+$0xC060] =	vst.add.f32.msk $0xffff, v0  }
0x1bd: {  	v1 =	vld [tilespmem:s12+$0x15900]  }
0x1be: {  	v2 =	vld [tilespmem:s12+$0x15910]  }
0x1bf: {  	s4 =	sadd.s32 $0x1, s4;
	v3 =	vld [tilespmem:s12+$0x15920]  }
0x1c0: {  	p2 =	slt.u32 s4, $0x7F;
	v4 =	vld [tilespmem:s12+$0x15970]  }
0x1c1: {  	v5 =	vld [tilespmem:s12+$0x15930]  }
0x1c2: {  	v6 =	vld [tilespmem:s12+$0x15940]  }
0x1c3: {  	v7 =	vld [tilespmem:s12+$0x15950]  }
0x1c4: {  	s9 =	sadd.s32 s12, s3;
	v0 =	vld [tilespmem:s12+$0x15960]  }
0x1c5: {  	[tilespmem:s9+$0xC070] =	vst.add.f32.msk $0xffff, v4  }
0x1c6: {  	[tilespmem:s9+$0xC000] =	vst.add.f32.msk $0xffff, v1  }
.Ltmp23:
0x1c7: {  	[tilespmem:s9+$0xC010] =	vst.add.f32.msk $0xffff, v2;
	(pc) =	sbr.rel @p2 .LBB2_24-.Ltmp23, $4  }
0x1c8: {  	[tilespmem:s9+$0xC020] =	vst.add.f32.msk $0xffff, v3  }
0x1c9: {  	[tilespmem:s9+$0xC030] =	vst.add.f32.msk $0xffff, v5  }
0x1ca: {  	[tilespmem:s9+$0xC040] =	vst.add.f32.msk $0xffff, v6  }
0x1cb: {  	s11 =	sadd.s32 $0x200, s11;
	[tilespmem:s9+$0xC050] =	vst.add.f32.msk $0xffff, v7  }
.LBB2_25:
0x1cc: {  	[tilespmem:s9+$0xC060] =	vst.add.f32.msk $0xffff, v0  }
.LBB2_26:
0x1cd: {  	s3 =	sshll.u32 s5, $0x4  }
0x1ce: {  	s4 =	simm.s32 $0xD900;
	s12 =	simm.s32 $0x5;
	s3 =	sadd.s32 s26, s3  }
0x1cf: {  	[hbm4b:s3+s28] =	stream.linear.scatter [tilespmem:s4], [sflag:$0x9], $0x4000, $0x38;
	[tilespmem:$0x1CD00] =	vst v63  }
0x1d0: {  	_ =	swait.ge [sflag:s12], $0x4000  }
0x1d1: {  	[sflag:s12] =	ssyncset.done $0x0  }
0x1d2: {  	s3 =	simm.s32 @!p1 $0x8;
	[sflag:s12] =	ssyncadd.s32 $0xFFFFC000  }
0x1d3: {  	_ =	swait.ge @!p1 [sflag:s3], $0x4000  }
0x1d4: {  	[sflag:s3] =	ssyncset.done @!p1 $0x0;
	s15 =	rddreg [dreg:$0x5]  }
0x1d5: {  	[sflag:s3] =	ssyncadd.s32 @!p1 $0xFFFFC000;
	s3 =	sadd.s32 s15, s31;
	s31 =	sld [smem:$0x7ED]  }
0x1d6: {  	_ =	sdelay $0x1  }
0x1d7: {  	v0 =	vmov s31;
	_ =	sdelay $0x1  }
0x1d8: {  	s5 =	simm.s32 @!p1 $0x80;
	s9 =	simm.s32 @!p1 $0x9900;
	s4 =	sadd.s32 @!p1 $0x380, s23  }
0x1d9: {  	[tilespmem:s9], [sflag:$0x3] =	stream.indirect.gather @!p1 [spmem:s30], $0x80, s4, s5, $0xb8;
	[tilespmem:$0x1CD00] =	vst v63  }
0x1da: {  	s5 =	simm.s32 $0x0  }
0x1db: {  	v2 =	vld.idx.msk [tilespmem:v0+s5+$0xFFFFFFC0 ss:$0x1], $0xffff  }
0x1dc: {  	v3 =	vld.idx.msk [tilespmem:v0+s5+$0xFFFFFFD0 ss:$0x1], $0xffff  }
0x1dd: {  	v4 =	vld.idx.msk [tilespmem:v0+s5+$0x30 ss:$0x1], $0xffff  }
0x1de: {  	v5 =	vld.idx.msk [tilespmem:v0+s5+$0xFFFFFFE0 ss:$0x1], $0xffff  }
0x1df: {  	v6 =	vld.idx.msk [tilespmem:v0+s5+$0xFFFFFFF0 ss:$0x1], $0xffff  }
0x1e0: {  	v7 =	vld.idx.msk [tilespmem:v0+s5+$0x0 ss:$0x1], $0xffff  }
0x1e1: {  	v8 =	vld.idx.msk [tilespmem:v0+s5+$0x10 ss:$0x1], $0xffff  }
0x1e2: {  	v1 =	vld.idx.msk [tilespmem:v0+s5+$0x20 ss:$0x1], $0xffff  }
0x1e3: {  	[tilespmem:s5+$0x11970] =	vst.add.f32.msk $0xffff, v4  }
0x1e4: {  	s11 =	smulhi.u32 $0x51EB851F, s3;
	p1 =	seq.s32 s1, $0x200;
	[tilespmem:s5+$0x11900] =	vst.add.f32.msk $0xffff, v2  }
.Ltmp24:
0x1e5: {  	[tilespmem:s5+$0x11910] =	vst.add.f32.msk $0xffff, v3;
	(pc) =	sbr.rel @p1 .LBB2_28-.Ltmp24, $4  }
0x1e6: {  	s23 =	sshrl.u32 s11, $0x6;
	[tilespmem:s5+$0x11920] =	vst.add.f32.msk $0xffff, v5  }
0x1e7: {  	s12 =	rddreg [dreg:$0x1f];
	s4 =	smul.u32 $0xC8, s23;
	[tilespmem:s5+$0x11930] =	vst.add.f32.msk $0xffff, v6  }
0x1e8: {  	s11 =	sld [smem:$0x7EB];
	[tilespmem:s5+$0x11940] =	vst.add.f32.msk $0xffff, v7  }
0x1e9: {  	s9 =	simm.s32 $0x200;
	s23 =	sld [smem:$0x7F6];
	s4 =	ssub.s32 s3, s4;
	[tilespmem:s5+$0x11950] =	vst.add.f32.msk $0xffff, v8  }
.LBB2_27:
0x1ea: {  	[tilespmem:s5+$0x11960] =	vst.add.f32.msk $0xffff, v1;
	s5 =	sshra.s32 s9, $0x2  }
0x1eb: {  	v2 =	vld.idx.msk [tilespmem:v0+s5+$0xFFFFFFC0 ss:$0x1], $0xffff  }
0x1ec: {  	s9 =	sadd.s32 $0x200, s9;
	v3 =	vld.idx.msk [tilespmem:v0+s5+$0xFFFFFFD0 ss:$0x1], $0xffff  }
0x1ed: {  	p1 =	seq.s32 s1, s9;
	v4 =	vld.idx.msk [tilespmem:v0+s5+$0x30 ss:$0x1], $0xffff  }
0x1ee: {  	v5 =	vld.idx.msk [tilespmem:v0+s5+$0xFFFFFFE0 ss:$0x1], $0xffff  }
0x1ef: {  	v6 =	vld.idx.msk [tilespmem:v0+s5+$0xFFFFFFF0 ss:$0x1], $0xffff  }
0x1f0: {  	v7 =	vld.idx.msk [tilespmem:v0+s5+$0x0 ss:$0x1], $0xffff  }
0x1f1: {  	v8 =	vld.idx.msk [tilespmem:v0+s5+$0x10 ss:$0x1], $0xffff  }
0x1f2: {  	v1 =	vld.idx.msk [tilespmem:v0+s5+$0x20 ss:$0x1], $0xffff  }
0x1f3: {  	[tilespmem:s5+$0x11970] =	vst.add.f32.msk $0xffff, v4  }
0x1f4: {  	[tilespmem:s5+$0x11900] =	vst.add.f32.msk $0xffff, v2  }
.Ltmp25:
0x1f5: {  	[tilespmem:s5+$0x11910] =	vst.add.f32.msk $0xffff, v3;
	(pc) =	sbr.rel @!p1 .LBB2_27-.Ltmp25, $4  }
0x1f6: {  	[tilespmem:s5+$0x11920] =	vst.add.f32.msk $0xffff, v5  }
0x1f7: {  	[tilespmem:s5+$0x11930] =	vst.add.f32.msk $0xffff, v6  }
0x1f8: {  	[tilespmem:s5+$0x11940] =	vst.add.f32.msk $0xffff, v7  }
0x1f9: {  	[tilespmem:s5+$0x11950] =	vst.add.f32.msk $0xffff, v8  }
.LBB2_28:
0x1fa: {  	p1 =	sgt.u32 s4, $0x48  }
.Ltmp26:
0x1fb: {  	_ = 	snop;
	(pc) =	sbr.rel @!p1 .LBB2_32-.Ltmp26, $2  }
0x1fc: {  	_ =	sdelay $0x2  }
0x1fd: {  	[tilespmem:s5+$0x11960] =	vst.add.f32.msk $0xffff, v1;
	s4 =	simm.s32 $0x0  }
0x1fe: {  	s1 =	sshra.s32 s4, $0x2  }
0x1ff: {  	v1 =	vld [tilespmem:s1+$0x15900]  }
0x200: {  	v2 =	vld [tilespmem:s1+$0x15910]  }
0x201: {  	v3 =	vld [tilespmem:s1+$0x15920]  }
0x202: {  	v4 =	vld [tilespmem:s1+$0x15970]  }
0x203: {  	v5 =	vld [tilespmem:s1+$0x15930]  }
0x204: {  	s31 =	sld [smem:$0x7EA];
	v6 =	vld [tilespmem:s1+$0x15940]  }
0x205: {  	v7 =	vld [tilespmem:s1+$0x15950]  }
0x206: {  	v0 =	vld [tilespmem:s1+$0x15960];
	s5 =	sadd.s32 s1, s22  }
0x207: {  	s1 =	sadd.s32 $0x1, s31;
	[tilespmem:s5+$0x10070] =	vst.add.f32.msk $0xffff, v4  }
0x208: {  	p1 =	slt.u32 s1, $0x7F;
	[tilespmem:s5+$0x10000] =	vst.add.f32.msk $0xffff, v1  }
.Ltmp27:
0x209: {  	[tilespmem:s5+$0x10010] =	vst.add.f32.msk $0xffff, v2;
	(pc) =	sbr.rel @!p1 .LBB2_31-.Ltmp27, $4  }
0x20a: {  	[tilespmem:s5+$0x10020] =	vst.add.f32.msk $0xffff, v3  }
0x20b: {  	[tilespmem:s5+$0x10030] =	vst.add.f32.msk $0xffff, v5  }
0x20c: {  	[tilespmem:s5+$0x10040] =	vst.add.f32.msk $0xffff, v6  }
0x20d: {  	s4 =	sadd.s32 $0x200, s4;
	[tilespmem:s5+$0x10050] =	vst.add.f32.msk $0xffff, v7  }
.LBB2_30:
0x20e: {  	s9 =	sshra.s32 s4, $0x2;
	[tilespmem:s5+$0x10060] =	vst.add.f32.msk $0xffff, v0  }
0x20f: {  	v1 =	vld [tilespmem:s9+$0x15900]  }
0x210: {  	v2 =	vld [tilespmem:s9+$0x15910]  }
0x211: {  	s1 =	sadd.s32 $0x1, s1;
	v3 =	vld [tilespmem:s9+$0x15920]  }
0x212: {  	p1 =	slt.u32 s1, $0x7F;
	v4 =	vld [tilespmem:s9+$0x15970]  }
0x213: {  	v5 =	vld [tilespmem:s9+$0x15930]  }
0x214: {  	v6 =	vld [tilespmem:s9+$0x15940]  }
0x215: {  	v7 =	vld [tilespmem:s9+$0x15950]  }
0x216: {  	s5 =	sadd.s32 s9, s22;
	v0 =	vld [tilespmem:s9+$0x15960]  }
0x217: {  	[tilespmem:s5+$0x10070] =	vst.add.f32.msk $0xffff, v4  }
0x218: {  	[tilespmem:s5+$0x10000] =	vst.add.f32.msk $0xffff, v1  }
.Ltmp28:
0x219: {  	[tilespmem:s5+$0x10010] =	vst.add.f32.msk $0xffff, v2;
	(pc) =	sbr.rel @p1 .LBB2_30-.Ltmp28, $4  }
0x21a: {  	[tilespmem:s5+$0x10020] =	vst.add.f32.msk $0xffff, v3  }
0x21b: {  	[tilespmem:s5+$0x10030] =	vst.add.f32.msk $0xffff, v5  }
0x21c: {  	[tilespmem:s5+$0x10040] =	vst.add.f32.msk $0xffff, v6  }
0x21d: {  	s4 =	sadd.s32 $0x200, s4;
	[tilespmem:s5+$0x10050] =	vst.add.f32.msk $0xffff, v7  }
.Ltmp29:
0x21e: {  	_ = 	snop;
	(pc) =	sbr.rel .LBB2_31-.Ltmp29, $1  }
0x21f: {  	_ =	sdelay $0x3  }
.LBB2_34:
0x220: {  	_ =	sfence.sel $0x180000  }
0x221: {  	[bflag:$0x0] =	sbarrier.arrive $0xFFFF  }
0x222: {  	_ =	strace $0x90000047  }
0x223: {  	[bflag:$0x2] =	sbarrier.arrive $0xFFFF  }
0x224: {  	s0 =	rddreg [dreg:$0x4]  }
0x225: {  	s0 =	sadd.s32 @!p0 $0x100000, s0  }
0x226: {  	[sflag:s0] =	ssyncadd.tile.s32 @!p0 $0x1;
	_ =	shalt  }
.Lfunc_end2:
_tile_overlayer_lowered:
.L_overlay_start_2:
0x227: {  	(tag) =	ssettag $0x2  }
0x228: {  	s0 =	rddreg [dreg:$0x0];
	s2 =	stileid.u32  }
0x229: {  	s1 =	rddreg [dreg:$0x1];
	p0 =	sne.s32 s2, $0x0  }
0x22a: {  	s3 =	rddreg [dreg:$0x2];
	[bflag:$0x3] =	sbarrier.arrive $0xFFFF;
	s2 =	simm.s32 @!p0 $0x1C0B  }
0x22b: {  	[timem:s3], [sflag:s2] =	dma.local @!p0 [hbm:s0], s1  }
0x22c: {  	s0 =	simm.s32 @!p0 $0xB  }
0x22d: {  	_ =	swait.ge @!p0 [sflag:s0], s1  }
0x22e: {  	s1 =	ssub.s32 @!p0 $0x0, s1;
	[sflag:s0] =	ssyncset.done @!p0 $0x0  }
0x22f: {  	[sflag:s0] =	ssyncadd.s32 @!p0 s1  }
0x230: {  	[bflag:$0x3] =	sbarrier.arrive $0xFFFF  }
0x231: {  	_ =	shalt  }

</sc_bundles>
